<compile_context>
chip_gen: v7x
topology: tpu7x:2x2x1
jax: 0.10.2.dev20260603
libtpu: 0.0.44.dev20260713+nightly
codegen_flags: <defaults>
</compile_context>

<pallas_src>
import functools

import jax
import jax.numpy as jnp
from jax import lax
from jax.experimental import pallas as pl
from jax.experimental.pallas import tpu as pltpu
from jax.experimental.pallas import tpu_sc as plsc

_NC = 2
_NS = 16
_NW = _NC * _NS

_SQRT_HALF = 0.7071067811865476


def _gelu(t):
    return 0.5 * t * (1.0 + lax.erf(t * _SQRT_HALF))




def _proj_nodes_body(x_ref, w_ref, psrc_ref, pdst_ref):
    p = lax.dot_general(x_ref[...], w_ref[...], (((1,), (1,)), ((), ())),
                        preferred_element_type=jnp.float32)
    de = psrc_ref.shape[-1]
    psrc_ref[...] = p[:, :de]
    pdst_ref[...] = p[:, de:]


def _edge_proj_body(ef_ref, k_ref, b_ref, out_ref):
    out_ref[...] = (
        lax.dot_general(ef_ref[...], k_ref[...], (((1,), (0,)), ((), ())),
                        preferred_element_type=jnp.float32)
        + b_ref[...]
    )


def _edge_mlp2_body(h_ref, ef_ref, k1_ref, b1_ref, k2_ref, b2_ref, out_ref):
    t = (
        h_ref[...]
        + lax.dot_general(ef_ref[...], k1_ref[...], (((1,), (0,)), ((), ())),
                          preferred_element_type=jnp.float32)
        + b1_ref[...]
    )
    out_ref[...] = (
        lax.dot_general(_gelu(t), k2_ref[...], (((1,), (0,)), ((), ())),
                        preferred_element_type=jnp.float32)
        + b2_ref[...]
    )


def _node_mlp_body(x_ref, p_ref, w3a_ref, w3b_ref, b3_ref, w4_ref, b4_ref,
                   out_ref):
    x = x_ref[...]
    agg = p_ref[0] + p_ref[1]
    t = (
        lax.dot_general(x, w3a_ref[...], (((1,), (1,)), ((), ())),
                        preferred_element_type=jnp.float32)
        + lax.dot_general(agg, w3b_ref[...], (((1,), (1,)), ((), ())),
                          preferred_element_type=jnp.float32)
        + b3_ref[...]
    )
    h2 = _gelu(t)
    out_ref[...] = (
        x
        + lax.dot_general(h2, w4_ref[...], (((1,), (1,)), ((), ())),
                          preferred_element_type=jnp.float32)
        + b4_ref[...]
    )



_SUP_E = 1024
_SUP_I = _SUP_E // 128
_SUP_P = _SUP_E // 8


def _make_gather_kernel(n_nodes, n_edges, de):
    rows_p = n_edges // 8
    n_sup = n_edges // _SUP_E
    tail_i = (n_edges - n_sup * _SUP_E) // 128
    base_cnt = n_sup // _NW
    extra = n_sup % _NW
    mesh = plsc.VectorSubcoreMesh(core_axis_name="c", subcore_axis_name="s",
                                  num_cores=_NC, num_subcores=_NS)

    @functools.partial(
        pl.kernel,
        mesh=mesh,
        out_type=jax.ShapeDtypeStruct((n_edges, de), jnp.float32),
        scratch_types=[
            pltpu.VMEM((_SUP_E,), jnp.int32),
            pltpu.VMEM((_SUP_E,), jnp.int32),
            pltpu.VMEM((_SUP_E, de), jnp.float32),
            pltpu.SemaphoreType.DMA,
        ],
        compiler_params=pltpu.CompilerParams(use_tc_tiling_on_sc=False),
    )
    def gather_k(psrc_hbm, pdst_hbm, eidx_hbm, out_hbm,
                 sidx_v, didx_v, h_v, sem):
        wid = lax.axis_index("s") * _NC + lax.axis_index("c")
        cnt = jnp.where(wid < extra, base_cnt + 1, base_cnt)

        def run_super(eb, n_i):
            pltpu.sync_copy(eidx_hbm.at[0, pl.ds(eb, n_i * 128)],
                            sidx_v.at[pl.ds(0, n_i * 128)])
            pltpu.sync_copy(eidx_hbm.at[1, pl.ds(eb, n_i * 128)],
                            didx_v.at[pl.ds(0, n_i * 128)])
            descs = []
            for c in range(n_i):
                descs.append(pltpu.async_copy(
                    psrc_hbm.at[sidx_v.at[pl.ds(c * 128, 128)]],
                    h_v.at[pl.ds(c * 128, 128), :], sem))
            for d in descs:
                d.wait()
            descs = []
            for c in range(n_i):
                descs.append(pltpu.async_copy(
                    pdst_hbm.at[didx_v.at[pl.ds(c * 128, 128)]],
                    h_v.at[pl.ds(c * 128, 128), :], sem, add=True))
            for d in descs:
                d.wait()
            pltpu.sync_copy(h_v.at[pl.ds(0, n_i * 128), :],
                            out_hbm.at[pl.ds(eb, n_i * 128), :])

        def super_body(k, carry):
            s = wid + k * _NW
            run_super(pl.multiple_of(s * _SUP_E, 8), _SUP_I)
            return carry

        lax.fori_loop(0, cnt, super_body, 0)
        if tail_i:
            @pl.when(wid == _NW - 1)
            def _():
                run_super(n_sup * _SUP_E, tail_i)

    return gather_k


def _make_scatter_kernel(n_pad, n_edges, de):
    n_sup = n_edges // _SUP_E
    tail_i = (n_edges - n_sup * _SUP_E) // 128
    base_cnt = n_sup // _NW
    extra = n_sup % _NW
    nrows = n_pad // _NS
    mesh = plsc.VectorSubcoreMesh(core_axis_name="c", subcore_axis_name="s",
                                  num_cores=_NC, num_subcores=_NS)

    @functools.partial(
        pl.kernel,
        mesh=mesh,
        out_type=jax.ShapeDtypeStruct((_NC, n_pad, de), jnp.float32),
        scratch_types=[
            pltpu.VMEM((_SUP_I, 128), jnp.int32),
            pltpu.VMEM((_SUP_E, de), jnp.float32),
            pltpu.VMEM_SHARED((n_pad, de), jnp.float32),
            pltpu.SemaphoreType.DMA,
        ],
        compiler_params=pltpu.CompilerParams(use_tc_tiling_on_sc=False),
    )
    def scatter_k(msg_hbm, didx_hbm, out_hbm, didx_v, msg_v, acc_sh, sem):
        cid = lax.axis_index("c")
        sid = lax.axis_index("s")
        wid = sid * _NC + cid
        cnt = jnp.where(wid < extra, base_cnt + 1, base_cnt)
        rbase = pl.multiple_of(sid * nrows, 8)

        def zrow(j, c):
            msg_v[j, :] = jnp.zeros((de,), jnp.float32)
            return c

        lax.fori_loop(0, nrows, zrow, 0)
        pltpu.sync_copy(msg_v.at[pl.ds(0, nrows), :],
                        acc_sh.at[pl.ds(rbase, nrows), :])
        plsc.subcore_barrier()

        def run_super(ir, eb, n_i):
            pltpu.sync_copy(didx_hbm.at[pl.ds(ir, n_i), :],
                            didx_v.at[pl.ds(0, n_i), :])
            pltpu.sync_copy(msg_hbm.at[pl.ds(eb, n_i * 128), :],
                            msg_v.at[pl.ds(0, n_i * 128), :])
            descs = []
            for c in range(n_i):
                descs.append(pltpu.async_copy(
                    msg_v.at[pl.ds(c * 128, 128), :],
                    acc_sh.at[didx_v.at[c]], sem, add=True))
            for d in descs:
                d.wait()

        def super_body(k, carry):
            s = wid + k * _NW
            run_super(pl.multiple_of(s * _SUP_I, 8),
                      pl.multiple_of(s * _SUP_E, 8), _SUP_I)
            return carry

        lax.fori_loop(0, cnt, super_body, 0)
        if tail_i:
            @pl.when(wid == _NW - 1)
            def _():
                run_super(n_sup * _SUP_I, n_sup * _SUP_E, tail_i)
        plsc.subcore_barrier()
        pltpu.sync_copy(acc_sh.at[pl.ds(rbase, nrows), :],
                        out_hbm.at[cid, pl.ds(rbase, nrows), :])

    return scatter_k




def kernel(x, edge_index, edge_features, W1, b1, W2, b2, W3, b3, W4, b4):
    bsz, n, d = x.shape
    e = edge_index.shape[1]
    de = edge_features.shape[1]
    assert bsz == 1 and d == 128 and de == 16
    assert e % 1024 in (0, 512) and e % 128 == 0 and n % _NS == 0

    w1ab = jnp.concatenate([W1[:, :d], W1[:, d:2 * d]], axis=0)
    w1c_t = W1[:, 2 * d:].T
    eye8 = jnp.eye(8, dtype=jnp.float32)
    k1 = jnp.kron(eye8, w1c_t)
    b1t = jnp.tile(b1, 8)[None, :]
    k2 = jnp.kron(eye8, W2.T)
    b2t = jnp.tile(b2, 8)[None, :]
    w3a = W3[:, :d]
    w3b = W3[:, d:]
    b3t = b3[None, :]
    b4t = b4[None, :]

    x2d = x[0]
    didx = edge_index[1].reshape(e // 128, 128)
    ef_p = edge_features.reshape(e // 8, 8 * de)
    n_pad = ((n + _NS * 8 - 1) // (_NS * 8)) * _NS * 8

    f32 = jnp.float32
    row_blk = 1000
    a1_blk = 2000
    ep_blk = 2000
    n_grid = n // row_blk
    a1_grid = n // a1_blk
    ep_grid = (e // 8) // ep_blk

    psrc, pdst = pl.pallas_call(
        _proj_nodes_body,
        grid=(a1_grid,),
        in_specs=[
            pl.BlockSpec((a1_blk, d), lambda i: (i, 0)),
            pl.BlockSpec((2 * de, d), lambda i: (0, 0)),
        ],
        out_specs=[
            pl.BlockSpec((a1_blk, de), lambda i: (i, 0)),
            pl.BlockSpec((a1_blk, de), lambda i: (i, 0)),
        ],
        out_shape=[jax.ShapeDtypeStruct((n, de), f32)] * 2,
    )(x2d, w1ab)

    h = _make_gather_kernel(n, e, de)(psrc, pdst, edge_index)
    h_p = h.reshape(e // 8, 8 * de)

    msg_p = pl.pallas_call(
        _edge_mlp2_body,
        grid=(ep_grid,),
        in_specs=[
            pl.BlockSpec((ep_blk, 8 * de), lambda i: (i, 0)),
            pl.BlockSpec((ep_blk, 8 * de), lambda i: (i, 0)),
            pl.BlockSpec((8 * de, 8 * de), lambda i: (0, 0)),
            pl.BlockSpec((1, 8 * de), lambda i: (0, 0)),
            pl.BlockSpec((8 * de, 8 * de), lambda i: (0, 0)),
            pl.BlockSpec((1, 8 * de), lambda i: (0, 0)),
        ],
        out_specs=pl.BlockSpec((ep_blk, 8 * de), lambda i: (i, 0)),
        out_shape=jax.ShapeDtypeStruct((e // 8, 8 * de), f32),
    )(h_p, ef_p, k1, b1t, k2, b2t)

    partials = _make_scatter_kernel(n_pad, e, de)(msg_p.reshape(e, de), didx)

    out2d = pl.pallas_call(
        _node_mlp_body,
        grid=(n_grid,),
        in_specs=[
            pl.BlockSpec((row_blk, d), lambda i: (i, 0)),
            pl.BlockSpec((_NC, row_blk, de), lambda i: (0, i, 0)),
            pl.BlockSpec((d, d), lambda i: (0, 0)),
            pl.BlockSpec((d, de), lambda i: (0, 0)),
            pl.BlockSpec((1, d), lambda i: (0, 0)),
            pl.BlockSpec((d, d), lambda i: (0, 0)),
            pl.BlockSpec((1, d), lambda i: (0, 0)),
        ],
        out_specs=pl.BlockSpec((row_blk, d), lambda i: (i, 0)),
        out_shape=jax.ShapeDtypeStruct((n, d), f32),
    )(x2d, partials, w3a, w3b, b3t, W4, b4t)

    return out2d[None]

# --- scband reference (transcript-rebuilt; emitter-appended) ---
"""Pipeline reference for scband-message-passing-18872086298992 (READ-ONLY COPY).

The authoritative reference and input builder live on the scoring server;
editing this copy changes nothing except your own understanding.
"""

import jax, jax.numpy as jnp
import numpy as np

N = 10000
E = 320000
D = 128
DE = 16
B = 1


def setup_inputs(seed: int = 0) -> dict:
    key = jax.random.key(seed)
    ks = jax.random.split(key, 12)
    x = jax.random.normal(ks[0], (B, N, D), dtype=jnp.float32)
    edge_index = jax.random.randint(ks[1], (2, E), 0, N, dtype=jnp.int32)
    edge_features = jax.random.normal(ks[2], (E, DE), dtype=jnp.float32)
    # mlp_e_m2m: Linear(2*D+DE -> DE), GELU, Linear(DE -> DE)
    in1 = 2 * D + DE
    W1 = jax.random.normal(ks[3], (DE, in1), dtype=jnp.float32) / np.sqrt(in1)
    b1 = jnp.zeros((DE,), dtype=jnp.float32)
    W2 = jax.random.normal(ks[4], (DE, DE), dtype=jnp.float32) / np.sqrt(DE)
    b2 = jnp.zeros((DE,), dtype=jnp.float32)
    # mlp_vm_m2m: Linear(D+DE -> D), GELU, Linear(D -> D)
    in3 = D + DE
    W3 = jax.random.normal(ks[5], (D, in3), dtype=jnp.float32) / np.sqrt(in3)
    b3 = jnp.zeros((D,), dtype=jnp.float32)
    W4 = jax.random.normal(ks[6], (D, D), dtype=jnp.float32) / np.sqrt(D)
    b4 = jnp.zeros((D,), dtype=jnp.float32)
    return {"x": x, "edge_index": edge_index, "edge_features": edge_features,
            "W1": W1, "b1": b1, "W2": W2, "b2": b2,
            "W3": W3, "b3": b3, "W4": W4, "b4": b4}


def reference(x, edge_index, edge_features, W1, b1, W2, b2, W3, b3, W4, b4):
    Bx = x.shape[0]
    Ne = edge_index.shape[1]
    # _update_mesh_edges: gather both endpoints, concat with edge features
    gathered = x[:, edge_index.T]  # [B, E, 2, D]
    gathered = gathered.reshape(Bx, Ne, -1)  # [B, E, 2*D]
    ef = jnp.broadcast_to(edge_features[None, :, :], (Bx, Ne, edge_features.shape[-1]))
    e_m2m = jnp.concatenate([gathered, ef], axis=-1)
    h = jax.nn.gelu(e_m2m @ W1.T + b1, approximate=False)
    e_m2m_prime = h @ W2.T + b2  # [B, E, DE]
    # _update_mesh_nodes: scatter-add messages to dst nodes (edge_index[1])
    agg = jnp.zeros((Bx, x.shape[1], e_m2m_prime.shape[-1]), dtype=x.dtype)
    agg = agg.at[:, edge_index[1]].add(e_m2m_prime)  # [B, N, DE]
    vm_m2m = jnp.concatenate([x, agg], axis=-1)
    h2 = jax.nn.gelu(vm_m2m @ W3.T + b3, approximate=False)
    vm_m2m_prime = h2 @ W4.T + b4
    return x + vm_m2m_prime

if __name__ == "__main__":
    import jax
    _d = setup_inputs()
    print(jax.jit(kernel)(*tuple(_d.values())))

</pallas_src>

<mosaic_0001>
#map = affine_map<(d0, d1) -> (0, 0)>
module attributes {stable_mosaic.version = 14 : i64} {
  func.func @gather_k(%arg0: i32, %arg1: i32, %arg2: memref<10000x16xf32, #tpu.memory_space<hbm>>, %arg3: memref<10000x16xf32, #tpu.memory_space<hbm>>, %arg4: memref<2x320000xi32, #tpu.memory_space<hbm>>, %arg5: memref<320000x16xf32, #tpu.memory_space<hbm>>, %arg6: memref<1024xi32, #tpu.memory_space<vmem>>, %arg7: memref<1024xi32, #tpu.memory_space<vmem>>, %arg8: memref<1024x16xf32, #tpu.memory_space<vmem>>, %arg9: memref<!tpu.dma_semaphore, #tpu.memory_space<semaphore_mem>>) attributes {dimension_semantics = [#tpu.dimension_semantics<core_parallel>, #tpu.dimension_semantics<subcore_parallel>], iteration_bounds = array<i64: 2, 16>, scalar_prefetch = 0 : i64, scratch_operands = 4 : i64, tpu.core_type = #tpu.core_type<sc_vector_subcore>, window_params = [{transform_indices = #map}, {transform_indices = #map}, {transform_indices = #map}, {transform_indices = #map}]} {
    %mul3A = arith.constant 2 : i32
    %mul3A_0 = arith.muli %arg1, %mul3A : i32
    %add3A = arith.addi %mul3A_0, %arg0 : i32
    %lt3A = arith.constant 24 : i32
    %lt3A_1 = arith.cmpi slt, %add3A, %lt3A : i32
    %jit3A = arith.constant 10 : i32
    %jit3A_2 = arith.constant 9 : i32
    %select_n3A = arith.select %lt3A_1, %jit3A, %jit3A_2 : i32
    %while3A = arith.constant 0 : i32
    %while3A_3 = arith.constant 0 : i32
    %while3A_4 = arith.subi %select_n3A, %while3A_3 : i32
    %while3A_5 = arith.addi %while3A_3, %while3A_4 : i32
    %while3A_6 = arith.constant 1 : i32
    %while3A_7 = arith.divsi %while3A_4, %while3A_6 : i32
    %while3A_8 = arith.muli %while3A_7, %while3A_6 : i32
    %while3A_9 = arith.addi %while3A_3, %while3A_8 : i32
    %while3A_10 = arith.constant 1 : i32
    scf.for %while3A_14 = %while3A_3 to %while3A_9 step %while3A_10  : i32 {
      %mul3A_15 = arith.constant 32 : i32
      %mul3A_16 = arith.muli %while3A_14, %mul3A_15 : i32
      %add3A_17 = arith.addi %add3A, %mul3A_16 : i32
      %mul3A_18 = arith.constant 1024 : i32
      %mul3A_19 = arith.muli %add3A_17, %mul3A_18 : i32
      %multiple_of3A = tpu.assume_multiple %mul3A_19, 8 : i32
      %run_scoped3A = arith.constant 0 : i32
      "tpu.region"() ({
        %run_scoped3A_275 = tpu.sem_alloc : memref<!tpu.dma_semaphore, #tpu.memory_space<semaphore_mem>>
        %dma_start3A_276 = arith.constant 0 : i32
        %dma_start3A_277 = tpu.memref_slice %arg6[%dma_start3A_276] : memref<1024xi32, #tpu.memory_space<vmem>> -> memref<1024xi32, #tpu.memory_space<vmem>>
        %dma_start3A_278 = tpu.memref_slice %arg4[%run_scoped3A, %multiple_of3A] : memref<2x320000xi32, #tpu.memory_space<hbm>> -> memref<1x1024xi32, #tpu.memory_space<hbm>>
        %dma_start3A_279 = tpu.memref_squeeze %dma_start3A_278 : memref<1x1024xi32, #tpu.memory_space<hbm>> -> memref<1024xi32, #tpu.memory_space<hbm>>
        %dma_start3A_280 = arith.constant 0 : i32
        %dma_start3A_281 = tpu.memref_slice %arg6[%dma_start3A_280] : memref<1024xi32, #tpu.memory_space<vmem>> -> memref<1024xi32, #tpu.memory_space<vmem>>
        %dma_start3A_282 = tpu.memref_slice %arg4[%run_scoped3A, %multiple_of3A] : memref<2x320000xi32, #tpu.memory_space<hbm>> -> memref<1x1024xi32, #tpu.memory_space<hbm>>
        %dma_start3A_283 = tpu.memref_squeeze %dma_start3A_282 : memref<1x1024xi32, #tpu.memory_space<hbm>> -> memref<1024xi32, #tpu.memory_space<hbm>>
        tpu.enqueue_dma source(%dma_start3A_283 : memref<1024xi32, #tpu.memory_space<hbm>>) target(%dma_start3A_281 : memref<1024xi32, #tpu.memory_space<vmem>>) target_semaphore(%run_scoped3A_275 : memref<!tpu.dma_semaphore, #tpu.memory_space<semaphore_mem>>)
        %dma_wait3A_284 = arith.constant 0 : i32
        %dma_wait3A_285 = tpu.memref_slice %arg6[%dma_wait3A_284] : memref<1024xi32, #tpu.memory_space<vmem>> -> memref<1024xi32, #tpu.memory_space<vmem>>
        %dma_wait3A_286 = tpu.memref_slice %arg4[%run_scoped3A, %multiple_of3A] : memref<2x320000xi32, #tpu.memory_space<hbm>> -> memref<1x1024xi32, #tpu.memory_space<hbm>>
        %dma_wait3A_287 = tpu.memref_squeeze %dma_wait3A_286 : memref<1x1024xi32, #tpu.memory_space<hbm>> -> memref<1024xi32, #tpu.memory_space<hbm>>
        %dma_wait3A_288 = arith.constant 0 : i32
        %dma_wait3A_289 = tpu.memref_slice %arg6[%dma_wait3A_288] : memref<1024xi32, #tpu.memory_space<vmem>> -> memref<1024xi32, #tpu.memory_space<vmem>>
        %dma_wait3A_290 = tpu.memref_slice %arg4[%run_scoped3A, %multiple_of3A] : memref<2x320000xi32, #tpu.memory_space<hbm>> -> memref<1x1024xi32, #tpu.memory_space<hbm>>
        %dma_wait3A_291 = tpu.memref_squeeze %dma_wait3A_290 : memref<1x1024xi32, #tpu.memory_space<hbm>> -> memref<1024xi32, #tpu.memory_space<hbm>>
        tpu.wait_dma2 semaphore(%run_scoped3A_275 : memref<!tpu.dma_semaphore, #tpu.memory_space<semaphore_mem>>) src(%dma_wait3A_291 : memref<1024xi32, #tpu.memory_space<hbm>>) dst(%dma_wait3A_289 : memref<1024xi32, #tpu.memory_space<vmem>>)
        tpu.yield
      }) : () -> ()
      %run_scoped3A_20 = arith.constant 1 : i32
      "tpu.region"() ({
        %run_scoped3A_275 = tpu.sem_alloc : memref<!tpu.dma_semaphore, #tpu.memory_space<semaphore_mem>>
        %dma_start3A_276 = arith.constant 0 : i32
        %dma_start3A_277 = tpu.memref_slice %arg7[%dma_start3A_276] : memref<1024xi32, #tpu.memory_space<vmem>> -> memref<1024xi32, #tpu.memory_space<vmem>>
        %dma_start3A_278 = tpu.memref_slice %arg4[%run_scoped3A_20, %multiple_of3A] : memref<2x320000xi32, #tpu.memory_space<hbm>> -> memref<1x1024xi32, #tpu.memory_space<hbm>>
        %dma_start3A_279 = tpu.memref_squeeze %dma_start3A_278 : memref<1x1024xi32, #tpu.memory_space<hbm>> -> memref<1024xi32, #tpu.memory_space<hbm>>
        %dma_start3A_280 = arith.constant 0 : i32
        %dma_start3A_281 = tpu.memref_slice %arg7[%dma_start3A_280] : memref<1024xi32, #tpu.memory_space<vmem>> -> memref<1024xi32, #tpu.memory_space<vmem>>
        %dma_start3A_282 = tpu.memref_slice %arg4[%run_scoped3A_20, %multiple_of3A] : memref<2x320000xi32, #tpu.memory_space<hbm>> -> memref<1x1024xi32, #tpu.memory_space<hbm>>
        %dma_start3A_283 = tpu.memref_squeeze %dma_start3A_282 : memref<1x1024xi32, #tpu.memory_space<hbm>> -> memref<1024xi32, #tpu.memory_space<hbm>>
        tpu.enqueue_dma source(%dma_start3A_283 : memref<1024xi32, #tpu.memory_space<hbm>>) target(%dma_start3A_281 : memref<1024xi32, #tpu.memory_space<vmem>>) target_semaphore(%run_scoped3A_275 : memref<!tpu.dma_semaphore, #tpu.memory_space<semaphore_mem>>)
        %dma_wait3A_284 = arith.constant 0 : i32
        %dma_wait3A_285 = tpu.memref_slice %arg7[%dma_wait3A_284] : memref<1024xi32, #tpu.memory_space<vmem>> -> memref<1024xi32, #tpu.memory_space<vmem>>
        %dma_wait3A_286 = tpu.memref_slice %arg4[%run_scoped3A_20, %multiple_of3A] : memref<2x320000xi32, #tpu.memory_space<hbm>> -> memref<1x1024xi32, #tpu.memory_space<hbm>>
        %dma_wait3A_287 = tpu.memref_squeeze %dma_wait3A_286 : memref<1x1024xi32, #tpu.memory_space<hbm>> -> memref<1024xi32, #tpu.memory_space<hbm>>
        %dma_wait3A_288 = arith.constant 0 : i32
        %dma_wait3A_289 = tpu.memref_slice %arg7[%dma_wait3A_288] : memref<1024xi32, #tpu.memory_space<vmem>> -> memref<1024xi32, #tpu.memory_space<vmem>>
        %dma_wait3A_290 = tpu.memref_slice %arg4[%run_scoped3A_20, %multiple_of3A] : memref<2x320000xi32, #tpu.memory_space<hbm>> -> memref<1x1024xi32, #tpu.memory_space<hbm>>
        %dma_wait3A_291 = tpu.memref_squeeze %dma_wait3A_290 : memref<1x1024xi32, #tpu.memory_space<hbm>> -> memref<1024xi32, #tpu.memory_space<hbm>>
        tpu.wait_dma2 semaphore(%run_scoped3A_275 : memref<!tpu.dma_semaphore, #tpu.memory_space<semaphore_mem>>) src(%dma_wait3A_291 : memref<1024xi32, #tpu.memory_space<hbm>>) dst(%dma_wait3A_289 : memref<1024xi32, #tpu.memory_space<vmem>>)
        tpu.yield
      }) : () -> ()
      %dma_start3A = arith.constant 0 : i32
      %dma_start3A_21 = arith.constant 0 : i32
      %dma_start3A_22 = tpu.memref_slice %arg8[%dma_start3A, %dma_start3A_21] : memref<1024x16xf32, #tpu.memory_space<vmem>> -> memref<128x16xf32, #tpu.memory_space<vmem>>
      %dma_start3A_23 = arith.constant 0 : i32
      %dma_start3A_24 = tpu.memref_slice %arg6[%dma_start3A_23] : memref<1024xi32, #tpu.memory_space<vmem>> -> memref<128xi32, #tpu.memory_space<vmem>>
      %dma_start3A_25 = arith.constant 0 : i32
      %dma_start3A_26 = arith.constant 0 : i32
      %dma_start3A_27 = tpu.memref_slice %arg2[%dma_start3A_25, %dma_start3A_26] : memref<10000x16xf32, #tpu.memory_space<hbm>> -> memref<10000x16xf32, #tpu.memory_space<hbm>>
      tpu.enqueue_indirect_dma source(%dma_start3A_27 : memref<10000x16xf32, #tpu.memory_space<hbm>>) target(%dma_start3A_22 : memref<128x16xf32, #tpu.memory_space<vmem>>) offsets(%dma_start3A_24 : memref<128xi32, #tpu.memory_space<vmem>>) semaphore(%arg9 : memref<!tpu.dma_semaphore, #tpu.memory_space<semaphore_mem>>)
      %dma_start3A_28 = arith.constant 128 : i32
      %dma_start3A_29 = arith.constant 0 : i32
      %dma_start3A_30 = tpu.memref_slice %arg8[%dma_start3A_28, %dma_start3A_29] : memref<1024x16xf32, #tpu.memory_space<vmem>> -> memref<128x16xf32, #tpu.memory_space<vmem>>
      %dma_start3A_31 = arith.constant 128 : i32
      %dma_start3A_32 = tpu.memref_slice %arg6[%dma_start3A_31] : memref<1024xi32, #tpu.memory_space<vmem>> -> memref<128xi32, #tpu.memory_space<vmem>>
      %dma_start3A_33 = arith.constant 0 : i32
      %dma_start3A_34 = arith.constant 0 : i32
      %dma_start3A_35 = tpu.memref_slice %arg2[%dma_start3A_33, %dma_start3A_34] : memref<10000x16xf32, #tpu.memory_space<hbm>> -> memref<10000x16xf32, #tpu.memory_space<hbm>>
      tpu.enqueue_indirect_dma source(%dma_start3A_35 : memref<10000x16xf32, #tpu.memory_space<hbm>>) target(%dma_start3A_30 : memref<128x16xf32, #tpu.memory_space<vmem>>) offsets(%dma_start3A_32 : memref<128xi32, #tpu.memory_space<vmem>>) semaphore(%arg9 : memref<!tpu.dma_semaphore, #tpu.memory_space<semaphore_mem>>)
      %dma_start3A_36 = arith.constant 256 : i32
      %dma_start3A_37 = arith.constant 0 : i32
      %dma_start3A_38 = tpu.memref_slice %arg8[%dma_start3A_36, %dma_start3A_37] : memref<1024x16xf32, #tpu.memory_space<vmem>> -> memref<128x16xf32, #tpu.memory_space<vmem>>
      %dma_start3A_39 = arith.constant 256 : i32
      %dma_start3A_40 = tpu.memref_slice %arg6[%dma_start3A_39] : memref<1024xi32, #tpu.memory_space<vmem>> -> memref<128xi32, #tpu.memory_space<vmem>>
      %dma_start3A_41 = arith.constant 0 : i32
      %dma_start3A_42 = arith.constant 0 : i32
      %dma_start3A_43 = tpu.memref_slice %arg2[%dma_start3A_41, %dma_start3A_42] : memref<10000x16xf32, #tpu.memory_space<hbm>> -> memref<10000x16xf32, #tpu.memory_space<hbm>>
      tpu.enqueue_indirect_dma source(%dma_start3A_43 : memref<10000x16xf32, #tpu.memory_space<hbm>>) target(%dma_start3A_38 : memref<128x16xf32, #tpu.memory_space<vmem>>) offsets(%dma_start3A_40 : memref<128xi32, #tpu.memory_space<vmem>>) semaphore(%arg9 : memref<!tpu.dma_semaphore, #tpu.memory_space<semaphore_mem>>)
      %dma_start3A_44 = arith.constant 384 : i32
      %dma_start3A_45 = arith.constant 0 : i32
      %dma_start3A_46 = tpu.memref_slice %arg8[%dma_start3A_44, %dma_start3A_45] : memref<1024x16xf32, #tpu.memory_space<vmem>> -> memref<128x16xf32, #tpu.memory_space<vmem>>
      %dma_start3A_47 = arith.constant 384 : i32
      %dma_start3A_48 = tpu.memref_slice %arg6[%dma_start3A_47] : memref<1024xi32, #tpu.memory_space<vmem>> -> memref<128xi32, #tpu.memory_space<vmem>>
      %dma_start3A_49 = arith.constant 0 : i32
      %dma_start3A_50 = arith.constant 0 : i32
      %dma_start3A_51 = tpu.memref_slice %arg2[%dma_start3A_49, %dma_start3A_50] : memref<10000x16xf32, #tpu.memory_space<hbm>> -> memref<10000x16xf32, #tpu.memory_space<hbm>>
      tpu.enqueue_indirect_dma source(%dma_start3A_51 : memref<10000x16xf32, #tpu.memory_space<hbm>>) target(%dma_start3A_46 : memref<128x16xf32, #tpu.memory_space<vmem>>) offsets(%dma_start3A_48 : memref<128xi32, #tpu.memory_space<vmem>>) semaphore(%arg9 : memref<!tpu.dma_semaphore, #tpu.memory_space<semaphore_mem>>)
      %dma_start3A_52 = arith.constant 512 : i32
      %dma_start3A_53 = arith.constant 0 : i32
      %dma_start3A_54 = tpu.memref_slice %arg8[%dma_start3A_52, %dma_start3A_53] : memref<1024x16xf32, #tpu.memory_space<vmem>> -> memref<128x16xf32, #tpu.memory_space<vmem>>
      %dma_start3A_55 = arith.constant 512 : i32
      %dma_start3A_56 = tpu.memref_slice %arg6[%dma_start3A_55] : memref<1024xi32, #tpu.memory_space<vmem>> -> memref<128xi32, #tpu.memory_space<vmem>>
      %dma_start3A_57 = arith.constant 0 : i32
      %dma_start3A_58 = arith.constant 0 : i32
      %dma_start3A_59 = tpu.memref_slice %arg2[%dma_start3A_57, %dma_start3A_58] : memref<10000x16xf32, #tpu.memory_space<hbm>> -> memref<10000x16xf32, #tpu.memory_space<hbm>>
      tpu.enqueue_indirect_dma source(%dma_start3A_59 : memref<10000x16xf32, #tpu.memory_space<hbm>>) target(%dma_start3A_54 : memref<128x16xf32, #tpu.memory_space<vmem>>) offsets(%dma_start3A_56 : memref<128xi32, #tpu.memory_space<vmem>>) semaphore(%arg9 : memref<!tpu.dma_semaphore, #tpu.memory_space<semaphore_mem>>)
      %dma_start3A_60 = arith.constant 640 : i32
      %dma_start3A_61 = arith.constant 0 : i32
      %dma_start3A_62 = tpu.memref_slice %arg8[%dma_start3A_60, %dma_start3A_61] : memref<1024x16xf32, #tpu.memory_space<vmem>> -> memref<128x16xf32, #tpu.memory_space<vmem>>
      %dma_start3A_63 = arith.constant 640 : i32
      %dma_start3A_64 = tpu.memref_slice %arg6[%dma_start3A_63] : memref<1024xi32, #tpu.memory_space<vmem>> -> memref<128xi32, #tpu.memory_space<vmem>>
      %dma_start3A_65 = arith.constant 0 : i32
      %dma_start3A_66 = arith.constant 0 : i32
      %dma_start3A_67 = tpu.memref_slice %arg2[%dma_start3A_65, %dma_start3A_66] : memref<10000x16xf32, #tpu.memory_space<hbm>> -> memref<10000x16xf32, #tpu.memory_space<hbm>>
      tpu.enqueue_indirect_dma source(%dma_start3A_67 : memref<10000x16xf32, #tpu.memory_space<hbm>>) target(%dma_start3A_62 : memref<128x16xf32, #tpu.memory_space<vmem>>) offsets(%dma_start3A_64 : memref<128xi32, #tpu.memory_space<vmem>>) semaphore(%arg9 : memref<!tpu.dma_semaphore, #tpu.memory_space<semaphore_mem>>)
      %dma_start3A_68 = arith.constant 768 : i32
      %dma_start3A_69 = arith.constant 0 : i32
      %dma_start3A_70 = tpu.memref_slice %arg8[%dma_start3A_68, %dma_start3A_69] : memref<1024x16xf32, #tpu.memory_space<vmem>> -> memref<128x16xf32, #tpu.memory_space<vmem>>
      %dma_start3A_71 = arith.constant 768 : i32
      %dma_start3A_72 = tpu.memref_slice %arg6[%dma_start3A_71] : memref<1024xi32, #tpu.memory_space<vmem>> -> memref<128xi32, #tpu.memory_space<vmem>>
      %dma_start3A_73 = arith.constant 0 : i32
      %dma_start3A_74 = arith.constant 0 : i32
      %dma_start3A_75 = tpu.memref_slice %arg2[%dma_start3A_73, %dma_start3A_74] : memref<10000x16xf32, #tpu.memory_space<hbm>> -> memref<10000x16xf32, #tpu.memory_space<hbm>>
      tpu.enqueue_indirect_dma source(%dma_start3A_75 : memref<10000x16xf32, #tpu.memory_space<hbm>>) target(%dma_start3A_70 : memref<128x16xf32, #tpu.memory_space<vmem>>) offsets(%dma_start3A_72 : memref<128xi32, #tpu.memory_space<vmem>>) semaphore(%arg9 : memref<!tpu.dma_semaphore, #tpu.memory_space<semaphore_mem>>)
      %dma_start3A_76 = arith.constant 896 : i32
      %dma_start3A_77 = arith.constant 0 : i32
      %dma_start3A_78 = tpu.memref_slice %arg8[%dma_start3A_76, %dma_start3A_77] : memref<1024x16xf32, #tpu.memory_space<vmem>> -> memref<128x16xf32, #tpu.memory_space<vmem>>
      %dma_start3A_79 = arith.constant 896 : i32
      %dma_start3A_80 = tpu.memref_slice %arg6[%dma_start3A_79] : memref<1024xi32, #tpu.memory_space<vmem>> -> memref<128xi32, #tpu.memory_space<vmem>>
      %dma_start3A_81 = arith.constant 0 : i32
      %dma_start3A_82 = arith.constant 0 : i32
      %dma_start3A_83 = tpu.memref_slice %arg2[%dma_start3A_81, %dma_start3A_82] : memref<10000x16xf32, #tpu.memory_space<hbm>> -> memref<10000x16xf32, #tpu.memory_space<hbm>>
      tpu.enqueue_indirect_dma source(%dma_start3A_83 : memref<10000x16xf32, #tpu.memory_space<hbm>>) target(%dma_start3A_78 : memref<128x16xf32, #tpu.memory_space<vmem>>) offsets(%dma_start3A_80 : memref<128xi32, #tpu.memory_space<vmem>>) semaphore(%arg9 : memref<!tpu.dma_semaphore, #tpu.memory_space<semaphore_mem>>)
      %dma_wait3A = arith.constant 0 : i32
      %dma_wait3A_84 = arith.constant 0 : i32
      %dma_wait3A_85 = tpu.memref_slice %arg8[%dma_wait3A, %dma_wait3A_84] : memref<1024x16xf32, #tpu.memory_space<vmem>> -> memref<128x16xf32, #tpu.memory_space<vmem>>
      %dma_wait3A_86 = arith.constant 0 : i32
      %dma_wait3A_87 = tpu.memref_slice %arg6[%dma_wait3A_86] : memref<1024xi32, #tpu.memory_space<vmem>> -> memref<128xi32, #tpu.memory_space<vmem>>
      %dma_wait3A_88 = arith.constant 0 : i32
      %dma_wait3A_89 = arith.constant 0 : i32
      %dma_wait3A_90 = tpu.memref_slice %arg2[%dma_wait3A_88, %dma_wait3A_89] : memref<10000x16xf32, #tpu.memory_space<hbm>> -> memref<10000x16xf32, #tpu.memory_space<hbm>>
      tpu.wait_indirect_dma semaphore(%arg9 : memref<!tpu.dma_semaphore, #tpu.memory_space<semaphore_mem>>) src(%dma_wait3A_90 : memref<10000x16xf32, #tpu.memory_space<hbm>>) dst(%dma_wait3A_85 : memref<128x16xf32, #tpu.memory_space<vmem>>)
      %dma_wait3A_91 = arith.constant 128 : i32
      %dma_wait3A_92 = arith.constant 0 : i32
      %dma_wait3A_93 = tpu.memref_slice %arg8[%dma_wait3A_91, %dma_wait3A_92] : memref<1024x16xf32, #tpu.memory_space<vmem>> -> memref<128x16xf32, #tpu.memory_space<vmem>>
      %dma_wait3A_94 = arith.constant 128 : i32
      %dma_wait3A_95 = tpu.memref_slice %arg6[%dma_wait3A_94] : memref<1024xi32, #tpu.memory_space<vmem>> -> memref<128xi32, #tpu.memory_space<vmem>>
      %dma_wait3A_96 = arith.constant 0 : i32
      %dma_wait3A_97 = arith.constant 0 : i32
      %dma_wait3A_98 = tpu.memref_slice %arg2[%dma_wait3A_96, %dma_wait3A_97] : memref<10000x16xf32, #tpu.memory_space<hbm>> -> memref<10000x16xf32, #tpu.memory_space<hbm>>
      tpu.wait_indirect_dma semaphore(%arg9 : memref<!tpu.dma_semaphore, #tpu.memory_space<semaphore_mem>>) src(%dma_wait3A_98 : memref<10000x16xf32, #tpu.memory_space<hbm>>) dst(%dma_wait3A_93 : memref<128x16xf32, #tpu.memory_space<vmem>>)
      %dma_wait3A_99 = arith.constant 256 : i32
      %dma_wait3A_100 = arith.constant 0 : i32
      %dma_wait3A_101 = tpu.memref_slice %arg8[%dma_wait3A_99, %dma_wait3A_100] : memref<1024x16xf32, #tpu.memory_space<vmem>> -> memref<128x16xf32, #tpu.memory_space<vmem>>
      %dma_wait3A_102 = arith.constant 256 : i32
      %dma_wait3A_103 = tpu.memref_slice %arg6[%dma_wait3A_102] : memref<1024xi32, #tpu.memory_space<vmem>> -> memref<128xi32, #tpu.memory_space<vmem>>
      %dma_wait3A_104 = arith.constant 0 : i32
      %dma_wait3A_105 = arith.constant 0 : i32
      %dma_wait3A_106 = tpu.memref_slice %arg2[%dma_wait3A_104, %dma_wait3A_105] : memref<10000x16xf32, #tpu.memory_space<hbm>> -> memref<10000x16xf32, #tpu.memory_space<hbm>>
      tpu.wait_indirect_dma semaphore(%arg9 : memref<!tpu.dma_semaphore, #tpu.memory_space<semaphore_mem>>) src(%dma_wait3A_106 : memref<10000x16xf32, #tpu.memory_space<hbm>>) dst(%dma_wait3A_101 : memref<128x16xf32, #tpu.memory_space<vmem>>)
      %dma_wait3A_107 = arith.constant 384 : i32
      %dma_wait3A_108 = arith.constant 0 : i32
      %dma_wait3A_109 = tpu.memref_slice %arg8[%dma_wait3A_107, %dma_wait3A_108] : memref<1024x16xf32, #tpu.memory_space<vmem>> -> memref<128x16xf32, #tpu.memory_space<vmem>>
      %dma_wait3A_110 = arith.constant 384 : i32
      %dma_wait3A_111 = tpu.memref_slice %arg6[%dma_wait3A_110] : memref<1024xi32, #tpu.memory_space<vmem>> -> memref<128xi32, #tpu.memory_space<vmem>>
      %dma_wait3A_112 = arith.constant 0 : i32
      %dma_wait3A_113 = arith.constant 0 : i32
      %dma_wait3A_114 = tpu.memref_slice %arg2[%dma_wait3A_112, %dma_wait3A_113] : memref<10000x16xf32, #tpu.memory_space<hbm>> -> memref<10000x16xf32, #tpu.memory_space<hbm>>
      tpu.wait_indirect_dma semaphore(%arg9 : memref<!tpu.dma_semaphore, #tpu.memory_space<semaphore_mem>>) src(%dma_wait3A_114 : memref<10000x16xf32, #tpu.memory_space<hbm>>) dst(%dma_wait3A_109 : memref<128x16xf32, #tpu.memory_space<vmem>>)
      %dma_wait3A_115 = arith.constant 512 : i32
      %dma_wait3A_116 = arith.constant 0 : i32
      %dma_wait3A_117 = tpu.memref_slice %arg8[%dma_wait3A_115, %dma_wait3A_116] : memref<1024x16xf32, #tpu.memory_space<vmem>> -> memref<128x16xf32, #tpu.memory_space<vmem>>
      %dma_wait3A_118 = arith.constant 512 : i32
      %dma_wait3A_119 = tpu.memref_slice %arg6[%dma_wait3A_118] : memref<1024xi32, #tpu.memory_space<vmem>> -> memref<128xi32, #tpu.memory_space<vmem>>
      %dma_wait3A_120 = arith.constant 0 : i32
      %dma_wait3A_121 = arith.constant 0 : i32
      %dma_wait3A_122 = tpu.memref_slice %arg2[%dma_wait3A_120, %dma_wait3A_121] : memref<10000x16xf32, #tpu.memory_space<hbm>> -> memref<10000x16xf32, #tpu.memory_space<hbm>>
      tpu.wait_indirect_dma semaphore(%arg9 : memref<!tpu.dma_semaphore, #tpu.memory_space<semaphore_mem>>) src(%dma_wait3A_122 : memref<10000x16xf32, #tpu.memory_space<hbm>>) dst(%dma_wait3A_117 : memref<128x16xf32, #tpu.memory_space<vmem>>)
      %dma_wait3A_123 = arith.constant 640 : i32
      %dma_wait3A_124 = arith.constant 0 : i32
      %dma_wait3A_125 = tpu.memref_slice %arg8[%dma_wait3A_123, %dma_wait3A_124] : memref<1024x16xf32, #tpu.memory_space<vmem>> -> memref<128x16xf32, #tpu.memory_space<vmem>>
      %dma_wait3A_126 = arith.constant 640 : i32
      %dma_wait3A_127 = tpu.memref_slice %arg6[%dma_wait3A_126] : memref<1024xi32, #tpu.memory_space<vmem>> -> memref<128xi32, #tpu.memory_space<vmem>>
      %dma_wait3A_128 = arith.constant 0 : i32
      %dma_wait3A_129 = arith.constant 0 : i32
      %dma_wait3A_130 = tpu.memref_slice %arg2[%dma_wait3A_128, %dma_wait3A_129] : memref<10000x16xf32, #tpu.memory_space<hbm>> -> memref<10000x16xf32, #tpu.memory_space<hbm>>
      tpu.wait_indirect_dma semaphore(%arg9 : memref<!tpu.dma_semaphore, #tpu.memory_space<semaphore_mem>>) src(%dma_wait3A_130 : memref<10000x16xf32, #tpu.memory_space<hbm>>) dst(%dma_wait3A_125 : memref<128x16xf32, #tpu.memory_space<vmem>>)
      %dma_wait3A_131 = arith.constant 768 : i32
      %dma_wait3A_132 = arith.constant 0 : i32
      %dma_wait3A_133 = tpu.memref_slice %arg8[%dma_wait3A_131, %dma_wait3A_132] : memref<1024x16xf32, #tpu.memory_space<vmem>> -> memref<128x16xf32, #tpu.memory_space<vmem>>
      %dma_wait3A_134 = arith.constant 768 : i32
      %dma_wait3A_135 = tpu.memref_slice %arg6[%dma_wait3A_134] : memref<1024xi32, #tpu.memory_space<vmem>> -> memref<128xi32, #tpu.memory_space<vmem>>
      %dma_wait3A_136 = arith.constant 0 : i32
      %dma_wait3A_137 = arith.constant 0 : i32
      %dma_wait3A_138 = tpu.memref_slice %arg2[%dma_wait3A_136, %dma_wait3A_137] : memref<10000x16xf32, #tpu.memory_space<hbm>> -> memref<10000x16xf32, #tpu.memory_space<hbm>>
      tpu.wait_indirect_dma semaphore(%arg9 : memref<!tpu.dma_semaphore, #tpu.memory_space<semaphore_mem>>) src(%dma_wait3A_138 : memref<10000x16xf32, #tpu.memory_space<hbm>>) dst(%dma_wait3A_133 : memref<128x16xf32, #tpu.memory_space<vmem>>)
      %dma_wait3A_139 = arith.constant 896 : i32
      %dma_wait3A_140 = arith.constant 0 : i32
      %dma_wait3A_141 = tpu.memref_slice %arg8[%dma_wait3A_139, %dma_wait3A_140] : memref<1024x16xf32, #tpu.memory_space<vmem>> -> memref<128x16xf32, #tpu.memory_space<vmem>>
      %dma_wait3A_142 = arith.constant 896 : i32
      %dma_wait3A_143 = tpu.memref_slice %arg6[%dma_wait3A_142] : memref<1024xi32, #tpu.memory_space<vmem>> -> memref<128xi32, #tpu.memory_space<vmem>>
      %dma_wait3A_144 = arith.constant 0 : i32
      %dma_wait3A_145 = arith.constant 0 : i32
      %dma_wait3A_146 = tpu.memref_slice %arg2[%dma_wait3A_144, %dma_wait3A_145] : memref<10000x16xf32, #tpu.memory_space<hbm>> -> memref<10000x16xf32, #tpu.memory_space<hbm>>
      tpu.wait_indirect_dma semaphore(%arg9 : memref<!tpu.dma_semaphore, #tpu.memory_space<semaphore_mem>>) src(%dma_wait3A_146 : memref<10000x16xf32, #tpu.memory_space<hbm>>) dst(%dma_wait3A_141 : memref<128x16xf32, #tpu.memory_space<vmem>>)
      %dma_start3A_147 = arith.constant 0 : i32
      %dma_start3A_148 = arith.constant 0 : i32
      %dma_start3A_149 = tpu.memref_slice %arg8[%dma_start3A_147, %dma_start3A_148] : memref<1024x16xf32, #tpu.memory_space<vmem>> -> memref<128x16xf32, #tpu.memory_space<vmem>>
      %dma_start3A_150 = arith.constant 0 : i32
      %dma_start3A_151 = tpu.memref_slice %arg7[%dma_start3A_150] : memref<1024xi32, #tpu.memory_space<vmem>> -> memref<128xi32, #tpu.memory_space<vmem>>
      %dma_start3A_152 = arith.constant 0 : i32
      %dma_start3A_153 = arith.constant 0 : i32
      %dma_start3A_154 = tpu.memref_slice %arg3[%dma_start3A_152, %dma_start3A_153] : memref<10000x16xf32, #tpu.memory_space<hbm>> -> memref<10000x16xf32, #tpu.memory_space<hbm>>
      tpu.enqueue_indirect_dma source(%dma_start3A_154 : memref<10000x16xf32, #tpu.memory_space<hbm>>) target(%dma_start3A_149 : memref<128x16xf32, #tpu.memory_space<vmem>>) offsets(%dma_start3A_151 : memref<128xi32, #tpu.memory_space<vmem>>) semaphore(%arg9 : memref<!tpu.dma_semaphore, #tpu.memory_space<semaphore_mem>>) {add = true}
      %dma_start3A_155 = arith.constant 128 : i32
      %dma_start3A_156 = arith.constant 0 : i32
      %dma_start3A_157 = tpu.memref_slice %arg8[%dma_start3A_155, %dma_start3A_156] : memref<1024x16xf32, #tpu.memory_space<vmem>> -> memref<128x16xf32, #tpu.memory_space<vmem>>
      %dma_start3A_158 = arith.constant 128 : i32
      %dma_start3A_159 = tpu.memref_slice %arg7[%dma_start3A_158] : memref<1024xi32, #tpu.memory_space<vmem>> -> memref<128xi32, #tpu.memory_space<vmem>>
      %dma_start3A_160 = arith.constant 0 : i32
      %dma_start3A_161 = arith.constant 0 : i32
      %dma_start3A_162 = tpu.memref_slice %arg3[%dma_start3A_160, %dma_start3A_161] : memref<10000x16xf32, #tpu.memory_space<hbm>> -> memref<10000x16xf32, #tpu.memory_space<hbm>>
      tpu.enqueue_indirect_dma source(%dma_start3A_162 : memref<10000x16xf32, #tpu.memory_space<hbm>>) target(%dma_start3A_157 : memref<128x16xf32, #tpu.memory_space<vmem>>) offsets(%dma_start3A_159 : memref<128xi32, #tpu.memory_space<vmem>>) semaphore(%arg9 : memref<!tpu.dma_semaphore, #tpu.memory_space<semaphore_mem>>) {add = true}
      %dma_start3A_163 = arith.constant 256 : i32
      %dma_start3A_164 = arith.constant 0 : i32
      %dma_start3A_165 = tpu.memref_slice %arg8[%dma_start3A_163, %dma_start3A_164] : memref<1024x16xf32, #tpu.memory_space<vmem>> -> memref<128x16xf32, #tpu.memory_space<vmem>>
      %dma_start3A_166 = arith.constant 256 : i32
      %dma_start3A_167 = tpu.memref_slice %arg7[%dma_start3A_166] : memref<1024xi32, #tpu.memory_space<vmem>> -> memref<128xi32, #tpu.memory_space<vmem>>
      %dma_start3A_168 = arith.constant 0 : i32
      %dma_start3A_169 = arith.constant 0 : i32
      %dma_start3A_170 = tpu.memref_slice %arg3[%dma_start3A_168, %dma_start3A_169] : memref<10000x16xf32, #tpu.memory_space<hbm>> -> memref<10000x16xf32, #tpu.memory_space<hbm>>
      tpu.enqueue_indirect_dma source(%dma_start3A_170 : memref<10000x16xf32, #tpu.memory_space<hbm>>) target(%dma_start3A_165 : memref<128x16xf32, #tpu.memory_space<vmem>>) offsets(%dma_start3A_167 : memref<128xi32, #tpu.memory_space<vmem>>) semaphore(%arg9 : memref<!tpu.dma_semaphore, #tpu.memory_space<semaphore_mem>>) {add = true}
      %dma_start3A_171 = arith.constant 384 : i32
      %dma_start3A_172 = arith.constant 0 : i32
      %dma_start3A_173 = tpu.memref_slice %arg8[%dma_start3A_171, %dma_start3A_172] : memref<1024x16xf32, #tpu.memory_space<vmem>> -> memref<128x16xf32, #tpu.memory_space<vmem>>
      %dma_start3A_174 = arith.constant 384 : i32
      %dma_start3A_175 = tpu.memref_slice %arg7[%dma_start3A_174] : memref<1024xi32, #tpu.memory_space<vmem>> -> memref<128xi32, #tpu.memory_space<vmem>>
      %dma_start3A_176 = arith.constant 0 : i32
      %dma_start3A_177 = arith.constant 0 : i32
      %dma_start3A_178 = tpu.memref_slice %arg3[%dma_start3A_176, %dma_start3A_177] : memref<10000x16xf32, #tpu.memory_space<hbm>> -> memref<10000x16xf32, #tpu.memory_space<hbm>>
      tpu.enqueue_indirect_dma source(%dma_start3A_178 : memref<10000x16xf32, #tpu.memory_space<hbm>>) target(%dma_start3A_173 : memref<128x16xf32, #tpu.memory_space<vmem>>) offsets(%dma_start3A_175 : memref<128xi32, #tpu.memory_space<vmem>>) semaphore(%arg9 : memref<!tpu.dma_semaphore, #tpu.memory_space<semaphore_mem>>) {add = true}
      %dma_start3A_179 = arith.constant 512 : i32
      %dma_start3A_180 = arith.constant 0 : i32
      %dma_start3A_181 = tpu.memref_slice %arg8[%dma_start3A_179, %dma_start3A_180] : memref<1024x16xf32, #tpu.memory_space<vmem>> -> memref<128x16xf32, #tpu.memory_space<vmem>>
      %dma_start3A_182 = arith.constant 512 : i32
      %dma_start3A_183 = tpu.memref_slice %arg7[%dma_start3A_182] : memref<1024xi32, #tpu.memory_space<vmem>> -> memref<128xi32, #tpu.memory_space<vmem>>
      %dma_start3A_184 = arith.constant 0 : i32
      %dma_start3A_185 = arith.constant 0 : i32
      %dma_start3A_186 = tpu.memref_slice %arg3[%dma_start3A_184, %dma_start3A_185] : memref<10000x16xf32, #tpu.memory_space<hbm>> -> memref<10000x16xf32, #tpu.memory_space<hbm>>
      tpu.enqueue_indirect_dma source(%dma_start3A_186 : memref<10000x16xf32, #tpu.memory_space<hbm>>) target(%dma_start3A_181 : memref<128x16xf32, #tpu.memory_space<vmem>>) offsets(%dma_start3A_183 : memref<128xi32, #tpu.memory_space<vmem>>) semaphore(%arg9 : memref<!tpu.dma_semaphore, #tpu.memory_space<semaphore_mem>>) {add = true}
      %dma_start3A_187 = arith.constant 640 : i32
      %dma_start3A_188 = arith.constant 0 : i32
      %dma_start3A_189 = tpu.memref_slice %arg8[%dma_start3A_187, %dma_start3A_188] : memref<1024x16xf32, #tpu.memory_space<vmem>> -> memref<128x16xf32, #tpu.memory_space<vmem>>
      %dma_start3A_190 = arith.constant 640 : i32
      %dma_start3A_191 = tpu.memref_slice %arg7[%dma_start3A_190] : memref<1024xi32, #tpu.memory_space<vmem>> -> memref<128xi32, #tpu.memory_space<vmem>>
      %dma_start3A_192 = arith.constant 0 : i32
      %dma_start3A_193 = arith.constant 0 : i32
      %dma_start3A_194 = tpu.memref_slice %arg3[%dma_start3A_192, %dma_start3A_193] : memref<10000x16xf32, #tpu.memory_space<hbm>> -> memref<10000x16xf32, #tpu.memory_space<hbm>>
      tpu.enqueue_indirect_dma source(%dma_start3A_194 : memref<10000x16xf32, #tpu.memory_space<hbm>>) target(%dma_start3A_189 : memref<128x16xf32, #tpu.memory_space<vmem>>) offsets(%dma_start3A_191 : memref<128xi32, #tpu.memory_space<vmem>>) semaphore(%arg9 : memref<!tpu.dma_semaphore, #tpu.memory_space<semaphore_mem>>) {add = true}
      %dma_start3A_195 = arith.constant 768 : i32
      %dma_start3A_196 = arith.constant 0 : i32
      %dma_start3A_197 = tpu.memref_slice %arg8[%dma_start3A_195, %dma_start3A_196] : memref<1024x16xf32, #tpu.memory_space<vmem>> -> memref<128x16xf32, #tpu.memory_space<vmem>>
      %dma_start3A_198 = arith.constant 768 : i32
      %dma_start3A_199 = tpu.memref_slice %arg7[%dma_start3A_198] : memref<1024xi32, #tpu.memory_space<vmem>> -> memref<128xi32, #tpu.memory_space<vmem>>
      %dma_start3A_200 = arith.constant 0 : i32
      %dma_start3A_201 = arith.constant 0 : i32
      %dma_start3A_202 = tpu.memref_slice %arg3[%dma_start3A_200, %dma_start3A_201] : memref<10000x16xf32, #tpu.memory_space<hbm>> -> memref<10000x16xf32, #tpu.memory_space<hbm>>
      tpu.enqueue_indirect_dma source(%dma_start3A_202 : memref<10000x16xf32, #tpu.memory_space<hbm>>) target(%dma_start3A_197 : memref<128x16xf32, #tpu.memory_space<vmem>>) offsets(%dma_start3A_199 : memref<128xi32, #tpu.memory_space<vmem>>) semaphore(%arg9 : memref<!tpu.dma_semaphore, #tpu.memory_space<semaphore_mem>>) {add = true}
      %dma_start3A_203 = arith.constant 896 : i32
      %dma_start3A_204 = arith.constant 0 : i32
      %dma_start3A_205 = tpu.memref_slice %arg8[%dma_start3A_203, %dma_start3A_204] : memref<1024x16xf32, #tpu.memory_space<vmem>> -> memref<128x16xf32, #tpu.memory_space<vmem>>
      %dma_start3A_206 = arith.constant 896 : i32
      %dma_start3A_207 = tpu.memref_slice %arg7[%dma_start3A_206] : memref<1024xi32, #tpu.memory_space<vmem>> -> memref<128xi32, #tpu.memory_space<vmem>>
      %dma_start3A_208 = arith.constant 0 : i32
      %dma_start3A_209 = arith.constant 0 : i32
      %dma_start3A_210 = tpu.memref_slice %arg3[%dma_start3A_208, %dma_start3A_209] : memref<10000x16xf32, #tpu.memory_space<hbm>> -> memref<10000x16xf32, #tpu.memory_space<hbm>>
      tpu.enqueue_indirect_dma source(%dma_start3A_210 : memref<10000x16xf32, #tpu.memory_space<hbm>>) target(%dma_start3A_205 : memref<128x16xf32, #tpu.memory_space<vmem>>) offsets(%dma_start3A_207 : memref<128xi32, #tpu.memory_space<vmem>>) semaphore(%arg9 : memref<!tpu.dma_semaphore, #tpu.memory_space<semaphore_mem>>) {add = true}
      %dma_wait3A_211 = arith.constant 0 : i32
      %dma_wait3A_212 = arith.constant 0 : i32
      %dma_wait3A_213 = tpu.memref_slice %arg8[%dma_wait3A_211, %dma_wait3A_212] : memref<1024x16xf32, #tpu.memory_space<vmem>> -> memref<128x16xf32, #tpu.memory_space<vmem>>
      %dma_wait3A_214 = arith.constant 0 : i32
      %dma_wait3A_215 = tpu.memref_slice %arg7[%dma_wait3A_214] : memref<1024xi32, #tpu.memory_space<vmem>> -> memref<128xi32, #tpu.memory_space<vmem>>
      %dma_wait3A_216 = arith.constant 0 : i32
      %dma_wait3A_217 = arith.constant 0 : i32
      %dma_wait3A_218 = tpu.memref_slice %arg3[%dma_wait3A_216, %dma_wait3A_217] : memref<10000x16xf32, #tpu.memory_space<hbm>> -> memref<10000x16xf32, #tpu.memory_space<hbm>>
      tpu.wait_indirect_dma semaphore(%arg9 : memref<!tpu.dma_semaphore, #tpu.memory_space<semaphore_mem>>) src(%dma_wait3A_218 : memref<10000x16xf32, #tpu.memory_space<hbm>>) dst(%dma_wait3A_213 : memref<128x16xf32, #tpu.memory_space<vmem>>)
      %dma_wait3A_219 = arith.constant 128 : i32
      %dma_wait3A_220 = arith.constant 0 : i32
      %dma_wait3A_221 = tpu.memref_slice %arg8[%dma_wait3A_219, %dma_wait3A_220] : memref<1024x16xf32, #tpu.memory_space<vmem>> -> memref<128x16xf32, #tpu.memory_space<vmem>>
      %dma_wait3A_222 = arith.constant 128 : i32
      %dma_wait3A_223 = tpu.memref_slice %arg7[%dma_wait3A_222] : memref<1024xi32, #tpu.memory_space<vmem>> -> memref<128xi32, #tpu.memory_space<vmem>>
      %dma_wait3A_224 = arith.constant 0 : i32
      %dma_wait3A_225 = arith.constant 0 : i32
      %dma_wait3A_226 = tpu.memref_slice %arg3[%dma_wait3A_224, %dma_wait3A_225] : memref<10000x16xf32, #tpu.memory_space<hbm>> -> memref<10000x16xf32, #tpu.memory_space<hbm>>
      tpu.wait_indirect_dma semaphore(%arg9 : memref<!tpu.dma_semaphore, #tpu.memory_space<semaphore_mem>>) src(%dma_wait3A_226 : memref<10000x16xf32, #tpu.memory_space<hbm>>) dst(%dma_wait3A_221 : memref<128x16xf32, #tpu.memory_space<vmem>>)
      %dma_wait3A_227 = arith.constant 256 : i32
      %dma_wait3A_228 = arith.constant 0 : i32
      %dma_wait3A_229 = tpu.memref_slice %arg8[%dma_wait3A_227, %dma_wait3A_228] : memref<1024x16xf32, #tpu.memory_space<vmem>> -> memref<128x16xf32, #tpu.memory_space<vmem>>
      %dma_wait3A_230 = arith.constant 256 : i32
      %dma_wait3A_231 = tpu.memref_slice %arg7[%dma_wait3A_230] : memref<1024xi32, #tpu.memory_space<vmem>> -> memref<128xi32, #tpu.memory_space<vmem>>
      %dma_wait3A_232 = arith.constant 0 : i32
      %dma_wait3A_233 = arith.constant 0 : i32
      %dma_wait3A_234 = tpu.memref_slice %arg3[%dma_wait3A_232, %dma_wait3A_233] : memref<10000x16xf32, #tpu.memory_space<hbm>> -> memref<10000x16xf32, #tpu.memory_space<hbm>>
      tpu.wait_indirect_dma semaphore(%arg9 : memref<!tpu.dma_semaphore, #tpu.memory_space<semaphore_mem>>) src(%dma_wait3A_234 : memref<10000x16xf32, #tpu.memory_space<hbm>>) dst(%dma_wait3A_229 : memref<128x16xf32, #tpu.memory_space<vmem>>)
      %dma_wait3A_235 = arith.constant 384 : i32
      %dma_wait3A_236 = arith.constant 0 : i32
      %dma_wait3A_237 = tpu.memref_slice %arg8[%dma_wait3A_235, %dma_wait3A_236] : memref<1024x16xf32, #tpu.memory_space<vmem>> -> memref<128x16xf32, #tpu.memory_space<vmem>>
      %dma_wait3A_238 = arith.constant 384 : i32
      %dma_wait3A_239 = tpu.memref_slice %arg7[%dma_wait3A_238] : memref<1024xi32, #tpu.memory_space<vmem>> -> memref<128xi32, #tpu.memory_space<vmem>>
      %dma_wait3A_240 = arith.constant 0 : i32
      %dma_wait3A_241 = arith.constant 0 : i32
      %dma_wait3A_242 = tpu.memref_slice %arg3[%dma_wait3A_240, %dma_wait3A_241] : memref<10000x16xf32, #tpu.memory_space<hbm>> -> memref<10000x16xf32, #tpu.memory_space<hbm>>
      tpu.wait_indirect_dma semaphore(%arg9 : memref<!tpu.dma_semaphore, #tpu.memory_space<semaphore_mem>>) src(%dma_wait3A_242 : memref<10000x16xf32, #tpu.memory_space<hbm>>) dst(%dma_wait3A_237 : memref<128x16xf32, #tpu.memory_space<vmem>>)
      %dma_wait3A_243 = arith.constant 512 : i32
      %dma_wait3A_244 = arith.constant 0 : i32
      %dma_wait3A_245 = tpu.memref_slice %arg8[%dma_wait3A_243, %dma_wait3A_244] : memref<1024x16xf32, #tpu.memory_space<vmem>> -> memref<128x16xf32, #tpu.memory_space<vmem>>
      %dma_wait3A_246 = arith.constant 512 : i32
      %dma_wait3A_247 = tpu.memref_slice %arg7[%dma_wait3A_246] : memref<1024xi32, #tpu.memory_space<vmem>> -> memref<128xi32, #tpu.memory_space<vmem>>
      %dma_wait3A_248 = arith.constant 0 : i32
      %dma_wait3A_249 = arith.constant 0 : i32
      %dma_wait3A_250 = tpu.memref_slice %arg3[%dma_wait3A_248, %dma_wait3A_249] : memref<10000x16xf32, #tpu.memory_space<hbm>> -> memref<10000x16xf32, #tpu.memory_space<hbm>>
      tpu.wait_indirect_dma semaphore(%arg9 : memref<!tpu.dma_semaphore, #tpu.memory_space<semaphore_mem>>) src(%dma_wait3A_250 : memref<10000x16xf32, #tpu.memory_space<hbm>>) dst(%dma_wait3A_245 : memref<128x16xf32, #tpu.memory_space<vmem>>)
      %dma_wait3A_251 = arith.constant 640 : i32
      %dma_wait3A_252 = arith.constant 0 : i32
      %dma_wait3A_253 = tpu.memref_slice %arg8[%dma_wait3A_251, %dma_wait3A_252] : memref<1024x16xf32, #tpu.memory_space<vmem>> -> memref<128x16xf32, #tpu.memory_space<vmem>>
      %dma_wait3A_254 = arith.constant 640 : i32
      %dma_wait3A_255 = tpu.memref_slice %arg7[%dma_wait3A_254] : memref<1024xi32, #tpu.memory_space<vmem>> -> memref<128xi32, #tpu.memory_space<vmem>>
      %dma_wait3A_256 = arith.constant 0 : i32
      %dma_wait3A_257 = arith.constant 0 : i32
      %dma_wait3A_258 = tpu.memref_slice %arg3[%dma_wait3A_256, %dma_wait3A_257] : memref<10000x16xf32, #tpu.memory_space<hbm>> -> memref<10000x16xf32, #tpu.memory_space<hbm>>
      tpu.wait_indirect_dma semaphore(%arg9 : memref<!tpu.dma_semaphore, #tpu.memory_space<semaphore_mem>>) src(%dma_wait3A_258 : memref<10000x16xf32, #tpu.memory_space<hbm>>) dst(%dma_wait3A_253 : memref<128x16xf32, #tpu.memory_space<vmem>>)
      %dma_wait3A_259 = arith.constant 768 : i32
      %dma_wait3A_260 = arith.constant 0 : i32
      %dma_wait3A_261 = tpu.memref_slice %arg8[%dma_wait3A_259, %dma_wait3A_260] : memref<1024x16xf32, #tpu.memory_space<vmem>> -> memref<128x16xf32, #tpu.memory_space<vmem>>
      %dma_wait3A_262 = arith.constant 768 : i32
      %dma_wait3A_263 = tpu.memref_slice %arg7[%dma_wait3A_262] : memref<1024xi32, #tpu.memory_space<vmem>> -> memref<128xi32, #tpu.memory_space<vmem>>
      %dma_wait3A_264 = arith.constant 0 : i32
      %dma_wait3A_265 = arith.constant 0 : i32
      %dma_wait3A_266 = tpu.memref_slice %arg3[%dma_wait3A_264, %dma_wait3A_265] : memref<10000x16xf32, #tpu.memory_space<hbm>> -> memref<10000x16xf32, #tpu.memory_space<hbm>>
      tpu.wait_indirect_dma semaphore(%arg9 : memref<!tpu.dma_semaphore, #tpu.memory_space<semaphore_mem>>) src(%dma_wait3A_266 : memref<10000x16xf32, #tpu.memory_space<hbm>>) dst(%dma_wait3A_261 : memref<128x16xf32, #tpu.memory_space<vmem>>)
      %dma_wait3A_267 = arith.constant 896 : i32
      %dma_wait3A_268 = arith.constant 0 : i32
      %dma_wait3A_269 = tpu.memref_slice %arg8[%dma_wait3A_267, %dma_wait3A_268] : memref<1024x16xf32, #tpu.memory_space<vmem>> -> memref<128x16xf32, #tpu.memory_space<vmem>>
      %dma_wait3A_270 = arith.constant 896 : i32
      %dma_wait3A_271 = tpu.memref_slice %arg7[%dma_wait3A_270] : memref<1024xi32, #tpu.memory_space<vmem>> -> memref<128xi32, #tpu.memory_space<vmem>>
      %dma_wait3A_272 = arith.constant 0 : i32
      %dma_wait3A_273 = arith.constant 0 : i32
      %dma_wait3A_274 = tpu.memref_slice %arg3[%dma_wait3A_272, %dma_wait3A_273] : memref<10000x16xf32, #tpu.memory_space<hbm>> -> memref<10000x16xf32, #tpu.memory_space<hbm>>
      tpu.wait_indirect_dma semaphore(%arg9 : memref<!tpu.dma_semaphore, #tpu.memory_space<semaphore_mem>>) src(%dma_wait3A_274 : memref<10000x16xf32, #tpu.memory_space<hbm>>) dst(%dma_wait3A_269 : memref<128x16xf32, #tpu.memory_space<vmem>>)
      "tpu.region"() ({
        %run_scoped3A_275 = tpu.sem_alloc : memref<!tpu.dma_semaphore, #tpu.memory_space<semaphore_mem>>
        %dma_start3A_276 = arith.constant 0 : i32
        %dma_start3A_277 = arith.constant 0 : i32
        %dma_start3A_278 = tpu.memref_slice %arg8[%dma_start3A_276, %dma_start3A_277] : memref<1024x16xf32, #tpu.memory_space<vmem>> -> memref<1024x16xf32, #tpu.memory_space<vmem>>
        %dma_start3A_279 = arith.constant 0 : i32
        %dma_start3A_280 = tpu.memref_slice %arg5[%multiple_of3A, %dma_start3A_279] : memref<320000x16xf32, #tpu.memory_space<hbm>> -> memref<1024x16xf32, #tpu.memory_space<hbm>>
        %dma_start3A_281 = arith.constant 0 : i32
        %dma_start3A_282 = tpu.memref_slice %arg5[%multiple_of3A, %dma_start3A_281] : memref<320000x16xf32, #tpu.memory_space<hbm>> -> memref<1024x16xf32, #tpu.memory_space<hbm>>
        %dma_start3A_283 = arith.constant 0 : i32
        %dma_start3A_284 = arith.constant 0 : i32
        %dma_start3A_285 = tpu.memref_slice %arg8[%dma_start3A_283, %dma_start3A_284] : memref<1024x16xf32, #tpu.memory_space<vmem>> -> memref<1024x16xf32, #tpu.memory_space<vmem>>
        tpu.enqueue_dma source(%dma_start3A_285 : memref<1024x16xf32, #tpu.memory_space<vmem>>) target(%dma_start3A_282 : memref<1024x16xf32, #tpu.memory_space<hbm>>) target_semaphore(%run_scoped3A_275 : memref<!tpu.dma_semaphore, #tpu.memory_space<semaphore_mem>>)
        %dma_wait3A_286 = arith.constant 0 : i32
        %dma_wait3A_287 = arith.constant 0 : i32
        %dma_wait3A_288 = tpu.memref_slice %arg8[%dma_wait3A_286, %dma_wait3A_287] : memref<1024x16xf32, #tpu.memory_space<vmem>> -> memref<1024x16xf32, #tpu.memory_space<vmem>>
        %dma_wait3A_289 = arith.constant 0 : i32
        %dma_wait3A_290 = tpu.memref_slice %arg5[%multiple_of3A, %dma_wait3A_289] : memref<320000x16xf32, #tpu.memory_space<hbm>> -> memref<1024x16xf32, #tpu.memory_space<hbm>>
        %dma_wait3A_291 = arith.constant 0 : i32
        %dma_wait3A_292 = tpu.memref_slice %arg5[%multiple_of3A, %dma_wait3A_291] : memref<320000x16xf32, #tpu.memory_space<hbm>> -> memref<1024x16xf32, #tpu.memory_space<hbm>>
        %dma_wait3A_293 = arith.constant 0 : i32
        %dma_wait3A_294 = arith.constant 0 : i32
        %dma_wait3A_295 = tpu.memref_slice %arg8[%dma_wait3A_293, %dma_wait3A_294] : memref<1024x16xf32, #tpu.memory_space<vmem>> -> memref<1024x16xf32, #tpu.memory_space<vmem>>
        tpu.wait_dma2 semaphore(%run_scoped3A_275 : memref<!tpu.dma_semaphore, #tpu.memory_space<semaphore_mem>>) src(%dma_wait3A_295 : memref<1024x16xf32, #tpu.memory_space<vmem>>) dst(%dma_wait3A_292 : memref<1024x16xf32, #tpu.memory_space<hbm>>)
        tpu.yield
      }) : () -> ()
    }
    %while3A_11 = arith.constant 1 : i32
    scf.for %while3A_14 = %while3A_9 to %while3A_5 step %while3A_11  : i32 {
      %mul3A_15 = arith.constant 32 : i32
      %mul3A_16 = arith.muli %while3A_14, %mul3A_15 : i32
      %add3A_17 = arith.addi %add3A, %mul3A_16 : i32
      %mul3A_18 = arith.constant 1024 : i32
      %mul3A_19 = arith.muli %add3A_17, %mul3A_18 : i32
      %multiple_of3A = tpu.assume_multiple %mul3A_19, 8 : i32
      %run_scoped3A = arith.constant 0 : i32
      "tpu.region"() ({
        %run_scoped3A_275 = tpu.sem_alloc : memref<!tpu.dma_semaphore, #tpu.memory_space<semaphore_mem>>
        %dma_start3A_276 = arith.constant 0 : i32
        %dma_start3A_277 = tpu.memref_slice %arg6[%dma_start3A_276] : memref<1024xi32, #tpu.memory_space<vmem>> -> memref<1024xi32, #tpu.memory_space<vmem>>
        %dma_start3A_278 = tpu.memref_slice %arg4[%run_scoped3A, %multiple_of3A] : memref<2x320000xi32, #tpu.memory_space<hbm>> -> memref<1x1024xi32, #tpu.memory_space<hbm>>
        %dma_start3A_279 = tpu.memref_squeeze %dma_start3A_278 : memref<1x1024xi32, #tpu.memory_space<hbm>> -> memref<1024xi32, #tpu.memory_space<hbm>>
        %dma_start3A_280 = arith.constant 0 : i32
        %dma_start3A_281 = tpu.memref_slice %arg6[%dma_start3A_280] : memref<1024xi32, #tpu.memory_space<vmem>> -> memref<1024xi32, #tpu.memory_space<vmem>>
        %dma_start3A_282 = tpu.memref_slice %arg4[%run_scoped3A, %multiple_of3A] : memref<2x320000xi32, #tpu.memory_space<hbm>> -> memref<1x1024xi32, #tpu.memory_space<hbm>>
        %dma_start3A_283 = tpu.memref_squeeze %dma_start3A_282 : memref<1x1024xi32, #tpu.memory_space<hbm>> -> memref<1024xi32, #tpu.memory_space<hbm>>
        tpu.enqueue_dma source(%dma_start3A_283 : memref<1024xi32, #tpu.memory_space<hbm>>) target(%dma_start3A_281 : memref<1024xi32, #tpu.memory_space<vmem>>) target_semaphore(%run_scoped3A_275 : memref<!tpu.dma_semaphore, #tpu.memory_space<semaphore_mem>>)
        %dma_wait3A_284 = arith.constant 0 : i32
        %dma_wait3A_285 = tpu.memref_slice %arg6[%dma_wait3A_284] : memref<1024xi32, #tpu.memory_space<vmem>> -> memref<1024xi32, #tpu.memory_space<vmem>>
        %dma_wait3A_286 = tpu.memref_slice %arg4[%run_scoped3A, %multiple_of3A] : memref<2x320000xi32, #tpu.memory_space<hbm>> -> memref<1x1024xi32, #tpu.memory_space<hbm>>
        %dma_wait3A_287 = tpu.memref_squeeze %dma_wait3A_286 : memref<1x1024xi32, #tpu.memory_space<hbm>> -> memref<1024xi32, #tpu.memory_space<hbm>>
        %dma_wait3A_288 = arith.constant 0 : i32
        %dma_wait3A_289 = tpu.memref_slice %arg6[%dma_wait3A_288] : memref<1024xi32, #tpu.memory_space<vmem>> -> memref<1024xi32, #tpu.memory_space<vmem>>
        %dma_wait3A_290 = tpu.memref_slice %arg4[%run_scoped3A, %multiple_of3A] : memref<2x320000xi32, #tpu.memory_space<hbm>> -> memref<1x1024xi32, #tpu.memory_space<hbm>>
        %dma_wait3A_291 = tpu.memref_squeeze %dma_wait3A_290 : memref<1x1024xi32, #tpu.memory_space<hbm>> -> memref<1024xi32, #tpu.memory_space<hbm>>
        tpu.wait_dma2 semaphore(%run_scoped3A_275 : memref<!tpu.dma_semaphore, #tpu.memory_space<semaphore_mem>>) src(%dma_wait3A_291 : memref<1024xi32, #tpu.memory_space<hbm>>) dst(%dma_wait3A_289 : memref<1024xi32, #tpu.memory_space<vmem>>)
        tpu.yield
      }) : () -> ()
      %run_scoped3A_20 = arith.constant 1 : i32
      "tpu.region"() ({
        %run_scoped3A_275 = tpu.sem_alloc : memref<!tpu.dma_semaphore, #tpu.memory_space<semaphore_mem>>
        %dma_start3A_276 = arith.constant 0 : i32
        %dma_start3A_277 = tpu.memref_slice %arg7[%dma_start3A_276] : memref<1024xi32, #tpu.memory_space<vmem>> -> memref<1024xi32, #tpu.memory_space<vmem>>
        %dma_start3A_278 = tpu.memref_slice %arg4[%run_scoped3A_20, %multiple_of3A] : memref<2x320000xi32, #tpu.memory_space<hbm>> -> memref<1x1024xi32, #tpu.memory_space<hbm>>
        %dma_start3A_279 = tpu.memref_squeeze %dma_start3A_278 : memref<1x1024xi32, #tpu.memory_space<hbm>> -> memref<1024xi32, #tpu.memory_space<hbm>>
        %dma_start3A_280 = arith.constant 0 : i32
        %dma_start3A_281 = tpu.memref_slice %arg7[%dma_start3A_280] : memref<1024xi32, #tpu.memory_space<vmem>> -> memref<1024xi32, #tpu.memory_space<vmem>>
        %dma_start3A_282 = tpu.memref_slice %arg4[%run_scoped3A_20, %multiple_of3A] : memref<2x320000xi32, #tpu.memory_space<hbm>> -> memref<1x1024xi32, #tpu.memory_space<hbm>>
        %dma_start3A_283 = tpu.memref_squeeze %dma_start3A_282 : memref<1x1024xi32, #tpu.memory_space<hbm>> -> memref<1024xi32, #tpu.memory_space<hbm>>
        tpu.enqueue_dma source(%dma_start3A_283 : memref<1024xi32, #tpu.memory_space<hbm>>) target(%dma_start3A_281 : memref<1024xi32, #tpu.memory_space<vmem>>) target_semaphore(%run_scoped3A_275 : memref<!tpu.dma_semaphore, #tpu.memory_space<semaphore_mem>>)
        %dma_wait3A_284 = arith.constant 0 : i32
        %dma_wait3A_285 = tpu.memref_slice %arg7[%dma_wait3A_284] : memref<1024xi32, #tpu.memory_space<vmem>> -> memref<1024xi32, #tpu.memory_space<vmem>>
        %dma_wait3A_286 = tpu.memref_slice %arg4[%run_scoped3A_20, %multiple_of3A] : memref<2x320000xi32, #tpu.memory_space<hbm>> -> memref<1x1024xi32, #tpu.memory_space<hbm>>
        %dma_wait3A_287 = tpu.memref_squeeze %dma_wait3A_286 : memref<1x1024xi32, #tpu.memory_space<hbm>> -> memref<1024xi32, #tpu.memory_space<hbm>>
        %dma_wait3A_288 = arith.constant 0 : i32
        %dma_wait3A_289 = tpu.memref_slice %arg7[%dma_wait3A_288] : memref<1024xi32, #tpu.memory_space<vmem>> -> memref<1024xi32, #tpu.memory_space<vmem>>
        %dma_wait3A_290 = tpu.memref_slice %arg4[%run_scoped3A_20, %multiple_of3A] : memref<2x320000xi32, #tpu.memory_space<hbm>> -> memref<1x1024xi32, #tpu.memory_space<hbm>>
        %dma_wait3A_291 = tpu.memref_squeeze %dma_wait3A_290 : memref<1x1024xi32, #tpu.memory_space<hbm>> -> memref<1024xi32, #tpu.memory_space<hbm>>
        tpu.wait_dma2 semaphore(%run_scoped3A_275 : memref<!tpu.dma_semaphore, #tpu.memory_space<semaphore_mem>>) src(%dma_wait3A_291 : memref<1024xi32, #tpu.memory_space<hbm>>) dst(%dma_wait3A_289 : memref<1024xi32, #tpu.memory_space<vmem>>)
        tpu.yield
      }) : () -> ()
      %dma_start3A = arith.constant 0 : i32
      %dma_start3A_21 = arith.constant 0 : i32
      %dma_start3A_22 = tpu.memref_slice %arg8[%dma_start3A, %dma_start3A_21] : memref<1024x16xf32, #tpu.memory_space<vmem>> -> memref<128x16xf32, #tpu.memory_space<vmem>>
      %dma_start3A_23 = arith.constant 0 : i32
      %dma_start3A_24 = tpu.memref_slice %arg6[%dma_start3A_23] : memref<1024xi32, #tpu.memory_space<vmem>> -> memref<128xi32, #tpu.memory_space<vmem>>
      %dma_start3A_25 = arith.constant 0 : i32
      %dma_start3A_26 = arith.constant 0 : i32
      %dma_start3A_27 = tpu.memref_slice %arg2[%dma_start3A_25, %dma_start3A_26] : memref<10000x16xf32, #tpu.memory_space<hbm>> -> memref<10000x16xf32, #tpu.memory_space<hbm>>
      tpu.enqueue_indirect_dma source(%dma_start3A_27 : memref<10000x16xf32, #tpu.memory_space<hbm>>) target(%dma_start3A_22 : memref<128x16xf32, #tpu.memory_space<vmem>>) offsets(%dma_start3A_24 : memref<128xi32, #tpu.memory_space<vmem>>) semaphore(%arg9 : memref<!tpu.dma_semaphore, #tpu.memory_space<semaphore_mem>>)
      %dma_start3A_28 = arith.constant 128 : i32
      %dma_start3A_29 = arith.constant 0 : i32
      %dma_start3A_30 = tpu.memref_slice %arg8[%dma_start3A_28, %dma_start3A_29] : memref<1024x16xf32, #tpu.memory_space<vmem>> -> memref<128x16xf32, #tpu.memory_space<vmem>>
      %dma_start3A_31 = arith.constant 128 : i32
      %dma_start3A_32 = tpu.memref_slice %arg6[%dma_start3A_31] : memref<1024xi32, #tpu.memory_space<vmem>> -> memref<128xi32, #tpu.memory_space<vmem>>
      %dma_start3A_33 = arith.constant 0 : i32
      %dma_start3A_34 = arith.constant 0 : i32
      %dma_start3A_35 = tpu.memref_slice %arg2[%dma_start3A_33, %dma_start3A_34] : memref<10000x16xf32, #tpu.memory_space<hbm>> -> memref<10000x16xf32, #tpu.memory_space<hbm>>
      tpu.enqueue_indirect_dma source(%dma_start3A_35 : memref<10000x16xf32, #tpu.memory_space<hbm>>) target(%dma_start3A_30 : memref<128x16xf32, #tpu.memory_space<vmem>>) offsets(%dma_start3A_32 : memref<128xi32, #tpu.memory_space<vmem>>) semaphore(%arg9 : memref<!tpu.dma_semaphore, #tpu.memory_space<semaphore_mem>>)
      %dma_start3A_36 = arith.constant 256 : i32
      %dma_start3A_37 = arith.constant 0 : i32
      %dma_start3A_38 = tpu.memref_slice %arg8[%dma_start3A_36, %dma_start3A_37] : memref<1024x16xf32, #tpu.memory_space<vmem>> -> memref<128x16xf32, #tpu.memory_space<vmem>>
      %dma_start3A_39 = arith.constant 256 : i32
      %dma_start3A_40 = tpu.memref_slice %arg6[%dma_start3A_39] : memref<1024xi32, #tpu.memory_space<vmem>> -> memref<128xi32, #tpu.memory_space<vmem>>
      %dma_start3A_41 = arith.constant 0 : i32
      %dma_start3A_42 = arith.constant 0 : i32
      %dma_start3A_43 = tpu.memref_slice %arg2[%dma_start3A_41, %dma_start3A_42] : memref<10000x16xf32, #tpu.memory_space<hbm>> -> memref<10000x16xf32, #tpu.memory_space<hbm>>
      tpu.enqueue_indirect_dma source(%dma_start3A_43 : memref<10000x16xf32, #tpu.memory_space<hbm>>) target(%dma_start3A_38 : memref<128x16xf32, #tpu.memory_space<vmem>>) offsets(%dma_start3A_40 : memref<128xi32, #tpu.memory_space<vmem>>) semaphore(%arg9 : memref<!tpu.dma_semaphore, #tpu.memory_space<semaphore_mem>>)
      %dma_start3A_44 = arith.constant 384 : i32
      %dma_start3A_45 = arith.constant 0 : i32
      %dma_start3A_46 = tpu.memref_slice %arg8[%dma_start3A_44, %dma_start3A_45] : memref<1024x16xf32, #tpu.memory_space<vmem>> -> memref<128x16xf32, #tpu.memory_space<vmem>>
      %dma_start3A_47 = arith.constant 384 : i32
      %dma_start3A_48 = tpu.memref_slice %arg6[%dma_start3A_47] : memref<1024xi32, #tpu.memory_space<vmem>> -> memref<128xi32, #tpu.memory_space<vmem>>
      %dma_start3A_49 = arith.constant 0 : i32
      %dma_start3A_50 = arith.constant 0 : i32
      %dma_start3A_51 = tpu.memref_slice %arg2[%dma_start3A_49, %dma_start3A_50] : memref<10000x16xf32, #tpu.memory_space<hbm>> -> memref<10000x16xf32, #tpu.memory_space<hbm>>
      tpu.enqueue_indirect_dma source(%dma_start3A_51 : memref<10000x16xf32, #tpu.memory_space<hbm>>) target(%dma_start3A_46 : memref<128x16xf32, #tpu.memory_space<vmem>>) offsets(%dma_start3A_48 : memref<128xi32, #tpu.memory_space<vmem>>) semaphore(%arg9 : memref<!tpu.dma_semaphore, #tpu.memory_space<semaphore_mem>>)
      %dma_start3A_52 = arith.constant 512 : i32
      %dma_start3A_53 = arith.constant 0 : i32
      %dma_start3A_54 = tpu.memref_slice %arg8[%dma_start3A_52, %dma_start3A_53] : memref<1024x16xf32, #tpu.memory_space<vmem>> -> memref<128x16xf32, #tpu.memory_space<vmem>>
      %dma_start3A_55 = arith.constant 512 : i32
      %dma_start3A_56 = tpu.memref_slice %arg6[%dma_start3A_55] : memref<1024xi32, #tpu.memory_space<vmem>> -> memref<128xi32, #tpu.memory_space<vmem>>
      %dma_start3A_57 = arith.constant 0 : i32
      %dma_start3A_58 = arith.constant 0 : i32
      %dma_start3A_59 = tpu.memref_slice %arg2[%dma_start3A_57, %dma_start3A_58] : memref<10000x16xf32, #tpu.memory_space<hbm>> -> memref<10000x16xf32, #tpu.memory_space<hbm>>
      tpu.enqueue_indirect_dma source(%dma_start3A_59 : memref<10000x16xf32, #tpu.memory_space<hbm>>) target(%dma_start3A_54 : memref<128x16xf32, #tpu.memory_space<vmem>>) offsets(%dma_start3A_56 : memref<128xi32, #tpu.memory_space<vmem>>) semaphore(%arg9 : memref<!tpu.dma_semaphore, #tpu.memory_space<semaphore_mem>>)
      %dma_start3A_60 = arith.constant 640 : i32
      %dma_start3A_61 = arith.constant 0 : i32
      %dma_start3A_62 = tpu.memref_slice %arg8[%dma_start3A_60, %dma_start3A_61] : memref<1024x16xf32, #tpu.memory_space<vmem>> -> memref<128x16xf32, #tpu.memory_space<vmem>>
      %dma_start3A_63 = arith.constant 640 : i32
      %dma_start3A_64 = tpu.memref_slice %arg6[%dma_start3A_63] : memref<1024xi32, #tpu.memory_space<vmem>> -> memref<128xi32, #tpu.memory_space<vmem>>
      %dma_start3A_65 = arith.constant 0 : i32
      %dma_start3A_66 = arith.constant 0 : i32
      %dma_start3A_67 = tpu.memref_slice %arg2[%dma_start3A_65, %dma_start3A_66] : memref<10000x16xf32, #tpu.memory_space<hbm>> -> memref<10000x16xf32, #tpu.memory_space<hbm>>
      tpu.enqueue_indirect_dma source(%dma_start3A_67 : memref<10000x16xf32, #tpu.memory_space<hbm>>) target(%dma_start3A_62 : memref<128x16xf32, #tpu.memory_space<vmem>>) offsets(%dma_start3A_64 : memref<128xi32, #tpu.memory_space<vmem>>) semaphore(%arg9 : memref<!tpu.dma_semaphore, #tpu.memory_space<semaphore_mem>>)
      %dma_start3A_68 = arith.constant 768 : i32
      %dma_start3A_69 = arith.constant 0 : i32
      %dma_start3A_70 = tpu.memref_slice %arg8[%dma_start3A_68, %dma_start3A_69] : memref<1024x16xf32, #tpu.memory_space<vmem>> -> memref<128x16xf32, #tpu.memory_space<vmem>>
      %dma_start3A_71 = arith.constant 768 : i32
      %dma_start3A_72 = tpu.memref_slice %arg6[%dma_start3A_71] : memref<1024xi32, #tpu.memory_space<vmem>> -> memref<128xi32, #tpu.memory_space<vmem>>
      %dma_start3A_73 = arith.constant 0 : i32
      %dma_start3A_74 = arith.constant 0 : i32
      %dma_start3A_75 = tpu.memref_slice %arg2[%dma_start3A_73, %dma_start3A_74] : memref<10000x16xf32, #tpu.memory_space<hbm>> -> memref<10000x16xf32, #tpu.memory_space<hbm>>
      tpu.enqueue_indirect_dma source(%dma_start3A_75 : memref<10000x16xf32, #tpu.memory_space<hbm>>) target(%dma_start3A_70 : memref<128x16xf32, #tpu.memory_space<vmem>>) offsets(%dma_start3A_72 : memref<128xi32, #tpu.memory_space<vmem>>) semaphore(%arg9 : memref<!tpu.dma_semaphore, #tpu.memory_space<semaphore_mem>>)
      %dma_start3A_76 = arith.constant 896 : i32
      %dma_start3A_77 = arith.constant 0 : i32
      %dma_start3A_78 = tpu.memref_slice %arg8[%dma_start3A_76, %dma_start3A_77] : memref<1024x16xf32, #tpu.memory_space<vmem>> -> memref<128x16xf32, #tpu.memory_space<vmem>>
      %dma_start3A_79 = arith.constant 896 : i32
      %dma_start3A_80 = tpu.memref_slice %arg6[%dma_start3A_79] : memref<1024xi32, #tpu.memory_space<vmem>> -> memref<128xi32, #tpu.memory_space<vmem>>
      %dma_start3A_81 = arith.constant 0 : i32
      %dma_start3A_82 = arith.constant 0 : i32
      %dma_start3A_83 = tpu.memref_slice %arg2[%dma_start3A_81, %dma_start3A_82] : memref<10000x16xf32, #tpu.memory_space<hbm>> -> memref<10000x16xf32, #tpu.memory_space<hbm>>
      tpu.enqueue_indirect_dma source(%dma_start3A_83 : memref<10000x16xf32, #tpu.memory_space<hbm>>) target(%dma_start3A_78 : memref<128x16xf32, #tpu.memory_space<vmem>>) offsets(%dma_start3A_80 : memref<128xi32, #tpu.memory_space<vmem>>) semaphore(%arg9 : memref<!tpu.dma_semaphore, #tpu.memory_space<semaphore_mem>>)
      %dma_wait3A = arith.constant 0 : i32
      %dma_wait3A_84 = arith.constant 0 : i32
      %dma_wait3A_85 = tpu.memref_slice %arg8[%dma_wait3A, %dma_wait3A_84] : memref<1024x16xf32, #tpu.memory_space<vmem>> -> memref<128x16xf32, #tpu.memory_space<vmem>>
      %dma_wait3A_86 = arith.constant 0 : i32
      %dma_wait3A_87 = tpu.memref_slice %arg6[%dma_wait3A_86] : memref<1024xi32, #tpu.memory_space<vmem>> -> memref<128xi32, #tpu.memory_space<vmem>>
      %dma_wait3A_88 = arith.constant 0 : i32
      %dma_wait3A_89 = arith.constant 0 : i32
      %dma_wait3A_90 = tpu.memref_slice %arg2[%dma_wait3A_88, %dma_wait3A_89] : memref<10000x16xf32, #tpu.memory_space<hbm>> -> memref<10000x16xf32, #tpu.memory_space<hbm>>
      tpu.wait_indirect_dma semaphore(%arg9 : memref<!tpu.dma_semaphore, #tpu.memory_space<semaphore_mem>>) src(%dma_wait3A_90 : memref<10000x16xf32, #tpu.memory_space<hbm>>) dst(%dma_wait3A_85 : memref<128x16xf32, #tpu.memory_space<vmem>>)
      %dma_wait3A_91 = arith.constant 128 : i32
      %dma_wait3A_92 = arith.constant 0 : i32
      %dma_wait3A_93 = tpu.memref_slice %arg8[%dma_wait3A_91, %dma_wait3A_92] : memref<1024x16xf32, #tpu.memory_space<vmem>> -> memref<128x16xf32, #tpu.memory_space<vmem>>
      %dma_wait3A_94 = arith.constant 128 : i32
      %dma_wait3A_95 = tpu.memref_slice %arg6[%dma_wait3A_94] : memref<1024xi32, #tpu.memory_space<vmem>> -> memref<128xi32, #tpu.memory_space<vmem>>
      %dma_wait3A_96 = arith.constant 0 : i32
      %dma_wait3A_97 = arith.constant 0 : i32
      %dma_wait3A_98 = tpu.memref_slice %arg2[%dma_wait3A_96, %dma_wait3A_97] : memref<10000x16xf32, #tpu.memory_space<hbm>> -> memref<10000x16xf32, #tpu.memory_space<hbm>>
      tpu.wait_indirect_dma semaphore(%arg9 : memref<!tpu.dma_semaphore, #tpu.memory_space<semaphore_mem>>) src(%dma_wait3A_98 : memref<10000x16xf32, #tpu.memory_space<hbm>>) dst(%dma_wait3A_93 : memref<128x16xf32, #tpu.memory_space<vmem>>)
      %dma_wait3A_99 = arith.constant 256 : i32
      %dma_wait3A_100 = arith.constant 0 : i32
      %dma_wait3A_101 = tpu.memref_slice %arg8[%dma_wait3A_99, %dma_wait3A_100] : memref<1024x16xf32, #tpu.memory_space<vmem>> -> memref<128x16xf32, #tpu.memory_space<vmem>>
      %dma_wait3A_102 = arith.constant 256 : i32
      %dma_wait3A_103 = tpu.memref_slice %arg6[%dma_wait3A_102] : memref<1024xi32, #tpu.memory_space<vmem>> -> memref<128xi32, #tpu.memory_space<vmem>>
      %dma_wait3A_104 = arith.constant 0 : i32
      %dma_wait3A_105 = arith.constant 0 : i32
      %dma_wait3A_106 = tpu.memref_slice %arg2[%dma_wait3A_104, %dma_wait3A_105] : memref<10000x16xf32, #tpu.memory_space<hbm>> -> memref<10000x16xf32, #tpu.memory_space<hbm>>
      tpu.wait_indirect_dma semaphore(%arg9 : memref<!tpu.dma_semaphore, #tpu.memory_space<semaphore_mem>>) src(%dma_wait3A_106 : memref<10000x16xf32, #tpu.memory_space<hbm>>) dst(%dma_wait3A_101 : memref<128x16xf32, #tpu.memory_space<vmem>>)
      %dma_wait3A_107 = arith.constant 384 : i32
      %dma_wait3A_108 = arith.constant 0 : i32
      %dma_wait3A_109 = tpu.memref_slice %arg8[%dma_wait3A_107, %dma_wait3A_108] : memref<1024x16xf32, #tpu.memory_space<vmem>> -> memref<128x16xf32, #tpu.memory_space<vmem>>
      %dma_wait3A_110 = arith.constant 384 : i32
      %dma_wait3A_111 = tpu.memref_slice %arg6[%dma_wait3A_110] : memref<1024xi32, #tpu.memory_space<vmem>> -> memref<128xi32, #tpu.memory_space<vmem>>
      %dma_wait3A_112 = arith.constant 0 : i32
      %dma_wait3A_113 = arith.constant 0 : i32
      %dma_wait3A_114 = tpu.memref_slice %arg2[%dma_wait3A_112, %dma_wait3A_113] : memref<10000x16xf32, #tpu.memory_space<hbm>> -> memref<10000x16xf32, #tpu.memory_space<hbm>>
      tpu.wait_indirect_dma semaphore(%arg9 : memref<!tpu.dma_semaphore, #tpu.memory_space<semaphore_mem>>) src(%dma_wait3A_114 : memref<10000x16xf32, #tpu.memory_space<hbm>>) dst(%dma_wait3A_109 : memref<128x16xf32, #tpu.memory_space<vmem>>)
      %dma_wait3A_115 = arith.constant 512 : i32
      %dma_wait3A_116 = arith.constant 0 : i32
      %dma_wait3A_117 = tpu.memref_slice %arg8[%dma_wait3A_115, %dma_wait3A_116] : memref<1024x16xf32, #tpu.memory_space<vmem>> -> memref<128x16xf32, #tpu.memory_space<vmem>>
      %dma_wait3A_118 = arith.constant 512 : i32
      %dma_wait3A_119 = tpu.memref_slice %arg6[%dma_wait3A_118] : memref<1024xi32, #tpu.memory_space<vmem>> -> memref<128xi32, #tpu.memory_space<vmem>>
      %dma_wait3A_120 = arith.constant 0 : i32
      %dma_wait3A_121 = arith.constant 0 : i32
      %dma_wait3A_122 = tpu.memref_slice %arg2[%dma_wait3A_120, %dma_wait3A_121] : memref<10000x16xf32, #tpu.memory_space<hbm>> -> memref<10000x16xf32, #tpu.memory_space<hbm>>
      tpu.wait_indirect_dma semaphore(%arg9 : memref<!tpu.dma_semaphore, #tpu.memory_space<semaphore_mem>>) src(%dma_wait3A_122 : memref<10000x16xf32, #tpu.memory_space<hbm>>) dst(%dma_wait3A_117 : memref<128x16xf32, #tpu.memory_space<vmem>>)
      %dma_wait3A_123 = arith.constant 640 : i32
      %dma_wait3A_124 = arith.constant 0 : i32
      %dma_wait3A_125 = tpu.memref_slice %arg8[%dma_wait3A_123, %dma_wait3A_124] : memref<1024x16xf32, #tpu.memory_space<vmem>> -> memref<128x16xf32, #tpu.memory_space<vmem>>
      %dma_wait3A_126 = arith.constant 640 : i32
      %dma_wait3A_127 = tpu.memref_slice %arg6[%dma_wait3A_126] : memref<1024xi32, #tpu.memory_space<vmem>> -> memref<128xi32, #tpu.memory_space<vmem>>
      %dma_wait3A_128 = arith.constant 0 : i32
      %dma_wait3A_129 = arith.constant 0 : i32
      %dma_wait3A_130 = tpu.memref_slice %arg2[%dma_wait3A_128, %dma_wait3A_129] : memref<10000x16xf32, #tpu.memory_space<hbm>> -> memref<10000x16xf32, #tpu.memory_space<hbm>>
      tpu.wait_indirect_dma semaphore(%arg9 : memref<!tpu.dma_semaphore, #tpu.memory_space<semaphore_mem>>) src(%dma_wait3A_130 : memref<10000x16xf32, #tpu.memory_space<hbm>>) dst(%dma_wait3A_125 : memref<128x16xf32, #tpu.memory_space<vmem>>)
      %dma_wait3A_131 = arith.constant 768 : i32
      %dma_wait3A_132 = arith.constant 0 : i32
      %dma_wait3A_133 = tpu.memref_slice %arg8[%dma_wait3A_131, %dma_wait3A_132] : memref<1024x16xf32, #tpu.memory_space<vmem>> -> memref<128x16xf32, #tpu.memory_space<vmem>>
      %dma_wait3A_134 = arith.constant 768 : i32
      %dma_wait3A_135 = tpu.memref_slice %arg6[%dma_wait3A_134] : memref<1024xi32, #tpu.memory_space<vmem>> -> memref<128xi32, #tpu.memory_space<vmem>>
      %dma_wait3A_136 = arith.constant 0 : i32
      %dma_wait3A_137 = arith.constant 0 : i32
      %dma_wait3A_138 = tpu.memref_slice %arg2[%dma_wait3A_136, %dma_wait3A_137] : memref<10000x16xf32, #tpu.memory_space<hbm>> -> memref<10000x16xf32, #tpu.memory_space<hbm>>
      tpu.wait_indirect_dma semaphore(%arg9 : memref<!tpu.dma_semaphore, #tpu.memory_space<semaphore_mem>>) src(%dma_wait3A_138 : memref<10000x16xf32, #tpu.memory_space<hbm>>) dst(%dma_wait3A_133 : memref<128x16xf32, #tpu.memory_space<vmem>>)
      %dma_wait3A_139 = arith.constant 896 : i32
      %dma_wait3A_140 = arith.constant 0 : i32
      %dma_wait3A_141 = tpu.memref_slice %arg8[%dma_wait3A_139, %dma_wait3A_140] : memref<1024x16xf32, #tpu.memory_space<vmem>> -> memref<128x16xf32, #tpu.memory_space<vmem>>
      %dma_wait3A_142 = arith.constant 896 : i32
      %dma_wait3A_143 = tpu.memref_slice %arg6[%dma_wait3A_142] : memref<1024xi32, #tpu.memory_space<vmem>> -> memref<128xi32, #tpu.memory_space<vmem>>
      %dma_wait3A_144 = arith.constant 0 : i32
      %dma_wait3A_145 = arith.constant 0 : i32
      %dma_wait3A_146 = tpu.memref_slice %arg2[%dma_wait3A_144, %dma_wait3A_145] : memref<10000x16xf32, #tpu.memory_space<hbm>> -> memref<10000x16xf32, #tpu.memory_space<hbm>>
      tpu.wait_indirect_dma semaphore(%arg9 : memref<!tpu.dma_semaphore, #tpu.memory_space<semaphore_mem>>) src(%dma_wait3A_146 : memref<10000x16xf32, #tpu.memory_space<hbm>>) dst(%dma_wait3A_141 : memref<128x16xf32, #tpu.memory_space<vmem>>)
      %dma_start3A_147 = arith.constant 0 : i32
      %dma_start3A_148 = arith.constant 0 : i32
      %dma_start3A_149 = tpu.memref_slice %arg8[%dma_start3A_147, %dma_start3A_148] : memref<1024x16xf32, #tpu.memory_space<vmem>> -> memref<128x16xf32, #tpu.memory_space<vmem>>
      %dma_start3A_150 = arith.constant 0 : i32
      %dma_start3A_151 = tpu.memref_slice %arg7[%dma_start3A_150] : memref<1024xi32, #tpu.memory_space<vmem>> -> memref<128xi32, #tpu.memory_space<vmem>>
      %dma_start3A_152 = arith.constant 0 : i32
      %dma_start3A_153 = arith.constant 0 : i32
      %dma_start3A_154 = tpu.memref_slice %arg3[%dma_start3A_152, %dma_start3A_153] : memref<10000x16xf32, #tpu.memory_space<hbm>> -> memref<10000x16xf32, #tpu.memory_space<hbm>>
      tpu.enqueue_indirect_dma source(%dma_start3A_154 : memref<10000x16xf32, #tpu.memory_space<hbm>>) target(%dma_start3A_149 : memref<128x16xf32, #tpu.memory_space<vmem>>) offsets(%dma_start3A_151 : memref<128xi32, #tpu.memory_space<vmem>>) semaphore(%arg9 : memref<!tpu.dma_semaphore, #tpu.memory_space<semaphore_mem>>) {add = true}
      %dma_start3A_155 = arith.constant 128 : i32
      %dma_start3A_156 = arith.constant 0 : i32
      %dma_start3A_157 = tpu.memref_slice %arg8[%dma_start3A_155, %dma_start3A_156] : memref<1024x16xf32, #tpu.memory_space<vmem>> -> memref<128x16xf32, #tpu.memory_space<vmem>>
      %dma_start3A_158 = arith.constant 128 : i32
      %dma_start3A_159 = tpu.memref_slice %arg7[%dma_start3A_158] : memref<1024xi32, #tpu.memory_space<vmem>> -> memref<128xi32, #tpu.memory_space<vmem>>
      %dma_start3A_160 = arith.constant 0 : i32
      %dma_start3A_161 = arith.constant 0 : i32
      %dma_start3A_162 = tpu.memref_slice %arg3[%dma_start3A_160, %dma_start3A_161] : memref<10000x16xf32, #tpu.memory_space<hbm>> -> memref<10000x16xf32, #tpu.memory_space<hbm>>
      tpu.enqueue_indirect_dma source(%dma_start3A_162 : memref<10000x16xf32, #tpu.memory_space<hbm>>) target(%dma_start3A_157 : memref<128x16xf32, #tpu.memory_space<vmem>>) offsets(%dma_start3A_159 : memref<128xi32, #tpu.memory_space<vmem>>) semaphore(%arg9 : memref<!tpu.dma_semaphore, #tpu.memory_space<semaphore_mem>>) {add = true}
      %dma_start3A_163 = arith.constant 256 : i32
      %dma_start3A_164 = arith.constant 0 : i32
      %dma_start3A_165 = tpu.memref_slice %arg8[%dma_start3A_163, %dma_start3A_164] : memref<1024x16xf32, #tpu.memory_space<vmem>> -> memref<128x16xf32, #tpu.memory_space<vmem>>
      %dma_start3A_166 = arith.constant 256 : i32
      %dma_start3A_167 = tpu.memref_slice %arg7[%dma_start3A_166] : memref<1024xi32, #tpu.memory_space<vmem>> -> memref<128xi32, #tpu.memory_space<vmem>>
      %dma_start3A_168 = arith.constant 0 : i32
      %dma_start3A_169 = arith.constant 0 : i32
      %dma_start3A_170 = tpu.memref_slice %arg3[%dma_start3A_168, %dma_start3A_169] : memref<10000x16xf32, #tpu.memory_space<hbm>> -> memref<10000x16xf32, #tpu.memory_space<hbm>>
      tpu.enqueue_indirect_dma source(%dma_start3A_170 : memref<10000x16xf32, #tpu.memory_space<hbm>>) target(%dma_start3A_165 : memref<128x16xf32, #tpu.memory_space<vmem>>) offsets(%dma_start3A_167 : memref<128xi32, #tpu.memory_space<vmem>>) semaphore(%arg9 : memref<!tpu.dma_semaphore, #tpu.memory_space<semaphore_mem>>) {add = true}
      %dma_start3A_171 = arith.constant 384 : i32
      %dma_start3A_172 = arith.constant 0 : i32
      %dma_start3A_173 = tpu.memref_slice %arg8[%dma_start3A_171, %dma_start3A_172] : memref<1024x16xf32, #tpu.memory_space<vmem>> -> memref<128x16xf32, #tpu.memory_space<vmem>>
      %dma_start3A_174 = arith.constant 384 : i32
      %dma_start3A_175 = tpu.memref_slice %arg7[%dma_start3A_174] : memref<1024xi32, #tpu.memory_space<vmem>> -> memref<128xi32, #tpu.memory_space<vmem>>
      %dma_start3A_176 = arith.constant 0 : i32
      %dma_start3A_177 = arith.constant 0 : i32
      %dma_start3A_178 = tpu.memref_slice %arg3[%dma_start3A_176, %dma_start3A_177] : memref<10000x16xf32, #tpu.memory_space<hbm>> -> memref<10000x16xf32, #tpu.memory_space<hbm>>
      tpu.enqueue_indirect_dma source(%dma_start3A_178 : memref<10000x16xf32, #tpu.memory_space<hbm>>) target(%dma_start3A_173 : memref<128x16xf32, #tpu.memory_space<vmem>>) offsets(%dma_start3A_175 : memref<128xi32, #tpu.memory_space<vmem>>) semaphore(%arg9 : memref<!tpu.dma_semaphore, #tpu.memory_space<semaphore_mem>>) {add = true}
      %dma_start3A_179 = arith.constant 512 : i32
      %dma_start3A_180 = arith.constant 0 : i32
      %dma_start3A_181 = tpu.memref_slice %arg8[%dma_start3A_179, %dma_start3A_180] : memref<1024x16xf32, #tpu.memory_space<vmem>> -> memref<128x16xf32, #tpu.memory_space<vmem>>
      %dma_start3A_182 = arith.constant 512 : i32
      %dma_start3A_183 = tpu.memref_slice %arg7[%dma_start3A_182] : memref<1024xi32, #tpu.memory_space<vmem>> -> memref<128xi32, #tpu.memory_space<vmem>>
      %dma_start3A_184 = arith.constant 0 : i32
      %dma_start3A_185 = arith.constant 0 : i32
      %dma_start3A_186 = tpu.memref_slice %arg3[%dma_start3A_184, %dma_start3A_185] : memref<10000x16xf32, #tpu.memory_space<hbm>> -> memref<10000x16xf32, #tpu.memory_space<hbm>>
      tpu.enqueue_indirect_dma source(%dma_start3A_186 : memref<10000x16xf32, #tpu.memory_space<hbm>>) target(%dma_start3A_181 : memref<128x16xf32, #tpu.memory_space<vmem>>) offsets(%dma_start3A_183 : memref<128xi32, #tpu.memory_space<vmem>>) semaphore(%arg9 : memref<!tpu.dma_semaphore, #tpu.memory_space<semaphore_mem>>) {add = true}
      %dma_start3A_187 = arith.constant 640 : i32
      %dma_start3A_188 = arith.constant 0 : i32
      %dma_start3A_189 = tpu.memref_slice %arg8[%dma_start3A_187, %dma_start3A_188] : memref<1024x16xf32, #tpu.memory_space<vmem>> -> memref<128x16xf32, #tpu.memory_space<vmem>>
      %dma_start3A_190 = arith.constant 640 : i32
      %dma_start3A_191 = tpu.memref_slice %arg7[%dma_start3A_190] : memref<1024xi32, #tpu.memory_space<vmem>> -> memref<128xi32, #tpu.memory_space<vmem>>
      %dma_start3A_192 = arith.constant 0 : i32
      %dma_start3A_193 = arith.constant 0 : i32
      %dma_start3A_194 = tpu.memref_slice %arg3[%dma_start3A_192, %dma_start3A_193] : memref<10000x16xf32, #tpu.memory_space<hbm>> -> memref<10000x16xf32, #tpu.memory_space<hbm>>
      tpu.enqueue_indirect_dma source(%dma_start3A_194 : memref<10000x16xf32, #tpu.memory_space<hbm>>) target(%dma_start3A_189 : memref<128x16xf32, #tpu.memory_space<vmem>>) offsets(%dma_start3A_191 : memref<128xi32, #tpu.memory_space<vmem>>) semaphore(%arg9 : memref<!tpu.dma_semaphore, #tpu.memory_space<semaphore_mem>>) {add = true}
      %dma_start3A_195 = arith.constant 768 : i32
      %dma_start3A_196 = arith.constant 0 : i32
      %dma_start3A_197 = tpu.memref_slice %arg8[%dma_start3A_195, %dma_start3A_196] : memref<1024x16xf32, #tpu.memory_space<vmem>> -> memref<128x16xf32, #tpu.memory_space<vmem>>
      %dma_start3A_198 = arith.constant 768 : i32
      %dma_start3A_199 = tpu.memref_slice %arg7[%dma_start3A_198] : memref<1024xi32, #tpu.memory_space<vmem>> -> memref<128xi32, #tpu.memory_space<vmem>>
      %dma_start3A_200 = arith.constant 0 : i32
      %dma_start3A_201 = arith.constant 0 : i32
      %dma_start3A_202 = tpu.memref_slice %arg3[%dma_start3A_200, %dma_start3A_201] : memref<10000x16xf32, #tpu.memory_space<hbm>> -> memref<10000x16xf32, #tpu.memory_space<hbm>>
      tpu.enqueue_indirect_dma source(%dma_start3A_202 : memref<10000x16xf32, #tpu.memory_space<hbm>>) target(%dma_start3A_197 : memref<128x16xf32, #tpu.memory_space<vmem>>) offsets(%dma_start3A_199 : memref<128xi32, #tpu.memory_space<vmem>>) semaphore(%arg9 : memref<!tpu.dma_semaphore, #tpu.memory_space<semaphore_mem>>) {add = true}
      %dma_start3A_203 = arith.constant 896 : i32
      %dma_start3A_204 = arith.constant 0 : i32
      %dma_start3A_205 = tpu.memref_slice %arg8[%dma_start3A_203, %dma_start3A_204] : memref<1024x16xf32, #tpu.memory_space<vmem>> -> memref<128x16xf32, #tpu.memory_space<vmem>>
      %dma_start3A_206 = arith.constant 896 : i32
      %dma_start3A_207 = tpu.memref_slice %arg7[%dma_start3A_206] : memref<1024xi32, #tpu.memory_space<vmem>> -> memref<128xi32, #tpu.memory_space<vmem>>
      %dma_start3A_208 = arith.constant 0 : i32
      %dma_start3A_209 = arith.constant 0 : i32
      %dma_start3A_210 = tpu.memref_slice %arg3[%dma_start3A_208, %dma_start3A_209] : memref<10000x16xf32, #tpu.memory_space<hbm>> -> memref<10000x16xf32, #tpu.memory_space<hbm>>
      tpu.enqueue_indirect_dma source(%dma_start3A_210 : memref<10000x16xf32, #tpu.memory_space<hbm>>) target(%dma_start3A_205 : memref<128x16xf32, #tpu.memory_space<vmem>>) offsets(%dma_start3A_207 : memref<128xi32, #tpu.memory_space<vmem>>) semaphore(%arg9 : memref<!tpu.dma_semaphore, #tpu.memory_space<semaphore_mem>>) {add = true}
      %dma_wait3A_211 = arith.constant 0 : i32
      %dma_wait3A_212 = arith.constant 0 : i32
      %dma_wait3A_213 = tpu.memref_slice %arg8[%dma_wait3A_211, %dma_wait3A_212] : memref<1024x16xf32, #tpu.memory_space<vmem>> -> memref<128x16xf32, #tpu.memory_space<vmem>>
      %dma_wait3A_214 = arith.constant 0 : i32
      %dma_wait3A_215 = tpu.memref_slice %arg7[%dma_wait3A_214] : memref<1024xi32, #tpu.memory_space<vmem>> -> memref<128xi32, #tpu.memory_space<vmem>>
      %dma_wait3A_216 = arith.constant 0 : i32
      %dma_wait3A_217 = arith.constant 0 : i32
      %dma_wait3A_218 = tpu.memref_slice %arg3[%dma_wait3A_216, %dma_wait3A_217] : memref<10000x16xf32, #tpu.memory_space<hbm>> -> memref<10000x16xf32, #tpu.memory_space<hbm>>
      tpu.wait_indirect_dma semaphore(%arg9 : memref<!tpu.dma_semaphore, #tpu.memory_space<semaphore_mem>>) src(%dma_wait3A_218 : memref<10000x16xf32, #tpu.memory_space<hbm>>) dst(%dma_wait3A_213 : memref<128x16xf32, #tpu.memory_space<vmem>>)
      %dma_wait3A_219 = arith.constant 128 : i32
      %dma_wait3A_220 = arith.constant 0 : i32
      %dma_wait3A_221 = tpu.memref_slice %arg8[%dma_wait3A_219, %dma_wait3A_220] : memref<1024x16xf32, #tpu.memory_space<vmem>> -> memref<128x16xf32, #tpu.memory_space<vmem>>
      %dma_wait3A_222 = arith.constant 128 : i32
      %dma_wait3A_223 = tpu.memref_slice %arg7[%dma_wait3A_222] : memref<1024xi32, #tpu.memory_space<vmem>> -> memref<128xi32, #tpu.memory_space<vmem>>
      %dma_wait3A_224 = arith.constant 0 : i32
      %dma_wait3A_225 = arith.constant 0 : i32
      %dma_wait3A_226 = tpu.memref_slice %arg3[%dma_wait3A_224, %dma_wait3A_225] : memref<10000x16xf32, #tpu.memory_space<hbm>> -> memref<10000x16xf32, #tpu.memory_space<hbm>>
      tpu.wait_indirect_dma semaphore(%arg9 : memref<!tpu.dma_semaphore, #tpu.memory_space<semaphore_mem>>) src(%dma_wait3A_226 : memref<10000x16xf32, #tpu.memory_space<hbm>>) dst(%dma_wait3A_221 : memref<128x16xf32, #tpu.memory_space<vmem>>)
      %dma_wait3A_227 = arith.constant 256 : i32
      %dma_wait3A_228 = arith.constant 0 : i32
      %dma_wait3A_229 = tpu.memref_slice %arg8[%dma_wait3A_227, %dma_wait3A_228] : memref<1024x16xf32, #tpu.memory_space<vmem>> -> memref<128x16xf32, #tpu.memory_space<vmem>>
      %dma_wait3A_230 = arith.constant 256 : i32
      %dma_wait3A_231 = tpu.memref_slice %arg7[%dma_wait3A_230] : memref<1024xi32, #tpu.memory_space<vmem>> -> memref<128xi32, #tpu.memory_space<vmem>>
      %dma_wait3A_232 = arith.constant 0 : i32
      %dma_wait3A_233 = arith.constant 0 : i32
      %dma_wait3A_234 = tpu.memref_slice %arg3[%dma_wait3A_232, %dma_wait3A_233] : memref<10000x16xf32, #tpu.memory_space<hbm>> -> memref<10000x16xf32, #tpu.memory_space<hbm>>
      tpu.wait_indirect_dma semaphore(%arg9 : memref<!tpu.dma_semaphore, #tpu.memory_space<semaphore_mem>>) src(%dma_wait3A_234 : memref<10000x16xf32, #tpu.memory_space<hbm>>) dst(%dma_wait3A_229 : memref<128x16xf32, #tpu.memory_space<vmem>>)
      %dma_wait3A_235 = arith.constant 384 : i32
      %dma_wait3A_236 = arith.constant 0 : i32
      %dma_wait3A_237 = tpu.memref_slice %arg8[%dma_wait3A_235, %dma_wait3A_236] : memref<1024x16xf32, #tpu.memory_space<vmem>> -> memref<128x16xf32, #tpu.memory_space<vmem>>
      %dma_wait3A_238 = arith.constant 384 : i32
      %dma_wait3A_239 = tpu.memref_slice %arg7[%dma_wait3A_238] : memref<1024xi32, #tpu.memory_space<vmem>> -> memref<128xi32, #tpu.memory_space<vmem>>
      %dma_wait3A_240 = arith.constant 0 : i32
      %dma_wait3A_241 = arith.constant 0 : i32
      %dma_wait3A_242 = tpu.memref_slice %arg3[%dma_wait3A_240, %dma_wait3A_241] : memref<10000x16xf32, #tpu.memory_space<hbm>> -> memref<10000x16xf32, #tpu.memory_space<hbm>>
      tpu.wait_indirect_dma semaphore(%arg9 : memref<!tpu.dma_semaphore, #tpu.memory_space<semaphore_mem>>) src(%dma_wait3A_242 : memref<10000x16xf32, #tpu.memory_space<hbm>>) dst(%dma_wait3A_237 : memref<128x16xf32, #tpu.memory_space<vmem>>)
      %dma_wait3A_243 = arith.constant 512 : i32
      %dma_wait3A_244 = arith.constant 0 : i32
      %dma_wait3A_245 = tpu.memref_slice %arg8[%dma_wait3A_243, %dma_wait3A_244] : memref<1024x16xf32, #tpu.memory_space<vmem>> -> memref<128x16xf32, #tpu.memory_space<vmem>>
      %dma_wait3A_246 = arith.constant 512 : i32
      %dma_wait3A_247 = tpu.memref_slice %arg7[%dma_wait3A_246] : memref<1024xi32, #tpu.memory_space<vmem>> -> memref<128xi32, #tpu.memory_space<vmem>>
      %dma_wait3A_248 = arith.constant 0 : i32
      %dma_wait3A_249 = arith.constant 0 : i32
      %dma_wait3A_250 = tpu.memref_slice %arg3[%dma_wait3A_248, %dma_wait3A_249] : memref<10000x16xf32, #tpu.memory_space<hbm>> -> memref<10000x16xf32, #tpu.memory_space<hbm>>
      tpu.wait_indirect_dma semaphore(%arg9 : memref<!tpu.dma_semaphore, #tpu.memory_space<semaphore_mem>>) src(%dma_wait3A_250 : memref<10000x16xf32, #tpu.memory_space<hbm>>) dst(%dma_wait3A_245 : memref<128x16xf32, #tpu.memory_space<vmem>>)
      %dma_wait3A_251 = arith.constant 640 : i32
      %dma_wait3A_252 = arith.constant 0 : i32
      %dma_wait3A_253 = tpu.memref_slice %arg8[%dma_wait3A_251, %dma_wait3A_252] : memref<1024x16xf32, #tpu.memory_space<vmem>> -> memref<128x16xf32, #tpu.memory_space<vmem>>
      %dma_wait3A_254 = arith.constant 640 : i32
      %dma_wait3A_255 = tpu.memref_slice %arg7[%dma_wait3A_254] : memref<1024xi32, #tpu.memory_space<vmem>> -> memref<128xi32, #tpu.memory_space<vmem>>
      %dma_wait3A_256 = arith.constant 0 : i32
      %dma_wait3A_257 = arith.constant 0 : i32
      %dma_wait3A_258 = tpu.memref_slice %arg3[%dma_wait3A_256, %dma_wait3A_257] : memref<10000x16xf32, #tpu.memory_space<hbm>> -> memref<10000x16xf32, #tpu.memory_space<hbm>>
      tpu.wait_indirect_dma semaphore(%arg9 : memref<!tpu.dma_semaphore, #tpu.memory_space<semaphore_mem>>) src(%dma_wait3A_258 : memref<10000x16xf32, #tpu.memory_space<hbm>>) dst(%dma_wait3A_253 : memref<128x16xf32, #tpu.memory_space<vmem>>)
      %dma_wait3A_259 = arith.constant 768 : i32
      %dma_wait3A_260 = arith.constant 0 : i32
      %dma_wait3A_261 = tpu.memref_slice %arg8[%dma_wait3A_259, %dma_wait3A_260] : memref<1024x16xf32, #tpu.memory_space<vmem>> -> memref<128x16xf32, #tpu.memory_space<vmem>>
      %dma_wait3A_262 = arith.constant 768 : i32
      %dma_wait3A_263 = tpu.memref_slice %arg7[%dma_wait3A_262] : memref<1024xi32, #tpu.memory_space<vmem>> -> memref<128xi32, #tpu.memory_space<vmem>>
      %dma_wait3A_264 = arith.constant 0 : i32
      %dma_wait3A_265 = arith.constant 0 : i32
      %dma_wait3A_266 = tpu.memref_slice %arg3[%dma_wait3A_264, %dma_wait3A_265] : memref<10000x16xf32, #tpu.memory_space<hbm>> -> memref<10000x16xf32, #tpu.memory_space<hbm>>
      tpu.wait_indirect_dma semaphore(%arg9 : memref<!tpu.dma_semaphore, #tpu.memory_space<semaphore_mem>>) src(%dma_wait3A_266 : memref<10000x16xf32, #tpu.memory_space<hbm>>) dst(%dma_wait3A_261 : memref<128x16xf32, #tpu.memory_space<vmem>>)
      %dma_wait3A_267 = arith.constant 896 : i32
      %dma_wait3A_268 = arith.constant 0 : i32
      %dma_wait3A_269 = tpu.memref_slice %arg8[%dma_wait3A_267, %dma_wait3A_268] : memref<1024x16xf32, #tpu.memory_space<vmem>> -> memref<128x16xf32, #tpu.memory_space<vmem>>
      %dma_wait3A_270 = arith.constant 896 : i32
      %dma_wait3A_271 = tpu.memref_slice %arg7[%dma_wait3A_270] : memref<1024xi32, #tpu.memory_space<vmem>> -> memref<128xi32, #tpu.memory_space<vmem>>
      %dma_wait3A_272 = arith.constant 0 : i32
      %dma_wait3A_273 = arith.constant 0 : i32
      %dma_wait3A_274 = tpu.memref_slice %arg3[%dma_wait3A_272, %dma_wait3A_273] : memref<10000x16xf32, #tpu.memory_space<hbm>> -> memref<10000x16xf32, #tpu.memory_space<hbm>>
      tpu.wait_indirect_dma semaphore(%arg9 : memref<!tpu.dma_semaphore, #tpu.memory_space<semaphore_mem>>) src(%dma_wait3A_274 : memref<10000x16xf32, #tpu.memory_space<hbm>>) dst(%dma_wait3A_269 : memref<128x16xf32, #tpu.memory_space<vmem>>)
      "tpu.region"() ({
        %run_scoped3A_275 = tpu.sem_alloc : memref<!tpu.dma_semaphore, #tpu.memory_space<semaphore_mem>>
        %dma_start3A_276 = arith.constant 0 : i32
        %dma_start3A_277 = arith.constant 0 : i32
        %dma_start3A_278 = tpu.memref_slice %arg8[%dma_start3A_276, %dma_start3A_277] : memref<1024x16xf32, #tpu.memory_space<vmem>> -> memref<1024x16xf32, #tpu.memory_space<vmem>>
        %dma_start3A_279 = arith.constant 0 : i32
        %dma_start3A_280 = tpu.memref_slice %arg5[%multiple_of3A, %dma_start3A_279] : memref<320000x16xf32, #tpu.memory_space<hbm>> -> memref<1024x16xf32, #tpu.memory_space<hbm>>
        %dma_start3A_281 = arith.constant 0 : i32
        %dma_start3A_282 = tpu.memref_slice %arg5[%multiple_of3A, %dma_start3A_281] : memref<320000x16xf32, #tpu.memory_space<hbm>> -> memref<1024x16xf32, #tpu.memory_space<hbm>>
        %dma_start3A_283 = arith.constant 0 : i32
        %dma_start3A_284 = arith.constant 0 : i32
        %dma_start3A_285 = tpu.memref_slice %arg8[%dma_start3A_283, %dma_start3A_284] : memref<1024x16xf32, #tpu.memory_space<vmem>> -> memref<1024x16xf32, #tpu.memory_space<vmem>>
        tpu.enqueue_dma source(%dma_start3A_285 : memref<1024x16xf32, #tpu.memory_space<vmem>>) target(%dma_start3A_282 : memref<1024x16xf32, #tpu.memory_space<hbm>>) target_semaphore(%run_scoped3A_275 : memref<!tpu.dma_semaphore, #tpu.memory_space<semaphore_mem>>)
        %dma_wait3A_286 = arith.constant 0 : i32
        %dma_wait3A_287 = arith.constant 0 : i32
        %dma_wait3A_288 = tpu.memref_slice %arg8[%dma_wait3A_286, %dma_wait3A_287] : memref<1024x16xf32, #tpu.memory_space<vmem>> -> memref<1024x16xf32, #tpu.memory_space<vmem>>
        %dma_wait3A_289 = arith.constant 0 : i32
        %dma_wait3A_290 = tpu.memref_slice %arg5[%multiple_of3A, %dma_wait3A_289] : memref<320000x16xf32, #tpu.memory_space<hbm>> -> memref<1024x16xf32, #tpu.memory_space<hbm>>
        %dma_wait3A_291 = arith.constant 0 : i32
        %dma_wait3A_292 = tpu.memref_slice %arg5[%multiple_of3A, %dma_wait3A_291] : memref<320000x16xf32, #tpu.memory_space<hbm>> -> memref<1024x16xf32, #tpu.memory_space<hbm>>
        %dma_wait3A_293 = arith.constant 0 : i32
        %dma_wait3A_294 = arith.constant 0 : i32
        %dma_wait3A_295 = tpu.memref_slice %arg8[%dma_wait3A_293, %dma_wait3A_294] : memref<1024x16xf32, #tpu.memory_space<vmem>> -> memref<1024x16xf32, #tpu.memory_space<vmem>>
        tpu.wait_dma2 semaphore(%run_scoped3A_275 : memref<!tpu.dma_semaphore, #tpu.memory_space<semaphore_mem>>) src(%dma_wait3A_295 : memref<1024x16xf32, #tpu.memory_space<vmem>>) dst(%dma_wait3A_292 : memref<1024x16xf32, #tpu.memory_space<hbm>>)
        tpu.yield
      }) : () -> ()
    }
    %eq3A = arith.constant 31 : i32
    %eq3A_12 = arith.cmpi eq, %add3A, %eq3A : i32
    %convert_element_type3A = arith.extui %eq3A_12 : i1 to i32
    %cond3A = arith.constant 0 : i32
    %cond3A_13 = arith.cmpi ne, %convert_element_type3A, %cond3A : i32
    scf.if %cond3A_13 {
      %run_scoped3A = arith.constant 0 : i32
      "tpu.region"() ({
        %run_scoped3A_141 = tpu.sem_alloc : memref<!tpu.dma_semaphore, #tpu.memory_space<semaphore_mem>>
        %dma_start3A_142 = arith.constant 0 : i32
        %dma_start3A_143 = tpu.memref_slice %arg6[%dma_start3A_142] : memref<1024xi32, #tpu.memory_space<vmem>> -> memref<512xi32, #tpu.memory_space<vmem>>
        %dma_start3A_144 = arith.constant 319488 : i32
        %dma_start3A_145 = tpu.memref_slice %arg4[%run_scoped3A, %dma_start3A_144] : memref<2x320000xi32, #tpu.memory_space<hbm>> -> memref<1x512xi32, #tpu.memory_space<hbm>>
        %dma_start3A_146 = tpu.memref_squeeze %dma_start3A_145 : memref<1x512xi32, #tpu.memory_space<hbm>> -> memref<512xi32, #tpu.memory_space<hbm>>
        %dma_start3A_147 = arith.constant 0 : i32
        %dma_start3A_148 = tpu.memref_slice %arg6[%dma_start3A_147] : memref<1024xi32, #tpu.memory_space<vmem>> -> memref<512xi32, #tpu.memory_space<vmem>>
        %dma_start3A_149 = arith.constant 319488 : i32
        %dma_start3A_150 = tpu.memref_slice %arg4[%run_scoped3A, %dma_start3A_149] : memref<2x320000xi32, #tpu.memory_space<hbm>> -> memref<1x512xi32, #tpu.memory_space<hbm>>
        %dma_start3A_151 = tpu.memref_squeeze %dma_start3A_150 : memref<1x512xi32, #tpu.memory_space<hbm>> -> memref<512xi32, #tpu.memory_space<hbm>>
        tpu.enqueue_dma source(%dma_start3A_151 : memref<512xi32, #tpu.memory_space<hbm>>) target(%dma_start3A_148 : memref<512xi32, #tpu.memory_space<vmem>>) target_semaphore(%run_scoped3A_141 : memref<!tpu.dma_semaphore, #tpu.memory_space<semaphore_mem>>)
        %dma_wait3A_152 = arith.constant 0 : i32
        %dma_wait3A_153 = tpu.memref_slice %arg6[%dma_wait3A_152] : memref<1024xi32, #tpu.memory_space<vmem>> -> memref<512xi32, #tpu.memory_space<vmem>>
        %dma_wait3A_154 = arith.constant 319488 : i32
        %dma_wait3A_155 = tpu.memref_slice %arg4[%run_scoped3A, %dma_wait3A_154] : memref<2x320000xi32, #tpu.memory_space<hbm>> -> memref<1x512xi32, #tpu.memory_space<hbm>>
        %dma_wait3A_156 = tpu.memref_squeeze %dma_wait3A_155 : memref<1x512xi32, #tpu.memory_space<hbm>> -> memref<512xi32, #tpu.memory_space<hbm>>
        %dma_wait3A_157 = arith.constant 0 : i32
        %dma_wait3A_158 = tpu.memref_slice %arg6[%dma_wait3A_157] : memref<1024xi32, #tpu.memory_space<vmem>> -> memref<512xi32, #tpu.memory_space<vmem>>
        %dma_wait3A_159 = arith.constant 319488 : i32
        %dma_wait3A_160 = tpu.memref_slice %arg4[%run_scoped3A, %dma_wait3A_159] : memref<2x320000xi32, #tpu.memory_space<hbm>> -> memref<1x512xi32, #tpu.memory_space<hbm>>
        %dma_wait3A_161 = tpu.memref_squeeze %dma_wait3A_160 : memref<1x512xi32, #tpu.memory_space<hbm>> -> memref<512xi32, #tpu.memory_space<hbm>>
        tpu.wait_dma2 semaphore(%run_scoped3A_141 : memref<!tpu.dma_semaphore, #tpu.memory_space<semaphore_mem>>) src(%dma_wait3A_161 : memref<512xi32, #tpu.memory_space<hbm>>) dst(%dma_wait3A_158 : memref<512xi32, #tpu.memory_space<vmem>>)
        tpu.yield
      }) : () -> ()
      %run_scoped3A_14 = arith.constant 1 : i32
      "tpu.region"() ({
        %run_scoped3A_141 = tpu.sem_alloc : memref<!tpu.dma_semaphore, #tpu.memory_space<semaphore_mem>>
        %dma_start3A_142 = arith.constant 0 : i32
        %dma_start3A_143 = tpu.memref_slice %arg7[%dma_start3A_142] : memref<1024xi32, #tpu.memory_space<vmem>> -> memref<512xi32, #tpu.memory_space<vmem>>
        %dma_start3A_144 = arith.constant 319488 : i32
        %dma_start3A_145 = tpu.memref_slice %arg4[%run_scoped3A_14, %dma_start3A_144] : memref<2x320000xi32, #tpu.memory_space<hbm>> -> memref<1x512xi32, #tpu.memory_space<hbm>>
        %dma_start3A_146 = tpu.memref_squeeze %dma_start3A_145 : memref<1x512xi32, #tpu.memory_space<hbm>> -> memref<512xi32, #tpu.memory_space<hbm>>
        %dma_start3A_147 = arith.constant 0 : i32
        %dma_start3A_148 = tpu.memref_slice %arg7[%dma_start3A_147] : memref<1024xi32, #tpu.memory_space<vmem>> -> memref<512xi32, #tpu.memory_space<vmem>>
        %dma_start3A_149 = arith.constant 319488 : i32
        %dma_start3A_150 = tpu.memref_slice %arg4[%run_scoped3A_14, %dma_start3A_149] : memref<2x320000xi32, #tpu.memory_space<hbm>> -> memref<1x512xi32, #tpu.memory_space<hbm>>
        %dma_start3A_151 = tpu.memref_squeeze %dma_start3A_150 : memref<1x512xi32, #tpu.memory_space<hbm>> -> memref<512xi32, #tpu.memory_space<hbm>>
        tpu.enqueue_dma source(%dma_start3A_151 : memref<512xi32, #tpu.memory_space<hbm>>) target(%dma_start3A_148 : memref<512xi32, #tpu.memory_space<vmem>>) target_semaphore(%run_scoped3A_141 : memref<!tpu.dma_semaphore, #tpu.memory_space<semaphore_mem>>)
        %dma_wait3A_152 = arith.constant 0 : i32
        %dma_wait3A_153 = tpu.memref_slice %arg7[%dma_wait3A_152] : memref<1024xi32, #tpu.memory_space<vmem>> -> memref<512xi32, #tpu.memory_space<vmem>>
        %dma_wait3A_154 = arith.constant 319488 : i32
        %dma_wait3A_155 = tpu.memref_slice %arg4[%run_scoped3A_14, %dma_wait3A_154] : memref<2x320000xi32, #tpu.memory_space<hbm>> -> memref<1x512xi32, #tpu.memory_space<hbm>>
        %dma_wait3A_156 = tpu.memref_squeeze %dma_wait3A_155 : memref<1x512xi32, #tpu.memory_space<hbm>> -> memref<512xi32, #tpu.memory_space<hbm>>
        %dma_wait3A_157 = arith.constant 0 : i32
        %dma_wait3A_158 = tpu.memref_slice %arg7[%dma_wait3A_157] : memref<1024xi32, #tpu.memory_space<vmem>> -> memref<512xi32, #tpu.memory_space<vmem>>
        %dma_wait3A_159 = arith.constant 319488 : i32
        %dma_wait3A_160 = tpu.memref_slice %arg4[%run_scoped3A_14, %dma_wait3A_159] : memref<2x320000xi32, #tpu.memory_space<hbm>> -> memref<1x512xi32, #tpu.memory_space<hbm>>
        %dma_wait3A_161 = tpu.memref_squeeze %dma_wait3A_160 : memref<1x512xi32, #tpu.memory_space<hbm>> -> memref<512xi32, #tpu.memory_space<hbm>>
        tpu.wait_dma2 semaphore(%run_scoped3A_141 : memref<!tpu.dma_semaphore, #tpu.memory_space<semaphore_mem>>) src(%dma_wait3A_161 : memref<512xi32, #tpu.memory_space<hbm>>) dst(%dma_wait3A_158 : memref<512xi32, #tpu.memory_space<vmem>>)
        tpu.yield
      }) : () -> ()
      %dma_start3A = arith.constant 0 : i32
      %dma_start3A_15 = arith.constant 0 : i32
      %dma_start3A_16 = tpu.memref_slice %arg8[%dma_start3A, %dma_start3A_15] : memref<1024x16xf32, #tpu.memory_space<vmem>> -> memref<128x16xf32, #tpu.memory_space<vmem>>
      %dma_start3A_17 = arith.constant 0 : i32
      %dma_start3A_18 = tpu.memref_slice %arg6[%dma_start3A_17] : memref<1024xi32, #tpu.memory_space<vmem>> -> memref<128xi32, #tpu.memory_space<vmem>>
      %dma_start3A_19 = arith.constant 0 : i32
      %dma_start3A_20 = arith.constant 0 : i32
      %dma_start3A_21 = tpu.memref_slice %arg2[%dma_start3A_19, %dma_start3A_20] : memref<10000x16xf32, #tpu.memory_space<hbm>> -> memref<10000x16xf32, #tpu.memory_space<hbm>>
      tpu.enqueue_indirect_dma source(%dma_start3A_21 : memref<10000x16xf32, #tpu.memory_space<hbm>>) target(%dma_start3A_16 : memref<128x16xf32, #tpu.memory_space<vmem>>) offsets(%dma_start3A_18 : memref<128xi32, #tpu.memory_space<vmem>>) semaphore(%arg9 : memref<!tpu.dma_semaphore, #tpu.memory_space<semaphore_mem>>)
      %dma_start3A_22 = arith.constant 128 : i32
      %dma_start3A_23 = arith.constant 0 : i32
      %dma_start3A_24 = tpu.memref_slice %arg8[%dma_start3A_22, %dma_start3A_23] : memref<1024x16xf32, #tpu.memory_space<vmem>> -> memref<128x16xf32, #tpu.memory_space<vmem>>
      %dma_start3A_25 = arith.constant 128 : i32
      %dma_start3A_26 = tpu.memref_slice %arg6[%dma_start3A_25] : memref<1024xi32, #tpu.memory_space<vmem>> -> memref<128xi32, #tpu.memory_space<vmem>>
      %dma_start3A_27 = arith.constant 0 : i32
      %dma_start3A_28 = arith.constant 0 : i32
      %dma_start3A_29 = tpu.memref_slice %arg2[%dma_start3A_27, %dma_start3A_28] : memref<10000x16xf32, #tpu.memory_space<hbm>> -> memref<10000x16xf32, #tpu.memory_space<hbm>>
      tpu.enqueue_indirect_dma source(%dma_start3A_29 : memref<10000x16xf32, #tpu.memory_space<hbm>>) target(%dma_start3A_24 : memref<128x16xf32, #tpu.memory_space<vmem>>) offsets(%dma_start3A_26 : memref<128xi32, #tpu.memory_space<vmem>>) semaphore(%arg9 : memref<!tpu.dma_semaphore, #tpu.memory_space<semaphore_mem>>)
      %dma_start3A_30 = arith.constant 256 : i32
      %dma_start3A_31 = arith.constant 0 : i32
      %dma_start3A_32 = tpu.memref_slice %arg8[%dma_start3A_30, %dma_start3A_31] : memref<1024x16xf32, #tpu.memory_space<vmem>> -> memref<128x16xf32, #tpu.memory_space<vmem>>
      %dma_start3A_33 = arith.constant 256 : i32
      %dma_start3A_34 = tpu.memref_slice %arg6[%dma_start3A_33] : memref<1024xi32, #tpu.memory_space<vmem>> -> memref<128xi32, #tpu.memory_space<vmem>>
      %dma_start3A_35 = arith.constant 0 : i32
      %dma_start3A_36 = arith.constant 0 : i32
      %dma_start3A_37 = tpu.memref_slice %arg2[%dma_start3A_35, %dma_start3A_36] : memref<10000x16xf32, #tpu.memory_space<hbm>> -> memref<10000x16xf32, #tpu.memory_space<hbm>>
      tpu.enqueue_indirect_dma source(%dma_start3A_37 : memref<10000x16xf32, #tpu.memory_space<hbm>>) target(%dma_start3A_32 : memref<128x16xf32, #tpu.memory_space<vmem>>) offsets(%dma_start3A_34 : memref<128xi32, #tpu.memory_space<vmem>>) semaphore(%arg9 : memref<!tpu.dma_semaphore, #tpu.memory_space<semaphore_mem>>)
      %dma_start3A_38 = arith.constant 384 : i32
      %dma_start3A_39 = arith.constant 0 : i32
      %dma_start3A_40 = tpu.memref_slice %arg8[%dma_start3A_38, %dma_start3A_39] : memref<1024x16xf32, #tpu.memory_space<vmem>> -> memref<128x16xf32, #tpu.memory_space<vmem>>
      %dma_start3A_41 = arith.constant 384 : i32
      %dma_start3A_42 = tpu.memref_slice %arg6[%dma_start3A_41] : memref<1024xi32, #tpu.memory_space<vmem>> -> memref<128xi32, #tpu.memory_space<vmem>>
      %dma_start3A_43 = arith.constant 0 : i32
      %dma_start3A_44 = arith.constant 0 : i32
      %dma_start3A_45 = tpu.memref_slice %arg2[%dma_start3A_43, %dma_start3A_44] : memref<10000x16xf32, #tpu.memory_space<hbm>> -> memref<10000x16xf32, #tpu.memory_space<hbm>>
      tpu.enqueue_indirect_dma source(%dma_start3A_45 : memref<10000x16xf32, #tpu.memory_space<hbm>>) target(%dma_start3A_40 : memref<128x16xf32, #tpu.memory_space<vmem>>) offsets(%dma_start3A_42 : memref<128xi32, #tpu.memory_space<vmem>>) semaphore(%arg9 : memref<!tpu.dma_semaphore, #tpu.memory_space<semaphore_mem>>)
      %dma_wait3A = arith.constant 0 : i32
      %dma_wait3A_46 = arith.constant 0 : i32
      %dma_wait3A_47 = tpu.memref_slice %arg8[%dma_wait3A, %dma_wait3A_46] : memref<1024x16xf32, #tpu.memory_space<vmem>> -> memref<128x16xf32, #tpu.memory_space<vmem>>
      %dma_wait3A_48 = arith.constant 0 : i32
      %dma_wait3A_49 = tpu.memref_slice %arg6[%dma_wait3A_48] : memref<1024xi32, #tpu.memory_space<vmem>> -> memref<128xi32, #tpu.memory_space<vmem>>
      %dma_wait3A_50 = arith.constant 0 : i32
      %dma_wait3A_51 = arith.constant 0 : i32
      %dma_wait3A_52 = tpu.memref_slice %arg2[%dma_wait3A_50, %dma_wait3A_51] : memref<10000x16xf32, #tpu.memory_space<hbm>> -> memref<10000x16xf32, #tpu.memory_space<hbm>>
      tpu.wait_indirect_dma semaphore(%arg9 : memref<!tpu.dma_semaphore, #tpu.memory_space<semaphore_mem>>) src(%dma_wait3A_52 : memref<10000x16xf32, #tpu.memory_space<hbm>>) dst(%dma_wait3A_47 : memref<128x16xf32, #tpu.memory_space<vmem>>)
      %dma_wait3A_53 = arith.constant 128 : i32
      %dma_wait3A_54 = arith.constant 0 : i32
      %dma_wait3A_55 = tpu.memref_slice %arg8[%dma_wait3A_53, %dma_wait3A_54] : memref<1024x16xf32, #tpu.memory_space<vmem>> -> memref<128x16xf32, #tpu.memory_space<vmem>>
      %dma_wait3A_56 = arith.constant 128 : i32
      %dma_wait3A_57 = tpu.memref_slice %arg6[%dma_wait3A_56] : memref<1024xi32, #tpu.memory_space<vmem>> -> memref<128xi32, #tpu.memory_space<vmem>>
      %dma_wait3A_58 = arith.constant 0 : i32
      %dma_wait3A_59 = arith.constant 0 : i32
      %dma_wait3A_60 = tpu.memref_slice %arg2[%dma_wait3A_58, %dma_wait3A_59] : memref<10000x16xf32, #tpu.memory_space<hbm>> -> memref<10000x16xf32, #tpu.memory_space<hbm>>
      tpu.wait_indirect_dma semaphore(%arg9 : memref<!tpu.dma_semaphore, #tpu.memory_space<semaphore_mem>>) src(%dma_wait3A_60 : memref<10000x16xf32, #tpu.memory_space<hbm>>) dst(%dma_wait3A_55 : memref<128x16xf32, #tpu.memory_space<vmem>>)
      %dma_wait3A_61 = arith.constant 256 : i32
      %dma_wait3A_62 = arith.constant 0 : i32
      %dma_wait3A_63 = tpu.memref_slice %arg8[%dma_wait3A_61, %dma_wait3A_62] : memref<1024x16xf32, #tpu.memory_space<vmem>> -> memref<128x16xf32, #tpu.memory_space<vmem>>
      %dma_wait3A_64 = arith.constant 256 : i32
      %dma_wait3A_65 = tpu.memref_slice %arg6[%dma_wait3A_64] : memref<1024xi32, #tpu.memory_space<vmem>> -> memref<128xi32, #tpu.memory_space<vmem>>
      %dma_wait3A_66 = arith.constant 0 : i32
      %dma_wait3A_67 = arith.constant 0 : i32
      %dma_wait3A_68 = tpu.memref_slice %arg2[%dma_wait3A_66, %dma_wait3A_67] : memref<10000x16xf32, #tpu.memory_space<hbm>> -> memref<10000x16xf32, #tpu.memory_space<hbm>>
      tpu.wait_indirect_dma semaphore(%arg9 : memref<!tpu.dma_semaphore, #tpu.memory_space<semaphore_mem>>) src(%dma_wait3A_68 : memref<10000x16xf32, #tpu.memory_space<hbm>>) dst(%dma_wait3A_63 : memref<128x16xf32, #tpu.memory_space<vmem>>)
      %dma_wait3A_69 = arith.constant 384 : i32
      %dma_wait3A_70 = arith.constant 0 : i32
      %dma_wait3A_71 = tpu.memref_slice %arg8[%dma_wait3A_69, %dma_wait3A_70] : memref<1024x16xf32, #tpu.memory_space<vmem>> -> memref<128x16xf32, #tpu.memory_space<vmem>>
      %dma_wait3A_72 = arith.constant 384 : i32
      %dma_wait3A_73 = tpu.memref_slice %arg6[%dma_wait3A_72] : memref<1024xi32, #tpu.memory_space<vmem>> -> memref<128xi32, #tpu.memory_space<vmem>>
      %dma_wait3A_74 = arith.constant 0 : i32
      %dma_wait3A_75 = arith.constant 0 : i32
      %dma_wait3A_76 = tpu.memref_slice %arg2[%dma_wait3A_74, %dma_wait3A_75] : memref<10000x16xf32, #tpu.memory_space<hbm>> -> memref<10000x16xf32, #tpu.memory_space<hbm>>
      tpu.wait_indirect_dma semaphore(%arg9 : memref<!tpu.dma_semaphore, #tpu.memory_space<semaphore_mem>>) src(%dma_wait3A_76 : memref<10000x16xf32, #tpu.memory_space<hbm>>) dst(%dma_wait3A_71 : memref<128x16xf32, #tpu.memory_space<vmem>>)
      %dma_start3A_77 = arith.constant 0 : i32
      %dma_start3A_78 = arith.constant 0 : i32
      %dma_start3A_79 = tpu.memref_slice %arg8[%dma_start3A_77, %dma_start3A_78] : memref<1024x16xf32, #tpu.memory_space<vmem>> -> memref<128x16xf32, #tpu.memory_space<vmem>>
      %dma_start3A_80 = arith.constant 0 : i32
      %dma_start3A_81 = tpu.memref_slice %arg7[%dma_start3A_80] : memref<1024xi32, #tpu.memory_space<vmem>> -> memref<128xi32, #tpu.memory_space<vmem>>
      %dma_start3A_82 = arith.constant 0 : i32
      %dma_start3A_83 = arith.constant 0 : i32
      %dma_start3A_84 = tpu.memref_slice %arg3[%dma_start3A_82, %dma_start3A_83] : memref<10000x16xf32, #tpu.memory_space<hbm>> -> memref<10000x16xf32, #tpu.memory_space<hbm>>
      tpu.enqueue_indirect_dma source(%dma_start3A_84 : memref<10000x16xf32, #tpu.memory_space<hbm>>) target(%dma_start3A_79 : memref<128x16xf32, #tpu.memory_space<vmem>>) offsets(%dma_start3A_81 : memref<128xi32, #tpu.memory_space<vmem>>) semaphore(%arg9 : memref<!tpu.dma_semaphore, #tpu.memory_space<semaphore_mem>>) {add = true}
      %dma_start3A_85 = arith.constant 128 : i32
      %dma_start3A_86 = arith.constant 0 : i32
      %dma_start3A_87 = tpu.memref_slice %arg8[%dma_start3A_85, %dma_start3A_86] : memref<1024x16xf32, #tpu.memory_space<vmem>> -> memref<128x16xf32, #tpu.memory_space<vmem>>
      %dma_start3A_88 = arith.constant 128 : i32
      %dma_start3A_89 = tpu.memref_slice %arg7[%dma_start3A_88] : memref<1024xi32, #tpu.memory_space<vmem>> -> memref<128xi32, #tpu.memory_space<vmem>>
      %dma_start3A_90 = arith.constant 0 : i32
      %dma_start3A_91 = arith.constant 0 : i32
      %dma_start3A_92 = tpu.memref_slice %arg3[%dma_start3A_90, %dma_start3A_91] : memref<10000x16xf32, #tpu.memory_space<hbm>> -> memref<10000x16xf32, #tpu.memory_space<hbm>>
      tpu.enqueue_indirect_dma source(%dma_start3A_92 : memref<10000x16xf32, #tpu.memory_space<hbm>>) target(%dma_start3A_87 : memref<128x16xf32, #tpu.memory_space<vmem>>) offsets(%dma_start3A_89 : memref<128xi32, #tpu.memory_space<vmem>>) semaphore(%arg9 : memref<!tpu.dma_semaphore, #tpu.memory_space<semaphore_mem>>) {add = true}
      %dma_start3A_93 = arith.constant 256 : i32
      %dma_start3A_94 = arith.constant 0 : i32
      %dma_start3A_95 = tpu.memref_slice %arg8[%dma_start3A_93, %dma_start3A_94] : memref<1024x16xf32, #tpu.memory_space<vmem>> -> memref<128x16xf32, #tpu.memory_space<vmem>>
      %dma_start3A_96 = arith.constant 256 : i32
      %dma_start3A_97 = tpu.memref_slice %arg7[%dma_start3A_96] : memref<1024xi32, #tpu.memory_space<vmem>> -> memref<128xi32, #tpu.memory_space<vmem>>
      %dma_start3A_98 = arith.constant 0 : i32
      %dma_start3A_99 = arith.constant 0 : i32
      %dma_start3A_100 = tpu.memref_slice %arg3[%dma_start3A_98, %dma_start3A_99] : memref<10000x16xf32, #tpu.memory_space<hbm>> -> memref<10000x16xf32, #tpu.memory_space<hbm>>
      tpu.enqueue_indirect_dma source(%dma_start3A_100 : memref<10000x16xf32, #tpu.memory_space<hbm>>) target(%dma_start3A_95 : memref<128x16xf32, #tpu.memory_space<vmem>>) offsets(%dma_start3A_97 : memref<128xi32, #tpu.memory_space<vmem>>) semaphore(%arg9 : memref<!tpu.dma_semaphore, #tpu.memory_space<semaphore_mem>>) {add = true}
      %dma_start3A_101 = arith.constant 384 : i32
      %dma_start3A_102 = arith.constant 0 : i32
      %dma_start3A_103 = tpu.memref_slice %arg8[%dma_start3A_101, %dma_start3A_102] : memref<1024x16xf32, #tpu.memory_space<vmem>> -> memref<128x16xf32, #tpu.memory_space<vmem>>
      %dma_start3A_104 = arith.constant 384 : i32
      %dma_start3A_105 = tpu.memref_slice %arg7[%dma_start3A_104] : memref<1024xi32, #tpu.memory_space<vmem>> -> memref<128xi32, #tpu.memory_space<vmem>>
      %dma_start3A_106 = arith.constant 0 : i32
      %dma_start3A_107 = arith.constant 0 : i32
      %dma_start3A_108 = tpu.memref_slice %arg3[%dma_start3A_106, %dma_start3A_107] : memref<10000x16xf32, #tpu.memory_space<hbm>> -> memref<10000x16xf32, #tpu.memory_space<hbm>>
      tpu.enqueue_indirect_dma source(%dma_start3A_108 : memref<10000x16xf32, #tpu.memory_space<hbm>>) target(%dma_start3A_103 : memref<128x16xf32, #tpu.memory_space<vmem>>) offsets(%dma_start3A_105 : memref<128xi32, #tpu.memory_space<vmem>>) semaphore(%arg9 : memref<!tpu.dma_semaphore, #tpu.memory_space<semaphore_mem>>) {add = true}
      %dma_wait3A_109 = arith.constant 0 : i32
      %dma_wait3A_110 = arith.constant 0 : i32
      %dma_wait3A_111 = tpu.memref_slice %arg8[%dma_wait3A_109, %dma_wait3A_110] : memref<1024x16xf32, #tpu.memory_space<vmem>> -> memref<128x16xf32, #tpu.memory_space<vmem>>
      %dma_wait3A_112 = arith.constant 0 : i32
      %dma_wait3A_113 = tpu.memref_slice %arg7[%dma_wait3A_112] : memref<1024xi32, #tpu.memory_space<vmem>> -> memref<128xi32, #tpu.memory_space<vmem>>
      %dma_wait3A_114 = arith.constant 0 : i32
      %dma_wait3A_115 = arith.constant 0 : i32
      %dma_wait3A_116 = tpu.memref_slice %arg3[%dma_wait3A_114, %dma_wait3A_115] : memref<10000x16xf32, #tpu.memory_space<hbm>> -> memref<10000x16xf32, #tpu.memory_space<hbm>>
      tpu.wait_indirect_dma semaphore(%arg9 : memref<!tpu.dma_semaphore, #tpu.memory_space<semaphore_mem>>) src(%dma_wait3A_116 : memref<10000x16xf32, #tpu.memory_space<hbm>>) dst(%dma_wait3A_111 : memref<128x16xf32, #tpu.memory_space<vmem>>)
      %dma_wait3A_117 = arith.constant 128 : i32
      %dma_wait3A_118 = arith.constant 0 : i32
      %dma_wait3A_119 = tpu.memref_slice %arg8[%dma_wait3A_117, %dma_wait3A_118] : memref<1024x16xf32, #tpu.memory_space<vmem>> -> memref<128x16xf32, #tpu.memory_space<vmem>>
      %dma_wait3A_120 = arith.constant 128 : i32
      %dma_wait3A_121 = tpu.memref_slice %arg7[%dma_wait3A_120] : memref<1024xi32, #tpu.memory_space<vmem>> -> memref<128xi32, #tpu.memory_space<vmem>>
      %dma_wait3A_122 = arith.constant 0 : i32
      %dma_wait3A_123 = arith.constant 0 : i32
      %dma_wait3A_124 = tpu.memref_slice %arg3[%dma_wait3A_122, %dma_wait3A_123] : memref<10000x16xf32, #tpu.memory_space<hbm>> -> memref<10000x16xf32, #tpu.memory_space<hbm>>
      tpu.wait_indirect_dma semaphore(%arg9 : memref<!tpu.dma_semaphore, #tpu.memory_space<semaphore_mem>>) src(%dma_wait3A_124 : memref<10000x16xf32, #tpu.memory_space<hbm>>) dst(%dma_wait3A_119 : memref<128x16xf32, #tpu.memory_space<vmem>>)
      %dma_wait3A_125 = arith.constant 256 : i32
      %dma_wait3A_126 = arith.constant 0 : i32
      %dma_wait3A_127 = tpu.memref_slice %arg8[%dma_wait3A_125, %dma_wait3A_126] : memref<1024x16xf32, #tpu.memory_space<vmem>> -> memref<128x16xf32, #tpu.memory_space<vmem>>
      %dma_wait3A_128 = arith.constant 256 : i32
      %dma_wait3A_129 = tpu.memref_slice %arg7[%dma_wait3A_128] : memref<1024xi32, #tpu.memory_space<vmem>> -> memref<128xi32, #tpu.memory_space<vmem>>
      %dma_wait3A_130 = arith.constant 0 : i32
      %dma_wait3A_131 = arith.constant 0 : i32
      %dma_wait3A_132 = tpu.memref_slice %arg3[%dma_wait3A_130, %dma_wait3A_131] : memref<10000x16xf32, #tpu.memory_space<hbm>> -> memref<10000x16xf32, #tpu.memory_space<hbm>>
      tpu.wait_indirect_dma semaphore(%arg9 : memref<!tpu.dma_semaphore, #tpu.memory_space<semaphore_mem>>) src(%dma_wait3A_132 : memref<10000x16xf32, #tpu.memory_space<hbm>>) dst(%dma_wait3A_127 : memref<128x16xf32, #tpu.memory_space<vmem>>)
      %dma_wait3A_133 = arith.constant 384 : i32
      %dma_wait3A_134 = arith.constant 0 : i32
      %dma_wait3A_135 = tpu.memref_slice %arg8[%dma_wait3A_133, %dma_wait3A_134] : memref<1024x16xf32, #tpu.memory_space<vmem>> -> memref<128x16xf32, #tpu.memory_space<vmem>>
      %dma_wait3A_136 = arith.constant 384 : i32
      %dma_wait3A_137 = tpu.memref_slice %arg7[%dma_wait3A_136] : memref<1024xi32, #tpu.memory_space<vmem>> -> memref<128xi32, #tpu.memory_space<vmem>>
      %dma_wait3A_138 = arith.constant 0 : i32
      %dma_wait3A_139 = arith.constant 0 : i32
      %dma_wait3A_140 = tpu.memref_slice %arg3[%dma_wait3A_138, %dma_wait3A_139] : memref<10000x16xf32, #tpu.memory_space<hbm>> -> memref<10000x16xf32, #tpu.memory_space<hbm>>
      tpu.wait_indirect_dma semaphore(%arg9 : memref<!tpu.dma_semaphore, #tpu.memory_space<semaphore_mem>>) src(%dma_wait3A_140 : memref<10000x16xf32, #tpu.memory_space<hbm>>) dst(%dma_wait3A_135 : memref<128x16xf32, #tpu.memory_space<vmem>>)
      "tpu.region"() ({
        %run_scoped3A_141 = tpu.sem_alloc : memref<!tpu.dma_semaphore, #tpu.memory_space<semaphore_mem>>
        %dma_start3A_142 = arith.constant 0 : i32
        %dma_start3A_143 = arith.constant 0 : i32
        %dma_start3A_144 = tpu.memref_slice %arg8[%dma_start3A_142, %dma_start3A_143] : memref<1024x16xf32, #tpu.memory_space<vmem>> -> memref<512x16xf32, #tpu.memory_space<vmem>>
        %dma_start3A_145 = arith.constant 319488 : i32
        %dma_start3A_146 = arith.constant 0 : i32
        %dma_start3A_147 = tpu.memref_slice %arg5[%dma_start3A_145, %dma_start3A_146] : memref<320000x16xf32, #tpu.memory_space<hbm>> -> memref<512x16xf32, #tpu.memory_space<hbm>>
        %dma_start3A_148 = arith.constant 319488 : i32
        %dma_start3A_149 = arith.constant 0 : i32
        %dma_start3A_150 = tpu.memref_slice %arg5[%dma_start3A_148, %dma_start3A_149] : memref<320000x16xf32, #tpu.memory_space<hbm>> -> memref<512x16xf32, #tpu.memory_space<hbm>>
        %dma_start3A_151 = arith.constant 0 : i32
        %dma_start3A_152 = arith.constant 0 : i32
        %dma_start3A_153 = tpu.memref_slice %arg8[%dma_start3A_151, %dma_start3A_152] : memref<1024x16xf32, #tpu.memory_space<vmem>> -> memref<512x16xf32, #tpu.memory_space<vmem>>
        tpu.enqueue_dma source(%dma_start3A_153 : memref<512x16xf32, #tpu.memory_space<vmem>>) target(%dma_start3A_150 : memref<512x16xf32, #tpu.memory_space<hbm>>) target_semaphore(%run_scoped3A_141 : memref<!tpu.dma_semaphore, #tpu.memory_space<semaphore_mem>>)
        %dma_wait3A_154 = arith.constant 0 : i32
        %dma_wait3A_155 = arith.constant 0 : i32
        %dma_wait3A_156 = tpu.memref_slice %arg8[%dma_wait3A_154, %dma_wait3A_155] : memref<1024x16xf32, #tpu.memory_space<vmem>> -> memref<512x16xf32, #tpu.memory_space<vmem>>
        %dma_wait3A_157 = arith.constant 319488 : i32
        %dma_wait3A_158 = arith.constant 0 : i32
        %dma_wait3A_159 = tpu.memref_slice %arg5[%dma_wait3A_157, %dma_wait3A_158] : memref<320000x16xf32, #tpu.memory_space<hbm>> -> memref<512x16xf32, #tpu.memory_space<hbm>>
        %dma_wait3A_160 = arith.constant 319488 : i32
        %dma_wait3A_161 = arith.constant 0 : i32
        %dma_wait3A_162 = tpu.memref_slice %arg5[%dma_wait3A_160, %dma_wait3A_161] : memref<320000x16xf32, #tpu.memory_space<hbm>> -> memref<512x16xf32, #tpu.memory_space<hbm>>
        %dma_wait3A_163 = arith.constant 0 : i32
        %dma_wait3A_164 = arith.constant 0 : i32
        %dma_wait3A_165 = tpu.memref_slice %arg8[%dma_wait3A_163, %dma_wait3A_164] : memref<1024x16xf32, #tpu.memory_space<vmem>> -> memref<512x16xf32, #tpu.memory_space<vmem>>
        tpu.wait_dma2 semaphore(%run_scoped3A_141 : memref<!tpu.dma_semaphore, #tpu.memory_space<semaphore_mem>>) src(%dma_wait3A_165 : memref<512x16xf32, #tpu.memory_space<vmem>>) dst(%dma_wait3A_162 : memref<512x16xf32, #tpu.memory_space<hbm>>)
        tpu.yield
      }) : () -> ()
    } else {
    }
    return
  }
}

#map = affine_map<(d0, d1) -> (0, 0)>
#map1 = affine_map<(d0, d1) -> (0, 0, 0)>
module attributes {stable_mosaic.version = 14 : i64} {
  func.func @scatter_k(%arg0: i32, %arg1: i32, %arg2: memref<320000x16xf32, #tpu.memory_space<hbm>>, %arg3: memref<2500x128xi32, #tpu.memory_space<hbm>>, %arg4: memref<2x10112x16xf32, #tpu.memory_space<hbm>>, %arg5: memref<8x128xi32, #tpu.memory_space<vmem>>, %arg6: memref<1024x16xf32, #tpu.memory_space<vmem>>, %arg7: memref<10112x16xf32, #tpu.memory_space<vmem_shared>>, %arg8: memref<!tpu.dma_semaphore, #tpu.memory_space<semaphore_mem>>) attributes {dimension_semantics = [#tpu.dimension_semantics<core_parallel>, #tpu.dimension_semantics<subcore_parallel>], iteration_bounds = array<i64: 2, 16>, scalar_prefetch = 0 : i64, scratch_operands = 4 : i64, tpu.core_type = #tpu.core_type<sc_vector_subcore>, window_params = [{transform_indices = #map}, {transform_indices = #map}, {transform_indices = #map1}]} {
    %mul3A = arith.constant 2 : i32
    %mul3A_0 = arith.muli %arg1, %mul3A : i32
    %add3A = arith.addi %mul3A_0, %arg0 : i32
    %lt3A = arith.constant 24 : i32
    %lt3A_1 = arith.cmpi slt, %add3A, %lt3A : i32
    %jit3A = arith.constant 10 : i32
    %jit3A_2 = arith.constant 9 : i32
    %select_n3A = arith.select %lt3A_1, %jit3A, %jit3A_2 : i32
    %mul3A_3 = arith.constant 632 : i32
    %mul3A_4 = arith.muli %arg1, %mul3A_3 : i32
    %multiple_of3A = tpu.assume_multiple %mul3A_4, 8 : i32
    %scan3A = arith.constant 0 : i32
    %scan3A_5 = arith.constant 0 : i32
    %scan3A_6 = arith.constant 632 : i32
    %scan3A_7 = arith.addi %scan3A_5, %scan3A_6 : i32
    %scan3A_8 = arith.constant 1 : i32
    scf.for %scan3A_22 = %scan3A_5 to %scan3A_7 step %scan3A_8  : i32 {
      %broadcast_in_dim3A = arith.constant 0.000000e+00 : f32
      %broadcast_in_dim3A_23 = vector.broadcast %broadcast_in_dim3A : f32 to vector<16xf32>
      %swap3A = arith.index_cast %scan3A_22 : i32 to index
      %swap3A_24 = arith.constant 0 : index
      %swap3A_25 = tpu.vector_load %arg6[%swap3A, %swap3A_24] {strides = array<i32>} : memref<1024x16xf32, #tpu.memory_space<vmem>>, vector<1x16xf32>,
      %swap3A_26 = vector.shape_cast %swap3A_25 : vector<1x16xf32> to vector<16xf32>
      %swap3A_27 = vector.shape_cast %broadcast_in_dim3A_23 : vector<16xf32> to vector<1x16xf32>
      tpu.vector_store %arg6[%swap3A, %swap3A_24], %swap3A_27 {strides = array<i32>} : memref<1024x16xf32, #tpu.memory_space<vmem>>, vector<1x16xf32>,
    }
    %scan3A_9 = arith.constant 632 : i32
    "tpu.region"() ({
      %run_scoped3A = tpu.sem_alloc : memref<!tpu.dma_semaphore, #tpu.memory_space<semaphore_mem>>
      %dma_start3A = arith.constant 0 : i32
      %dma_start3A_22 = arith.constant 0 : i32
      %dma_start3A_23 = tpu.memref_slice %arg6[%dma_start3A, %dma_start3A_22] : memref<1024x16xf32, #tpu.memory_space<vmem>> -> memref<632x16xf32, #tpu.memory_space<vmem>>
      %dma_start3A_24 = arith.constant 0 : i32
      %dma_start3A_25 = tpu.memref_slice %arg7[%multiple_of3A, %dma_start3A_24] : memref<10112x16xf32, #tpu.memory_space<vmem_shared>> -> memref<632x16xf32, #tpu.memory_space<vmem_shared>>
      %dma_start3A_26 = arith.constant 0 : i32
      %dma_start3A_27 = tpu.memref_slice %arg7[%multiple_of3A, %dma_start3A_26] : memref<10112x16xf32, #tpu.memory_space<vmem_shared>> -> memref<632x16xf32, #tpu.memory_space<vmem_shared>>
      %dma_start3A_28 = arith.constant 0 : i32
      %dma_start3A_29 = arith.constant 0 : i32
      %dma_start3A_30 = tpu.memref_slice %arg6[%dma_start3A_28, %dma_start3A_29] : memref<1024x16xf32, #tpu.memory_space<vmem>> -> memref<632x16xf32, #tpu.memory_space<vmem>>
      tpu.enqueue_dma source(%dma_start3A_30 : memref<632x16xf32, #tpu.memory_space<vmem>>) target(%dma_start3A_27 : memref<632x16xf32, #tpu.memory_space<vmem_shared>>) target_semaphore(%run_scoped3A : memref<!tpu.dma_semaphore, #tpu.memory_space<semaphore_mem>>)
      %dma_wait3A = arith.constant 0 : i32
      %dma_wait3A_31 = arith.constant 0 : i32
      %dma_wait3A_32 = tpu.memref_slice %arg6[%dma_wait3A, %dma_wait3A_31] : memref<1024x16xf32, #tpu.memory_space<vmem>> -> memref<632x16xf32, #tpu.memory_space<vmem>>
      %dma_wait3A_33 = arith.constant 0 : i32
      %dma_wait3A_34 = tpu.memref_slice %arg7[%multiple_of3A, %dma_wait3A_33] : memref<10112x16xf32, #tpu.memory_space<vmem_shared>> -> memref<632x16xf32, #tpu.memory_space<vmem_shared>>
      %dma_wait3A_35 = arith.constant 0 : i32
      %dma_wait3A_36 = tpu.memref_slice %arg7[%multiple_of3A, %dma_wait3A_35] : memref<10112x16xf32, #tpu.memory_space<vmem_shared>> -> memref<632x16xf32, #tpu.memory_space<vmem_shared>>
      %dma_wait3A_37 = arith.constant 0 : i32
      %dma_wait3A_38 = arith.constant 0 : i32
      %dma_wait3A_39 = tpu.memref_slice %arg6[%dma_wait3A_37, %dma_wait3A_38] : memref<1024x16xf32, #tpu.memory_space<vmem>> -> memref<632x16xf32, #tpu.memory_space<vmem>>
      tpu.wait_dma2 semaphore(%run_scoped3A : memref<!tpu.dma_semaphore, #tpu.memory_space<semaphore_mem>>) src(%dma_wait3A_39 : memref<632x16xf32, #tpu.memory_space<vmem>>) dst(%dma_wait3A_36 : memref<632x16xf32, #tpu.memory_space<vmem_shared>>)
      tpu.yield
    }) : () -> ()
    %barrier3A = arith.constant 0 : index
    tpu.barrier barrier_id(%barrier3A)
    %while3A = arith.constant 0 : i32
    %while3A_10 = arith.constant 0 : i32
    %while3A_11 = arith.subi %select_n3A, %while3A_10 : i32
    %while3A_12 = arith.addi %while3A_10, %while3A_11 : i32
    %while3A_13 = arith.constant 1 : i32
    %while3A_14 = arith.divsi %while3A_11, %while3A_13 : i32
    %while3A_15 = arith.muli %while3A_14, %while3A_13 : i32
    %while3A_16 = arith.addi %while3A_10, %while3A_15 : i32
    %while3A_17 = arith.constant 1 : i32
    scf.for %while3A_22 = %while3A_10 to %while3A_16 step %while3A_17  : i32 {
      %mul3A_23 = arith.constant 32 : i32
      %mul3A_24 = arith.muli %while3A_22, %mul3A_23 : i32
      %add3A_25 = arith.addi %add3A, %mul3A_24 : i32
      %mul3A_26 = arith.constant 8 : i32
      %mul3A_27 = arith.muli %add3A_25, %mul3A_26 : i32
      %multiple_of3A_28 = tpu.assume_multiple %mul3A_27, 8 : i32
      %mul3A_29 = arith.constant 1024 : i32
      %mul3A_30 = arith.muli %add3A_25, %mul3A_29 : i32
      %multiple_of3A_31 = tpu.assume_multiple %mul3A_30, 8 : i32
      "tpu.region"() ({
        %run_scoped3A = tpu.sem_alloc : memref<!tpu.dma_semaphore, #tpu.memory_space<semaphore_mem>>
        %dma_start3A_190 = arith.constant 0 : i32
        %dma_start3A_191 = arith.constant 0 : i32
        %dma_start3A_192 = tpu.memref_slice %arg5[%dma_start3A_190, %dma_start3A_191] : memref<8x128xi32, #tpu.memory_space<vmem>> -> memref<8x128xi32, #tpu.memory_space<vmem>>
        %dma_start3A_193 = arith.constant 0 : i32
        %dma_start3A_194 = tpu.memref_slice %arg3[%multiple_of3A_28, %dma_start3A_193] : memref<2500x128xi32, #tpu.memory_space<hbm>> -> memref<8x128xi32, #tpu.memory_space<hbm>>
        %dma_start3A_195 = arith.constant 0 : i32
        %dma_start3A_196 = arith.constant 0 : i32
        %dma_start3A_197 = tpu.memref_slice %arg5[%dma_start3A_195, %dma_start3A_196] : memref<8x128xi32, #tpu.memory_space<vmem>> -> memref<8x128xi32, #tpu.memory_space<vmem>>
        %dma_start3A_198 = arith.constant 0 : i32
        %dma_start3A_199 = tpu.memref_slice %arg3[%multiple_of3A_28, %dma_start3A_198] : memref<2500x128xi32, #tpu.memory_space<hbm>> -> memref<8x128xi32, #tpu.memory_space<hbm>>
        tpu.enqueue_dma source(%dma_start3A_199 : memref<8x128xi32, #tpu.memory_space<hbm>>) target(%dma_start3A_197 : memref<8x128xi32, #tpu.memory_space<vmem>>) target_semaphore(%run_scoped3A : memref<!tpu.dma_semaphore, #tpu.memory_space<semaphore_mem>>)
        %dma_wait3A_200 = arith.constant 0 : i32
        %dma_wait3A_201 = arith.constant 0 : i32
        %dma_wait3A_202 = tpu.memref_slice %arg5[%dma_wait3A_200, %dma_wait3A_201] : memref<8x128xi32, #tpu.memory_space<vmem>> -> memref<8x128xi32, #tpu.memory_space<vmem>>
        %dma_wait3A_203 = arith.constant 0 : i32
        %dma_wait3A_204 = tpu.memref_slice %arg3[%multiple_of3A_28, %dma_wait3A_203] : memref<2500x128xi32, #tpu.memory_space<hbm>> -> memref<8x128xi32, #tpu.memory_space<hbm>>
        %dma_wait3A_205 = arith.constant 0 : i32
        %dma_wait3A_206 = arith.constant 0 : i32
        %dma_wait3A_207 = tpu.memref_slice %arg5[%dma_wait3A_205, %dma_wait3A_206] : memref<8x128xi32, #tpu.memory_space<vmem>> -> memref<8x128xi32, #tpu.memory_space<vmem>>
        %dma_wait3A_208 = arith.constant 0 : i32
        %dma_wait3A_209 = tpu.memref_slice %arg3[%multiple_of3A_28, %dma_wait3A_208] : memref<2500x128xi32, #tpu.memory_space<hbm>> -> memref<8x128xi32, #tpu.memory_space<hbm>>
        tpu.wait_dma2 semaphore(%run_scoped3A : memref<!tpu.dma_semaphore, #tpu.memory_space<semaphore_mem>>) src(%dma_wait3A_209 : memref<8x128xi32, #tpu.memory_space<hbm>>) dst(%dma_wait3A_207 : memref<8x128xi32, #tpu.memory_space<vmem>>)
        tpu.yield
      }) : () -> ()
      "tpu.region"() ({
        %run_scoped3A = tpu.sem_alloc : memref<!tpu.dma_semaphore, #tpu.memory_space<semaphore_mem>>
        %dma_start3A_190 = arith.constant 0 : i32
        %dma_start3A_191 = arith.constant 0 : i32
        %dma_start3A_192 = tpu.memref_slice %arg6[%dma_start3A_190, %dma_start3A_191] : memref<1024x16xf32, #tpu.memory_space<vmem>> -> memref<1024x16xf32, #tpu.memory_space<vmem>>
        %dma_start3A_193 = arith.constant 0 : i32
        %dma_start3A_194 = tpu.memref_slice %arg2[%multiple_of3A_31, %dma_start3A_193] : memref<320000x16xf32, #tpu.memory_space<hbm>> -> memref<1024x16xf32, #tpu.memory_space<hbm>>
        %dma_start3A_195 = arith.constant 0 : i32
        %dma_start3A_196 = arith.constant 0 : i32
        %dma_start3A_197 = tpu.memref_slice %arg6[%dma_start3A_195, %dma_start3A_196] : memref<1024x16xf32, #tpu.memory_space<vmem>> -> memref<1024x16xf32, #tpu.memory_space<vmem>>
        %dma_start3A_198 = arith.constant 0 : i32
        %dma_start3A_199 = tpu.memref_slice %arg2[%multiple_of3A_31, %dma_start3A_198] : memref<320000x16xf32, #tpu.memory_space<hbm>> -> memref<1024x16xf32, #tpu.memory_space<hbm>>
        tpu.enqueue_dma source(%dma_start3A_199 : memref<1024x16xf32, #tpu.memory_space<hbm>>) target(%dma_start3A_197 : memref<1024x16xf32, #tpu.memory_space<vmem>>) target_semaphore(%run_scoped3A : memref<!tpu.dma_semaphore, #tpu.memory_space<semaphore_mem>>)
        %dma_wait3A_200 = arith.constant 0 : i32
        %dma_wait3A_201 = arith.constant 0 : i32
        %dma_wait3A_202 = tpu.memref_slice %arg6[%dma_wait3A_200, %dma_wait3A_201] : memref<1024x16xf32, #tpu.memory_space<vmem>> -> memref<1024x16xf32, #tpu.memory_space<vmem>>
        %dma_wait3A_203 = arith.constant 0 : i32
        %dma_wait3A_204 = tpu.memref_slice %arg2[%multiple_of3A_31, %dma_wait3A_203] : memref<320000x16xf32, #tpu.memory_space<hbm>> -> memref<1024x16xf32, #tpu.memory_space<hbm>>
        %dma_wait3A_205 = arith.constant 0 : i32
        %dma_wait3A_206 = arith.constant 0 : i32
        %dma_wait3A_207 = tpu.memref_slice %arg6[%dma_wait3A_205, %dma_wait3A_206] : memref<1024x16xf32, #tpu.memory_space<vmem>> -> memref<1024x16xf32, #tpu.memory_space<vmem>>
        %dma_wait3A_208 = arith.constant 0 : i32
        %dma_wait3A_209 = tpu.memref_slice %arg2[%multiple_of3A_31, %dma_wait3A_208] : memref<320000x16xf32, #tpu.memory_space<hbm>> -> memref<1024x16xf32, #tpu.memory_space<hbm>>
        tpu.wait_dma2 semaphore(%run_scoped3A : memref<!tpu.dma_semaphore, #tpu.memory_space<semaphore_mem>>) src(%dma_wait3A_209 : memref<1024x16xf32, #tpu.memory_space<hbm>>) dst(%dma_wait3A_207 : memref<1024x16xf32, #tpu.memory_space<vmem>>)
        tpu.yield
      }) : () -> ()
      %dma_start3A = arith.constant 0 : i32
      %dma_start3A_32 = arith.constant 0 : i32
      %dma_start3A_33 = arith.constant 0 : i32
      %dma_start3A_34 = tpu.memref_slice %arg6[%dma_start3A_32, %dma_start3A_33] : memref<1024x16xf32, #tpu.memory_space<vmem>> -> memref<128x16xf32, #tpu.memory_space<vmem>>
      %dma_start3A_35 = arith.constant 0 : i32
      %dma_start3A_36 = tpu.memref_slice %arg5[%dma_start3A, %dma_start3A_35] : memref<8x128xi32, #tpu.memory_space<vmem>> -> memref<1x128xi32, #tpu.memory_space<vmem>>
      %dma_start3A_37 = tpu.memref_squeeze %dma_start3A_36 : memref<1x128xi32, #tpu.memory_space<vmem>> -> memref<128xi32, #tpu.memory_space<vmem>>
      %dma_start3A_38 = arith.constant 0 : i32
      %dma_start3A_39 = arith.constant 0 : i32
      %dma_start3A_40 = tpu.memref_slice %arg7[%dma_start3A_38, %dma_start3A_39] : memref<10112x16xf32, #tpu.memory_space<vmem_shared>> -> memref<10112x16xf32, #tpu.memory_space<vmem_shared>>
      tpu.enqueue_indirect_dma source(%dma_start3A_34 : memref<128x16xf32, #tpu.memory_space<vmem>>) target(%dma_start3A_40 : memref<10112x16xf32, #tpu.memory_space<vmem_shared>>) offsets(%dma_start3A_37 : memref<128xi32, #tpu.memory_space<vmem>>) semaphore(%arg8 : memref<!tpu.dma_semaphore, #tpu.memory_space<semaphore_mem>>) {add = true}
      %dma_start3A_41 = arith.constant 1 : i32
      %dma_start3A_42 = arith.constant 128 : i32
      %dma_start3A_43 = arith.constant 0 : i32
      %dma_start3A_44 = tpu.memref_slice %arg6[%dma_start3A_42, %dma_start3A_43] : memref<1024x16xf32, #tpu.memory_space<vmem>> -> memref<128x16xf32, #tpu.memory_space<vmem>>
      %dma_start3A_45 = arith.constant 0 : i32
      %dma_start3A_46 = tpu.memref_slice %arg5[%dma_start3A_41, %dma_start3A_45] : memref<8x128xi32, #tpu.memory_space<vmem>> -> memref<1x128xi32, #tpu.memory_space<vmem>>
      %dma_start3A_47 = tpu.memref_squeeze %dma_start3A_46 : memref<1x128xi32, #tpu.memory_space<vmem>> -> memref<128xi32, #tpu.memory_space<vmem>>
      %dma_start3A_48 = arith.constant 0 : i32
      %dma_start3A_49 = arith.constant 0 : i32
      %dma_start3A_50 = tpu.memref_slice %arg7[%dma_start3A_48, %dma_start3A_49] : memref<10112x16xf32, #tpu.memory_space<vmem_shared>> -> memref<10112x16xf32, #tpu.memory_space<vmem_shared>>
      tpu.enqueue_indirect_dma source(%dma_start3A_44 : memref<128x16xf32, #tpu.memory_space<vmem>>) target(%dma_start3A_50 : memref<10112x16xf32, #tpu.memory_space<vmem_shared>>) offsets(%dma_start3A_47 : memref<128xi32, #tpu.memory_space<vmem>>) semaphore(%arg8 : memref<!tpu.dma_semaphore, #tpu.memory_space<semaphore_mem>>) {add = true}
      %dma_start3A_51 = arith.constant 2 : i32
      %dma_start3A_52 = arith.constant 256 : i32
      %dma_start3A_53 = arith.constant 0 : i32
      %dma_start3A_54 = tpu.memref_slice %arg6[%dma_start3A_52, %dma_start3A_53] : memref<1024x16xf32, #tpu.memory_space<vmem>> -> memref<128x16xf32, #tpu.memory_space<vmem>>
      %dma_start3A_55 = arith.constant 0 : i32
      %dma_start3A_56 = tpu.memref_slice %arg5[%dma_start3A_51, %dma_start3A_55] : memref<8x128xi32, #tpu.memory_space<vmem>> -> memref<1x128xi32, #tpu.memory_space<vmem>>
      %dma_start3A_57 = tpu.memref_squeeze %dma_start3A_56 : memref<1x128xi32, #tpu.memory_space<vmem>> -> memref<128xi32, #tpu.memory_space<vmem>>
      %dma_start3A_58 = arith.constant 0 : i32
      %dma_start3A_59 = arith.constant 0 : i32
      %dma_start3A_60 = tpu.memref_slice %arg7[%dma_start3A_58, %dma_start3A_59] : memref<10112x16xf32, #tpu.memory_space<vmem_shared>> -> memref<10112x16xf32, #tpu.memory_space<vmem_shared>>
      tpu.enqueue_indirect_dma source(%dma_start3A_54 : memref<128x16xf32, #tpu.memory_space<vmem>>) target(%dma_start3A_60 : memref<10112x16xf32, #tpu.memory_space<vmem_shared>>) offsets(%dma_start3A_57 : memref<128xi32, #tpu.memory_space<vmem>>) semaphore(%arg8 : memref<!tpu.dma_semaphore, #tpu.memory_space<semaphore_mem>>) {add = true}
      %dma_start3A_61 = arith.constant 3 : i32
      %dma_start3A_62 = arith.constant 384 : i32
      %dma_start3A_63 = arith.constant 0 : i32
      %dma_start3A_64 = tpu.memref_slice %arg6[%dma_start3A_62, %dma_start3A_63] : memref<1024x16xf32, #tpu.memory_space<vmem>> -> memref<128x16xf32, #tpu.memory_space<vmem>>
      %dma_start3A_65 = arith.constant 0 : i32
      %dma_start3A_66 = tpu.memref_slice %arg5[%dma_start3A_61, %dma_start3A_65] : memref<8x128xi32, #tpu.memory_space<vmem>> -> memref<1x128xi32, #tpu.memory_space<vmem>>
      %dma_start3A_67 = tpu.memref_squeeze %dma_start3A_66 : memref<1x128xi32, #tpu.memory_space<vmem>> -> memref<128xi32, #tpu.memory_space<vmem>>
      %dma_start3A_68 = arith.constant 0 : i32
      %dma_start3A_69 = arith.constant 0 : i32
      %dma_start3A_70 = tpu.memref_slice %arg7[%dma_start3A_68, %dma_start3A_69] : memref<10112x16xf32, #tpu.memory_space<vmem_shared>> -> memref<10112x16xf32, #tpu.memory_space<vmem_shared>>
      tpu.enqueue_indirect_dma source(%dma_start3A_64 : memref<128x16xf32, #tpu.memory_space<vmem>>) target(%dma_start3A_70 : memref<10112x16xf32, #tpu.memory_space<vmem_shared>>) offsets(%dma_start3A_67 : memref<128xi32, #tpu.memory_space<vmem>>) semaphore(%arg8 : memref<!tpu.dma_semaphore, #tpu.memory_space<semaphore_mem>>) {add = true}
      %dma_start3A_71 = arith.constant 4 : i32
      %dma_start3A_72 = arith.constant 512 : i32
      %dma_start3A_73 = arith.constant 0 : i32
      %dma_start3A_74 = tpu.memref_slice %arg6[%dma_start3A_72, %dma_start3A_73] : memref<1024x16xf32, #tpu.memory_space<vmem>> -> memref<128x16xf32, #tpu.memory_space<vmem>>
      %dma_start3A_75 = arith.constant 0 : i32
      %dma_start3A_76 = tpu.memref_slice %arg5[%dma_start3A_71, %dma_start3A_75] : memref<8x128xi32, #tpu.memory_space<vmem>> -> memref<1x128xi32, #tpu.memory_space<vmem>>
      %dma_start3A_77 = tpu.memref_squeeze %dma_start3A_76 : memref<1x128xi32, #tpu.memory_space<vmem>> -> memref<128xi32, #tpu.memory_space<vmem>>
      %dma_start3A_78 = arith.constant 0 : i32
      %dma_start3A_79 = arith.constant 0 : i32
      %dma_start3A_80 = tpu.memref_slice %arg7[%dma_start3A_78, %dma_start3A_79] : memref<10112x16xf32, #tpu.memory_space<vmem_shared>> -> memref<10112x16xf32, #tpu.memory_space<vmem_shared>>
      tpu.enqueue_indirect_dma source(%dma_start3A_74 : memref<128x16xf32, #tpu.memory_space<vmem>>) target(%dma_start3A_80 : memref<10112x16xf32, #tpu.memory_space<vmem_shared>>) offsets(%dma_start3A_77 : memref<128xi32, #tpu.memory_space<vmem>>) semaphore(%arg8 : memref<!tpu.dma_semaphore, #tpu.memory_space<semaphore_mem>>) {add = true}
      %dma_start3A_81 = arith.constant 5 : i32
      %dma_start3A_82 = arith.constant 640 : i32
      %dma_start3A_83 = arith.constant 0 : i32
      %dma_start3A_84 = tpu.memref_slice %arg6[%dma_start3A_82, %dma_start3A_83] : memref<1024x16xf32, #tpu.memory_space<vmem>> -> memref<128x16xf32, #tpu.memory_space<vmem>>
      %dma_start3A_85 = arith.constant 0 : i32
      %dma_start3A_86 = tpu.memref_slice %arg5[%dma_start3A_81, %dma_start3A_85] : memref<8x128xi32, #tpu.memory_space<vmem>> -> memref<1x128xi32, #tpu.memory_space<vmem>>
      %dma_start3A_87 = tpu.memref_squeeze %dma_start3A_86 : memref<1x128xi32, #tpu.memory_space<vmem>> -> memref<128xi32, #tpu.memory_space<vmem>>
      %dma_start3A_88 = arith.constant 0 : i32
      %dma_start3A_89 = arith.constant 0 : i32
      %dma_start3A_90 = tpu.memref_slice %arg7[%dma_start3A_88, %dma_start3A_89] : memref<10112x16xf32, #tpu.memory_space<vmem_shared>> -> memref<10112x16xf32, #tpu.memory_space<vmem_shared>>
      tpu.enqueue_indirect_dma source(%dma_start3A_84 : memref<128x16xf32, #tpu.memory_space<vmem>>) target(%dma_start3A_90 : memref<10112x16xf32, #tpu.memory_space<vmem_shared>>) offsets(%dma_start3A_87 : memref<128xi32, #tpu.memory_space<vmem>>) semaphore(%arg8 : memref<!tpu.dma_semaphore, #tpu.memory_space<semaphore_mem>>) {add = true}
      %dma_start3A_91 = arith.constant 6 : i32
      %dma_start3A_92 = arith.constant 768 : i32
      %dma_start3A_93 = arith.constant 0 : i32
      %dma_start3A_94 = tpu.memref_slice %arg6[%dma_start3A_92, %dma_start3A_93] : memref<1024x16xf32, #tpu.memory_space<vmem>> -> memref<128x16xf32, #tpu.memory_space<vmem>>
      %dma_start3A_95 = arith.constant 0 : i32
      %dma_start3A_96 = tpu.memref_slice %arg5[%dma_start3A_91, %dma_start3A_95] : memref<8x128xi32, #tpu.memory_space<vmem>> -> memref<1x128xi32, #tpu.memory_space<vmem>>
      %dma_start3A_97 = tpu.memref_squeeze %dma_start3A_96 : memref<1x128xi32, #tpu.memory_space<vmem>> -> memref<128xi32, #tpu.memory_space<vmem>>
      %dma_start3A_98 = arith.constant 0 : i32
      %dma_start3A_99 = arith.constant 0 : i32
      %dma_start3A_100 = tpu.memref_slice %arg7[%dma_start3A_98, %dma_start3A_99] : memref<10112x16xf32, #tpu.memory_space<vmem_shared>> -> memref<10112x16xf32, #tpu.memory_space<vmem_shared>>
      tpu.enqueue_indirect_dma source(%dma_start3A_94 : memref<128x16xf32, #tpu.memory_space<vmem>>) target(%dma_start3A_100 : memref<10112x16xf32, #tpu.memory_space<vmem_shared>>) offsets(%dma_start3A_97 : memref<128xi32, #tpu.memory_space<vmem>>) semaphore(%arg8 : memref<!tpu.dma_semaphore, #tpu.memory_space<semaphore_mem>>) {add = true}
      %dma_start3A_101 = arith.constant 7 : i32
      %dma_start3A_102 = arith.constant 896 : i32
      %dma_start3A_103 = arith.constant 0 : i32
      %dma_start3A_104 = tpu.memref_slice %arg6[%dma_start3A_102, %dma_start3A_103] : memref<1024x16xf32, #tpu.memory_space<vmem>> -> memref<128x16xf32, #tpu.memory_space<vmem>>
      %dma_start3A_105 = arith.constant 0 : i32
      %dma_start3A_106 = tpu.memref_slice %arg5[%dma_start3A_101, %dma_start3A_105] : memref<8x128xi32, #tpu.memory_space<vmem>> -> memref<1x128xi32, #tpu.memory_space<vmem>>
      %dma_start3A_107 = tpu.memref_squeeze %dma_start3A_106 : memref<1x128xi32, #tpu.memory_space<vmem>> -> memref<128xi32, #tpu.memory_space<vmem>>
      %dma_start3A_108 = arith.constant 0 : i32
      %dma_start3A_109 = arith.constant 0 : i32
      %dma_start3A_110 = tpu.memref_slice %arg7[%dma_start3A_108, %dma_start3A_109] : memref<10112x16xf32, #tpu.memory_space<vmem_shared>> -> memref<10112x16xf32, #tpu.memory_space<vmem_shared>>
      tpu.enqueue_indirect_dma source(%dma_start3A_104 : memref<128x16xf32, #tpu.memory_space<vmem>>) target(%dma_start3A_110 : memref<10112x16xf32, #tpu.memory_space<vmem_shared>>) offsets(%dma_start3A_107 : memref<128xi32, #tpu.memory_space<vmem>>) semaphore(%arg8 : memref<!tpu.dma_semaphore, #tpu.memory_space<semaphore_mem>>) {add = true}
      %dma_wait3A = arith.constant 0 : i32
      %dma_wait3A_111 = arith.constant 0 : i32
      %dma_wait3A_112 = arith.constant 0 : i32
      %dma_wait3A_113 = tpu.memref_slice %arg6[%dma_wait3A_111, %dma_wait3A_112] : memref<1024x16xf32, #tpu.memory_space<vmem>> -> memref<128x16xf32, #tpu.memory_space<vmem>>
      %dma_wait3A_114 = arith.constant 0 : i32
      %dma_wait3A_115 = tpu.memref_slice %arg5[%dma_wait3A, %dma_wait3A_114] : memref<8x128xi32, #tpu.memory_space<vmem>> -> memref<1x128xi32, #tpu.memory_space<vmem>>
      %dma_wait3A_116 = tpu.memref_squeeze %dma_wait3A_115 : memref<1x128xi32, #tpu.memory_space<vmem>> -> memref<128xi32, #tpu.memory_space<vmem>>
      %dma_wait3A_117 = arith.constant 0 : i32
      %dma_wait3A_118 = arith.constant 0 : i32
      %dma_wait3A_119 = tpu.memref_slice %arg7[%dma_wait3A_117, %dma_wait3A_118] : memref<10112x16xf32, #tpu.memory_space<vmem_shared>> -> memref<10112x16xf32, #tpu.memory_space<vmem_shared>>
      tpu.wait_indirect_dma semaphore(%arg8 : memref<!tpu.dma_semaphore, #tpu.memory_space<semaphore_mem>>) src(%dma_wait3A_113 : memref<128x16xf32, #tpu.memory_space<vmem>>) dst(%dma_wait3A_119 : memref<10112x16xf32, #tpu.memory_space<vmem_shared>>)
      %dma_wait3A_120 = arith.constant 1 : i32
      %dma_wait3A_121 = arith.constant 128 : i32
      %dma_wait3A_122 = arith.constant 0 : i32
      %dma_wait3A_123 = tpu.memref_slice %arg6[%dma_wait3A_121, %dma_wait3A_122] : memref<1024x16xf32, #tpu.memory_space<vmem>> -> memref<128x16xf32, #tpu.memory_space<vmem>>
      %dma_wait3A_124 = arith.constant 0 : i32
      %dma_wait3A_125 = tpu.memref_slice %arg5[%dma_wait3A_120, %dma_wait3A_124] : memref<8x128xi32, #tpu.memory_space<vmem>> -> memref<1x128xi32, #tpu.memory_space<vmem>>
      %dma_wait3A_126 = tpu.memref_squeeze %dma_wait3A_125 : memref<1x128xi32, #tpu.memory_space<vmem>> -> memref<128xi32, #tpu.memory_space<vmem>>
      %dma_wait3A_127 = arith.constant 0 : i32
      %dma_wait3A_128 = arith.constant 0 : i32
      %dma_wait3A_129 = tpu.memref_slice %arg7[%dma_wait3A_127, %dma_wait3A_128] : memref<10112x16xf32, #tpu.memory_space<vmem_shared>> -> memref<10112x16xf32, #tpu.memory_space<vmem_shared>>
      tpu.wait_indirect_dma semaphore(%arg8 : memref<!tpu.dma_semaphore, #tpu.memory_space<semaphore_mem>>) src(%dma_wait3A_123 : memref<128x16xf32, #tpu.memory_space<vmem>>) dst(%dma_wait3A_129 : memref<10112x16xf32, #tpu.memory_space<vmem_shared>>)
      %dma_wait3A_130 = arith.constant 2 : i32
      %dma_wait3A_131 = arith.constant 256 : i32
      %dma_wait3A_132 = arith.constant 0 : i32
      %dma_wait3A_133 = tpu.memref_slice %arg6[%dma_wait3A_131, %dma_wait3A_132] : memref<1024x16xf32, #tpu.memory_space<vmem>> -> memref<128x16xf32, #tpu.memory_space<vmem>>
      %dma_wait3A_134 = arith.constant 0 : i32
      %dma_wait3A_135 = tpu.memref_slice %arg5[%dma_wait3A_130, %dma_wait3A_134] : memref<8x128xi32, #tpu.memory_space<vmem>> -> memref<1x128xi32, #tpu.memory_space<vmem>>
      %dma_wait3A_136 = tpu.memref_squeeze %dma_wait3A_135 : memref<1x128xi32, #tpu.memory_space<vmem>> -> memref<128xi32, #tpu.memory_space<vmem>>
      %dma_wait3A_137 = arith.constant 0 : i32
      %dma_wait3A_138 = arith.constant 0 : i32
      %dma_wait3A_139 = tpu.memref_slice %arg7[%dma_wait3A_137, %dma_wait3A_138] : memref<10112x16xf32, #tpu.memory_space<vmem_shared>> -> memref<10112x16xf32, #tpu.memory_space<vmem_shared>>
      tpu.wait_indirect_dma semaphore(%arg8 : memref<!tpu.dma_semaphore, #tpu.memory_space<semaphore_mem>>) src(%dma_wait3A_133 : memref<128x16xf32, #tpu.memory_space<vmem>>) dst(%dma_wait3A_139 : memref<10112x16xf32, #tpu.memory_space<vmem_shared>>)
      %dma_wait3A_140 = arith.constant 3 : i32
      %dma_wait3A_141 = arith.constant 384 : i32
      %dma_wait3A_142 = arith.constant 0 : i32
      %dma_wait3A_143 = tpu.memref_slice %arg6[%dma_wait3A_141, %dma_wait3A_142] : memref<1024x16xf32, #tpu.memory_space<vmem>> -> memref<128x16xf32, #tpu.memory_space<vmem>>
      %dma_wait3A_144 = arith.constant 0 : i32
      %dma_wait3A_145 = tpu.memref_slice %arg5[%dma_wait3A_140, %dma_wait3A_144] : memref<8x128xi32, #tpu.memory_space<vmem>> -> memref<1x128xi32, #tpu.memory_space<vmem>>
      %dma_wait3A_146 = tpu.memref_squeeze %dma_wait3A_145 : memref<1x128xi32, #tpu.memory_space<vmem>> -> memref<128xi32, #tpu.memory_space<vmem>>
      %dma_wait3A_147 = arith.constant 0 : i32
      %dma_wait3A_148 = arith.constant 0 : i32
      %dma_wait3A_149 = tpu.memref_slice %arg7[%dma_wait3A_147, %dma_wait3A_148] : memref<10112x16xf32, #tpu.memory_space<vmem_shared>> -> memref<10112x16xf32, #tpu.memory_space<vmem_shared>>
      tpu.wait_indirect_dma semaphore(%arg8 : memref<!tpu.dma_semaphore, #tpu.memory_space<semaphore_mem>>) src(%dma_wait3A_143 : memref<128x16xf32, #tpu.memory_space<vmem>>) dst(%dma_wait3A_149 : memref<10112x16xf32, #tpu.memory_space<vmem_shared>>)
      %dma_wait3A_150 = arith.constant 4 : i32
      %dma_wait3A_151 = arith.constant 512 : i32
      %dma_wait3A_152 = arith.constant 0 : i32
      %dma_wait3A_153 = tpu.memref_slice %arg6[%dma_wait3A_151, %dma_wait3A_152] : memref<1024x16xf32, #tpu.memory_space<vmem>> -> memref<128x16xf32, #tpu.memory_space<vmem>>
      %dma_wait3A_154 = arith.constant 0 : i32
      %dma_wait3A_155 = tpu.memref_slice %arg5[%dma_wait3A_150, %dma_wait3A_154] : memref<8x128xi32, #tpu.memory_space<vmem>> -> memref<1x128xi32, #tpu.memory_space<vmem>>
      %dma_wait3A_156 = tpu.memref_squeeze %dma_wait3A_155 : memref<1x128xi32, #tpu.memory_space<vmem>> -> memref<128xi32, #tpu.memory_space<vmem>>
      %dma_wait3A_157 = arith.constant 0 : i32
      %dma_wait3A_158 = arith.constant 0 : i32
      %dma_wait3A_159 = tpu.memref_slice %arg7[%dma_wait3A_157, %dma_wait3A_158] : memref<10112x16xf32, #tpu.memory_space<vmem_shared>> -> memref<10112x16xf32, #tpu.memory_space<vmem_shared>>
      tpu.wait_indirect_dma semaphore(%arg8 : memref<!tpu.dma_semaphore, #tpu.memory_space<semaphore_mem>>) src(%dma_wait3A_153 : memref<128x16xf32, #tpu.memory_space<vmem>>) dst(%dma_wait3A_159 : memref<10112x16xf32, #tpu.memory_space<vmem_shared>>)
      %dma_wait3A_160 = arith.constant 5 : i32
      %dma_wait3A_161 = arith.constant 640 : i32
      %dma_wait3A_162 = arith.constant 0 : i32
      %dma_wait3A_163 = tpu.memref_slice %arg6[%dma_wait3A_161, %dma_wait3A_162] : memref<1024x16xf32, #tpu.memory_space<vmem>> -> memref<128x16xf32, #tpu.memory_space<vmem>>
      %dma_wait3A_164 = arith.constant 0 : i32
      %dma_wait3A_165 = tpu.memref_slice %arg5[%dma_wait3A_160, %dma_wait3A_164] : memref<8x128xi32, #tpu.memory_space<vmem>> -> memref<1x128xi32, #tpu.memory_space<vmem>>
      %dma_wait3A_166 = tpu.memref_squeeze %dma_wait3A_165 : memref<1x128xi32, #tpu.memory_space<vmem>> -> memref<128xi32, #tpu.memory_space<vmem>>
      %dma_wait3A_167 = arith.constant 0 : i32
      %dma_wait3A_168 = arith.constant 0 : i32
      %dma_wait3A_169 = tpu.memref_slice %arg7[%dma_wait3A_167, %dma_wait3A_168] : memref<10112x16xf32, #tpu.memory_space<vmem_shared>> -> memref<10112x16xf32, #tpu.memory_space<vmem_shared>>
      tpu.wait_indirect_dma semaphore(%arg8 : memref<!tpu.dma_semaphore, #tpu.memory_space<semaphore_mem>>) src(%dma_wait3A_163 : memref<128x16xf32, #tpu.memory_space<vmem>>) dst(%dma_wait3A_169 : memref<10112x16xf32, #tpu.memory_space<vmem_shared>>)
      %dma_wait3A_170 = arith.constant 6 : i32
      %dma_wait3A_171 = arith.constant 768 : i32
      %dma_wait3A_172 = arith.constant 0 : i32
      %dma_wait3A_173 = tpu.memref_slice %arg6[%dma_wait3A_171, %dma_wait3A_172] : memref<1024x16xf32, #tpu.memory_space<vmem>> -> memref<128x16xf32, #tpu.memory_space<vmem>>
      %dma_wait3A_174 = arith.constant 0 : i32
      %dma_wait3A_175 = tpu.memref_slice %arg5[%dma_wait3A_170, %dma_wait3A_174] : memref<8x128xi32, #tpu.memory_space<vmem>> -> memref<1x128xi32, #tpu.memory_space<vmem>>
      %dma_wait3A_176 = tpu.memref_squeeze %dma_wait3A_175 : memref<1x128xi32, #tpu.memory_space<vmem>> -> memref<128xi32, #tpu.memory_space<vmem>>
      %dma_wait3A_177 = arith.constant 0 : i32
      %dma_wait3A_178 = arith.constant 0 : i32
      %dma_wait3A_179 = tpu.memref_slice %arg7[%dma_wait3A_177, %dma_wait3A_178] : memref<10112x16xf32, #tpu.memory_space<vmem_shared>> -> memref<10112x16xf32, #tpu.memory_space<vmem_shared>>
      tpu.wait_indirect_dma semaphore(%arg8 : memref<!tpu.dma_semaphore, #tpu.memory_space<semaphore_mem>>) src(%dma_wait3A_173 : memref<128x16xf32, #tpu.memory_space<vmem>>) dst(%dma_wait3A_179 : memref<10112x16xf32, #tpu.memory_space<vmem_shared>>)
      %dma_wait3A_180 = arith.constant 7 : i32
      %dma_wait3A_181 = arith.constant 896 : i32
      %dma_wait3A_182 = arith.constant 0 : i32
      %dma_wait3A_183 = tpu.memref_slice %arg6[%dma_wait3A_181, %dma_wait3A_182] : memref<1024x16xf32, #tpu.memory_space<vmem>> -> memref<128x16xf32, #tpu.memory_space<vmem>>
      %dma_wait3A_184 = arith.constant 0 : i32
      %dma_wait3A_185 = tpu.memref_slice %arg5[%dma_wait3A_180, %dma_wait3A_184] : memref<8x128xi32, #tpu.memory_space<vmem>> -> memref<1x128xi32, #tpu.memory_space<vmem>>
      %dma_wait3A_186 = tpu.memref_squeeze %dma_wait3A_185 : memref<1x128xi32, #tpu.memory_space<vmem>> -> memref<128xi32, #tpu.memory_space<vmem>>
      %dma_wait3A_187 = arith.constant 0 : i32
      %dma_wait3A_188 = arith.constant 0 : i32
      %dma_wait3A_189 = tpu.memref_slice %arg7[%dma_wait3A_187, %dma_wait3A_188] : memref<10112x16xf32, #tpu.memory_space<vmem_shared>> -> memref<10112x16xf32, #tpu.memory_space<vmem_shared>>
      tpu.wait_indirect_dma semaphore(%arg8 : memref<!tpu.dma_semaphore, #tpu.memory_space<semaphore_mem>>) src(%dma_wait3A_183 : memref<128x16xf32, #tpu.memory_space<vmem>>) dst(%dma_wait3A_189 : memref<10112x16xf32, #tpu.memory_space<vmem_shared>>)
    }
    %while3A_18 = arith.constant 1 : i32
    scf.for %while3A_22 = %while3A_16 to %while3A_12 step %while3A_18  : i32 {
      %mul3A_23 = arith.constant 32 : i32
      %mul3A_24 = arith.muli %while3A_22, %mul3A_23 : i32
      %add3A_25 = arith.addi %add3A, %mul3A_24 : i32
      %mul3A_26 = arith.constant 8 : i32
      %mul3A_27 = arith.muli %add3A_25, %mul3A_26 : i32
      %multiple_of3A_28 = tpu.assume_multiple %mul3A_27, 8 : i32
      %mul3A_29 = arith.constant 1024 : i32
      %mul3A_30 = arith.muli %add3A_25, %mul3A_29 : i32
      %multiple_of3A_31 = tpu.assume_multiple %mul3A_30, 8 : i32
      "tpu.region"() ({
        %run_scoped3A = tpu.sem_alloc : memref<!tpu.dma_semaphore, #tpu.memory_space<semaphore_mem>>
        %dma_start3A_190 = arith.constant 0 : i32
        %dma_start3A_191 = arith.constant 0 : i32
        %dma_start3A_192 = tpu.memref_slice %arg5[%dma_start3A_190, %dma_start3A_191] : memref<8x128xi32, #tpu.memory_space<vmem>> -> memref<8x128xi32, #tpu.memory_space<vmem>>
        %dma_start3A_193 = arith.constant 0 : i32
        %dma_start3A_194 = tpu.memref_slice %arg3[%multiple_of3A_28, %dma_start3A_193] : memref<2500x128xi32, #tpu.memory_space<hbm>> -> memref<8x128xi32, #tpu.memory_space<hbm>>
        %dma_start3A_195 = arith.constant 0 : i32
        %dma_start3A_196 = arith.constant 0 : i32
        %dma_start3A_197 = tpu.memref_slice %arg5[%dma_start3A_195, %dma_start3A_196] : memref<8x128xi32, #tpu.memory_space<vmem>> -> memref<8x128xi32, #tpu.memory_space<vmem>>
        %dma_start3A_198 = arith.constant 0 : i32
        %dma_start3A_199 = tpu.memref_slice %arg3[%multiple_of3A_28, %dma_start3A_198] : memref<2500x128xi32, #tpu.memory_space<hbm>> -> memref<8x128xi32, #tpu.memory_space<hbm>>
        tpu.enqueue_dma source(%dma_start3A_199 : memref<8x128xi32, #tpu.memory_space<hbm>>) target(%dma_start3A_197 : memref<8x128xi32, #tpu.memory_space<vmem>>) target_semaphore(%run_scoped3A : memref<!tpu.dma_semaphore, #tpu.memory_space<semaphore_mem>>)
        %dma_wait3A_200 = arith.constant 0 : i32
        %dma_wait3A_201 = arith.constant 0 : i32
        %dma_wait3A_202 = tpu.memref_slice %arg5[%dma_wait3A_200, %dma_wait3A_201] : memref<8x128xi32, #tpu.memory_space<vmem>> -> memref<8x128xi32, #tpu.memory_space<vmem>>
        %dma_wait3A_203 = arith.constant 0 : i32
        %dma_wait3A_204 = tpu.memref_slice %arg3[%multiple_of3A_28, %dma_wait3A_203] : memref<2500x128xi32, #tpu.memory_space<hbm>> -> memref<8x128xi32, #tpu.memory_space<hbm>>
        %dma_wait3A_205 = arith.constant 0 : i32
        %dma_wait3A_206 = arith.constant 0 : i32
        %dma_wait3A_207 = tpu.memref_slice %arg5[%dma_wait3A_205, %dma_wait3A_206] : memref<8x128xi32, #tpu.memory_space<vmem>> -> memref<8x128xi32, #tpu.memory_space<vmem>>
        %dma_wait3A_208 = arith.constant 0 : i32
        %dma_wait3A_209 = tpu.memref_slice %arg3[%multiple_of3A_28, %dma_wait3A_208] : memref<2500x128xi32, #tpu.memory_space<hbm>> -> memref<8x128xi32, #tpu.memory_space<hbm>>
        tpu.wait_dma2 semaphore(%run_scoped3A : memref<!tpu.dma_semaphore, #tpu.memory_space<semaphore_mem>>) src(%dma_wait3A_209 : memref<8x128xi32, #tpu.memory_space<hbm>>) dst(%dma_wait3A_207 : memref<8x128xi32, #tpu.memory_space<vmem>>)
        tpu.yield
      }) : () -> ()
      "tpu.region"() ({
        %run_scoped3A = tpu.sem_alloc : memref<!tpu.dma_semaphore, #tpu.memory_space<semaphore_mem>>
        %dma_start3A_190 = arith.constant 0 : i32
        %dma_start3A_191 = arith.constant 0 : i32
        %dma_start3A_192 = tpu.memref_slice %arg6[%dma_start3A_190, %dma_start3A_191] : memref<1024x16xf32, #tpu.memory_space<vmem>> -> memref<1024x16xf32, #tpu.memory_space<vmem>>
        %dma_start3A_193 = arith.constant 0 : i32
        %dma_start3A_194 = tpu.memref_slice %arg2[%multiple_of3A_31, %dma_start3A_193] : memref<320000x16xf32, #tpu.memory_space<hbm>> -> memref<1024x16xf32, #tpu.memory_space<hbm>>
        %dma_start3A_195 = arith.constant 0 : i32
        %dma_start3A_196 = arith.constant 0 : i32
        %dma_start3A_197 = tpu.memref_slice %arg6[%dma_start3A_195, %dma_start3A_196] : memref<1024x16xf32, #tpu.memory_space<vmem>> -> memref<1024x16xf32, #tpu.memory_space<vmem>>
        %dma_start3A_198 = arith.constant 0 : i32
        %dma_start3A_199 = tpu.memref_slice %arg2[%multiple_of3A_31, %dma_start3A_198] : memref<320000x16xf32, #tpu.memory_space<hbm>> -> memref<1024x16xf32, #tpu.memory_space<hbm>>
        tpu.enqueue_dma source(%dma_start3A_199 : memref<1024x16xf32, #tpu.memory_space<hbm>>) target(%dma_start3A_197 : memref<1024x16xf32, #tpu.memory_space<vmem>>) target_semaphore(%run_scoped3A : memref<!tpu.dma_semaphore, #tpu.memory_space<semaphore_mem>>)
        %dma_wait3A_200 = arith.constant 0 : i32
        %dma_wait3A_201 = arith.constant 0 : i32
        %dma_wait3A_202 = tpu.memref_slice %arg6[%dma_wait3A_200, %dma_wait3A_201] : memref<1024x16xf32, #tpu.memory_space<vmem>> -> memref<1024x16xf32, #tpu.memory_space<vmem>>
        %dma_wait3A_203 = arith.constant 0 : i32
        %dma_wait3A_204 = tpu.memref_slice %arg2[%multiple_of3A_31, %dma_wait3A_203] : memref<320000x16xf32, #tpu.memory_space<hbm>> -> memref<1024x16xf32, #tpu.memory_space<hbm>>
        %dma_wait3A_205 = arith.constant 0 : i32
        %dma_wait3A_206 = arith.constant 0 : i32
        %dma_wait3A_207 = tpu.memref_slice %arg6[%dma_wait3A_205, %dma_wait3A_206] : memref<1024x16xf32, #tpu.memory_space<vmem>> -> memref<1024x16xf32, #tpu.memory_space<vmem>>
        %dma_wait3A_208 = arith.constant 0 : i32
        %dma_wait3A_209 = tpu.memref_slice %arg2[%multiple_of3A_31, %dma_wait3A_208] : memref<320000x16xf32, #tpu.memory_space<hbm>> -> memref<1024x16xf32, #tpu.memory_space<hbm>>
        tpu.wait_dma2 semaphore(%run_scoped3A : memref<!tpu.dma_semaphore, #tpu.memory_space<semaphore_mem>>) src(%dma_wait3A_209 : memref<1024x16xf32, #tpu.memory_space<hbm>>) dst(%dma_wait3A_207 : memref<1024x16xf32, #tpu.memory_space<vmem>>)
        tpu.yield
      }) : () -> ()
      %dma_start3A = arith.constant 0 : i32
      %dma_start3A_32 = arith.constant 0 : i32
      %dma_start3A_33 = arith.constant 0 : i32
      %dma_start3A_34 = tpu.memref_slice %arg6[%dma_start3A_32, %dma_start3A_33] : memref<1024x16xf32, #tpu.memory_space<vmem>> -> memref<128x16xf32, #tpu.memory_space<vmem>>
      %dma_start3A_35 = arith.constant 0 : i32
      %dma_start3A_36 = tpu.memref_slice %arg5[%dma_start3A, %dma_start3A_35] : memref<8x128xi32, #tpu.memory_space<vmem>> -> memref<1x128xi32, #tpu.memory_space<vmem>>
      %dma_start3A_37 = tpu.memref_squeeze %dma_start3A_36 : memref<1x128xi32, #tpu.memory_space<vmem>> -> memref<128xi32, #tpu.memory_space<vmem>>
      %dma_start3A_38 = arith.constant 0 : i32
      %dma_start3A_39 = arith.constant 0 : i32
      %dma_start3A_40 = tpu.memref_slice %arg7[%dma_start3A_38, %dma_start3A_39] : memref<10112x16xf32, #tpu.memory_space<vmem_shared>> -> memref<10112x16xf32, #tpu.memory_space<vmem_shared>>
      tpu.enqueue_indirect_dma source(%dma_start3A_34 : memref<128x16xf32, #tpu.memory_space<vmem>>) target(%dma_start3A_40 : memref<10112x16xf32, #tpu.memory_space<vmem_shared>>) offsets(%dma_start3A_37 : memref<128xi32, #tpu.memory_space<vmem>>) semaphore(%arg8 : memref<!tpu.dma_semaphore, #tpu.memory_space<semaphore_mem>>) {add = true}
      %dma_start3A_41 = arith.constant 1 : i32
      %dma_start3A_42 = arith.constant 128 : i32
      %dma_start3A_43 = arith.constant 0 : i32
      %dma_start3A_44 = tpu.memref_slice %arg6[%dma_start3A_42, %dma_start3A_43] : memref<1024x16xf32, #tpu.memory_space<vmem>> -> memref<128x16xf32, #tpu.memory_space<vmem>>
      %dma_start3A_45 = arith.constant 0 : i32
      %dma_start3A_46 = tpu.memref_slice %arg5[%dma_start3A_41, %dma_start3A_45] : memref<8x128xi32, #tpu.memory_space<vmem>> -> memref<1x128xi32, #tpu.memory_space<vmem>>
      %dma_start3A_47 = tpu.memref_squeeze %dma_start3A_46 : memref<1x128xi32, #tpu.memory_space<vmem>> -> memref<128xi32, #tpu.memory_space<vmem>>
      %dma_start3A_48 = arith.constant 0 : i32
      %dma_start3A_49 = arith.constant 0 : i32
      %dma_start3A_50 = tpu.memref_slice %arg7[%dma_start3A_48, %dma_start3A_49] : memref<10112x16xf32, #tpu.memory_space<vmem_shared>> -> memref<10112x16xf32, #tpu.memory_space<vmem_shared>>
      tpu.enqueue_indirect_dma source(%dma_start3A_44 : memref<128x16xf32, #tpu.memory_space<vmem>>) target(%dma_start3A_50 : memref<10112x16xf32, #tpu.memory_space<vmem_shared>>) offsets(%dma_start3A_47 : memref<128xi32, #tpu.memory_space<vmem>>) semaphore(%arg8 : memref<!tpu.dma_semaphore, #tpu.memory_space<semaphore_mem>>) {add = true}
      %dma_start3A_51 = arith.constant 2 : i32
      %dma_start3A_52 = arith.constant 256 : i32
      %dma_start3A_53 = arith.constant 0 : i32
      %dma_start3A_54 = tpu.memref_slice %arg6[%dma_start3A_52, %dma_start3A_53] : memref<1024x16xf32, #tpu.memory_space<vmem>> -> memref<128x16xf32, #tpu.memory_space<vmem>>
      %dma_start3A_55 = arith.constant 0 : i32
      %dma_start3A_56 = tpu.memref_slice %arg5[%dma_start3A_51, %dma_start3A_55] : memref<8x128xi32, #tpu.memory_space<vmem>> -> memref<1x128xi32, #tpu.memory_space<vmem>>
      %dma_start3A_57 = tpu.memref_squeeze %dma_start3A_56 : memref<1x128xi32, #tpu.memory_space<vmem>> -> memref<128xi32, #tpu.memory_space<vmem>>
      %dma_start3A_58 = arith.constant 0 : i32
      %dma_start3A_59 = arith.constant 0 : i32
      %dma_start3A_60 = tpu.memref_slice %arg7[%dma_start3A_58, %dma_start3A_59] : memref<10112x16xf32, #tpu.memory_space<vmem_shared>> -> memref<10112x16xf32, #tpu.memory_space<vmem_shared>>
      tpu.enqueue_indirect_dma source(%dma_start3A_54 : memref<128x16xf32, #tpu.memory_space<vmem>>) target(%dma_start3A_60 : memref<10112x16xf32, #tpu.memory_space<vmem_shared>>) offsets(%dma_start3A_57 : memref<128xi32, #tpu.memory_space<vmem>>) semaphore(%arg8 : memref<!tpu.dma_semaphore, #tpu.memory_space<semaphore_mem>>) {add = true}
      %dma_start3A_61 = arith.constant 3 : i32
      %dma_start3A_62 = arith.constant 384 : i32
      %dma_start3A_63 = arith.constant 0 : i32
      %dma_start3A_64 = tpu.memref_slice %arg6[%dma_start3A_62, %dma_start3A_63] : memref<1024x16xf32, #tpu.memory_space<vmem>> -> memref<128x16xf32, #tpu.memory_space<vmem>>
      %dma_start3A_65 = arith.constant 0 : i32
      %dma_start3A_66 = tpu.memref_slice %arg5[%dma_start3A_61, %dma_start3A_65] : memref<8x128xi32, #tpu.memory_space<vmem>> -> memref<1x128xi32, #tpu.memory_space<vmem>>
      %dma_start3A_67 = tpu.memref_squeeze %dma_start3A_66 : memref<1x128xi32, #tpu.memory_space<vmem>> -> memref<128xi32, #tpu.memory_space<vmem>>
      %dma_start3A_68 = arith.constant 0 : i32
      %dma_start3A_69 = arith.constant 0 : i32
      %dma_start3A_70 = tpu.memref_slice %arg7[%dma_start3A_68, %dma_start3A_69] : memref<10112x16xf32, #tpu.memory_space<vmem_shared>> -> memref<10112x16xf32, #tpu.memory_space<vmem_shared>>
      tpu.enqueue_indirect_dma source(%dma_start3A_64 : memref<128x16xf32, #tpu.memory_space<vmem>>) target(%dma_start3A_70 : memref<10112x16xf32, #tpu.memory_space<vmem_shared>>) offsets(%dma_start3A_67 : memref<128xi32, #tpu.memory_space<vmem>>) semaphore(%arg8 : memref<!tpu.dma_semaphore, #tpu.memory_space<semaphore_mem>>) {add = true}
      %dma_start3A_71 = arith.constant 4 : i32
      %dma_start3A_72 = arith.constant 512 : i32
      %dma_start3A_73 = arith.constant 0 : i32
      %dma_start3A_74 = tpu.memref_slice %arg6[%dma_start3A_72, %dma_start3A_73] : memref<1024x16xf32, #tpu.memory_space<vmem>> -> memref<128x16xf32, #tpu.memory_space<vmem>>
      %dma_start3A_75 = arith.constant 0 : i32
      %dma_start3A_76 = tpu.memref_slice %arg5[%dma_start3A_71, %dma_start3A_75] : memref<8x128xi32, #tpu.memory_space<vmem>> -> memref<1x128xi32, #tpu.memory_space<vmem>>
      %dma_start3A_77 = tpu.memref_squeeze %dma_start3A_76 : memref<1x128xi32, #tpu.memory_space<vmem>> -> memref<128xi32, #tpu.memory_space<vmem>>
      %dma_start3A_78 = arith.constant 0 : i32
      %dma_start3A_79 = arith.constant 0 : i32
      %dma_start3A_80 = tpu.memref_slice %arg7[%dma_start3A_78, %dma_start3A_79] : memref<10112x16xf32, #tpu.memory_space<vmem_shared>> -> memref<10112x16xf32, #tpu.memory_space<vmem_shared>>
      tpu.enqueue_indirect_dma source(%dma_start3A_74 : memref<128x16xf32, #tpu.memory_space<vmem>>) target(%dma_start3A_80 : memref<10112x16xf32, #tpu.memory_space<vmem_shared>>) offsets(%dma_start3A_77 : memref<128xi32, #tpu.memory_space<vmem>>) semaphore(%arg8 : memref<!tpu.dma_semaphore, #tpu.memory_space<semaphore_mem>>) {add = true}
      %dma_start3A_81 = arith.constant 5 : i32
      %dma_start3A_82 = arith.constant 640 : i32
      %dma_start3A_83 = arith.constant 0 : i32
      %dma_start3A_84 = tpu.memref_slice %arg6[%dma_start3A_82, %dma_start3A_83] : memref<1024x16xf32, #tpu.memory_space<vmem>> -> memref<128x16xf32, #tpu.memory_space<vmem>>
      %dma_start3A_85 = arith.constant 0 : i32
      %dma_start3A_86 = tpu.memref_slice %arg5[%dma_start3A_81, %dma_start3A_85] : memref<8x128xi32, #tpu.memory_space<vmem>> -> memref<1x128xi32, #tpu.memory_space<vmem>>
      %dma_start3A_87 = tpu.memref_squeeze %dma_start3A_86 : memref<1x128xi32, #tpu.memory_space<vmem>> -> memref<128xi32, #tpu.memory_space<vmem>>
      %dma_start3A_88 = arith.constant 0 : i32
      %dma_start3A_89 = arith.constant 0 : i32
      %dma_start3A_90 = tpu.memref_slice %arg7[%dma_start3A_88, %dma_start3A_89] : memref<10112x16xf32, #tpu.memory_space<vmem_shared>> -> memref<10112x16xf32, #tpu.memory_space<vmem_shared>>
      tpu.enqueue_indirect_dma source(%dma_start3A_84 : memref<128x16xf32, #tpu.memory_space<vmem>>) target(%dma_start3A_90 : memref<10112x16xf32, #tpu.memory_space<vmem_shared>>) offsets(%dma_start3A_87 : memref<128xi32, #tpu.memory_space<vmem>>) semaphore(%arg8 : memref<!tpu.dma_semaphore, #tpu.memory_space<semaphore_mem>>) {add = true}
      %dma_start3A_91 = arith.constant 6 : i32
      %dma_start3A_92 = arith.constant 768 : i32
      %dma_start3A_93 = arith.constant 0 : i32
      %dma_start3A_94 = tpu.memref_slice %arg6[%dma_start3A_92, %dma_start3A_93] : memref<1024x16xf32, #tpu.memory_space<vmem>> -> memref<128x16xf32, #tpu.memory_space<vmem>>
      %dma_start3A_95 = arith.constant 0 : i32
      %dma_start3A_96 = tpu.memref_slice %arg5[%dma_start3A_91, %dma_start3A_95] : memref<8x128xi32, #tpu.memory_space<vmem>> -> memref<1x128xi32, #tpu.memory_space<vmem>>
      %dma_start3A_97 = tpu.memref_squeeze %dma_start3A_96 : memref<1x128xi32, #tpu.memory_space<vmem>> -> memref<128xi32, #tpu.memory_space<vmem>>
      %dma_start3A_98 = arith.constant 0 : i32
      %dma_start3A_99 = arith.constant 0 : i32
      %dma_start3A_100 = tpu.memref_slice %arg7[%dma_start3A_98, %dma_start3A_99] : memref<10112x16xf32, #tpu.memory_space<vmem_shared>> -> memref<10112x16xf32, #tpu.memory_space<vmem_shared>>
      tpu.enqueue_indirect_dma source(%dma_start3A_94 : memref<128x16xf32, #tpu.memory_space<vmem>>) target(%dma_start3A_100 : memref<10112x16xf32, #tpu.memory_space<vmem_shared>>) offsets(%dma_start3A_97 : memref<128xi32, #tpu.memory_space<vmem>>) semaphore(%arg8 : memref<!tpu.dma_semaphore, #tpu.memory_space<semaphore_mem>>) {add = true}
      %dma_start3A_101 = arith.constant 7 : i32
      %dma_start3A_102 = arith.constant 896 : i32
      %dma_start3A_103 = arith.constant 0 : i32
      %dma_start3A_104 = tpu.memref_slice %arg6[%dma_start3A_102, %dma_start3A_103] : memref<1024x16xf32, #tpu.memory_space<vmem>> -> memref<128x16xf32, #tpu.memory_space<vmem>>
      %dma_start3A_105 = arith.constant 0 : i32
      %dma_start3A_106 = tpu.memref_slice %arg5[%dma_start3A_101, %dma_start3A_105] : memref<8x128xi32, #tpu.memory_space<vmem>> -> memref<1x128xi32, #tpu.memory_space<vmem>>
      %dma_start3A_107 = tpu.memref_squeeze %dma_start3A_106 : memref<1x128xi32, #tpu.memory_space<vmem>> -> memref<128xi32, #tpu.memory_space<vmem>>
      %dma_start3A_108 = arith.constant 0 : i32
      %dma_start3A_109 = arith.constant 0 : i32
      %dma_start3A_110 = tpu.memref_slice %arg7[%dma_start3A_108, %dma_start3A_109] : memref<10112x16xf32, #tpu.memory_space<vmem_shared>> -> memref<10112x16xf32, #tpu.memory_space<vmem_shared>>
      tpu.enqueue_indirect_dma source(%dma_start3A_104 : memref<128x16xf32, #tpu.memory_space<vmem>>) target(%dma_start3A_110 : memref<10112x16xf32, #tpu.memory_space<vmem_shared>>) offsets(%dma_start3A_107 : memref<128xi32, #tpu.memory_space<vmem>>) semaphore(%arg8 : memref<!tpu.dma_semaphore, #tpu.memory_space<semaphore_mem>>) {add = true}
      %dma_wait3A = arith.constant 0 : i32
      %dma_wait3A_111 = arith.constant 0 : i32
      %dma_wait3A_112 = arith.constant 0 : i32
      %dma_wait3A_113 = tpu.memref_slice %arg6[%dma_wait3A_111, %dma_wait3A_112] : memref<1024x16xf32, #tpu.memory_space<vmem>> -> memref<128x16xf32, #tpu.memory_space<vmem>>
      %dma_wait3A_114 = arith.constant 0 : i32
      %dma_wait3A_115 = tpu.memref_slice %arg5[%dma_wait3A, %dma_wait3A_114] : memref<8x128xi32, #tpu.memory_space<vmem>> -> memref<1x128xi32, #tpu.memory_space<vmem>>
      %dma_wait3A_116 = tpu.memref_squeeze %dma_wait3A_115 : memref<1x128xi32, #tpu.memory_space<vmem>> -> memref<128xi32, #tpu.memory_space<vmem>>
      %dma_wait3A_117 = arith.constant 0 : i32
      %dma_wait3A_118 = arith.constant 0 : i32
      %dma_wait3A_119 = tpu.memref_slice %arg7[%dma_wait3A_117, %dma_wait3A_118] : memref<10112x16xf32, #tpu.memory_space<vmem_shared>> -> memref<10112x16xf32, #tpu.memory_space<vmem_shared>>
      tpu.wait_indirect_dma semaphore(%arg8 : memref<!tpu.dma_semaphore, #tpu.memory_space<semaphore_mem>>) src(%dma_wait3A_113 : memref<128x16xf32, #tpu.memory_space<vmem>>) dst(%dma_wait3A_119 : memref<10112x16xf32, #tpu.memory_space<vmem_shared>>)
      %dma_wait3A_120 = arith.constant 1 : i32
      %dma_wait3A_121 = arith.constant 128 : i32
      %dma_wait3A_122 = arith.constant 0 : i32
      %dma_wait3A_123 = tpu.memref_slice %arg6[%dma_wait3A_121, %dma_wait3A_122] : memref<1024x16xf32, #tpu.memory_space<vmem>> -> memref<128x16xf32, #tpu.memory_space<vmem>>
      %dma_wait3A_124 = arith.constant 0 : i32
      %dma_wait3A_125 = tpu.memref_slice %arg5[%dma_wait3A_120, %dma_wait3A_124] : memref<8x128xi32, #tpu.memory_space<vmem>> -> memref<1x128xi32, #tpu.memory_space<vmem>>
      %dma_wait3A_126 = tpu.memref_squeeze %dma_wait3A_125 : memref<1x128xi32, #tpu.memory_space<vmem>> -> memref<128xi32, #tpu.memory_space<vmem>>
      %dma_wait3A_127 = arith.constant 0 : i32
      %dma_wait3A_128 = arith.constant 0 : i32
      %dma_wait3A_129 = tpu.memref_slice %arg7[%dma_wait3A_127, %dma_wait3A_128] : memref<10112x16xf32, #tpu.memory_space<vmem_shared>> -> memref<10112x16xf32, #tpu.memory_space<vmem_shared>>
      tpu.wait_indirect_dma semaphore(%arg8 : memref<!tpu.dma_semaphore, #tpu.memory_space<semaphore_mem>>) src(%dma_wait3A_123 : memref<128x16xf32, #tpu.memory_space<vmem>>) dst(%dma_wait3A_129 : memref<10112x16xf32, #tpu.memory_space<vmem_shared>>)
      %dma_wait3A_130 = arith.constant 2 : i32
      %dma_wait3A_131 = arith.constant 256 : i32
      %dma_wait3A_132 = arith.constant 0 : i32
      %dma_wait3A_133 = tpu.memref_slice %arg6[%dma_wait3A_131, %dma_wait3A_132] : memref<1024x16xf32, #tpu.memory_space<vmem>> -> memref<128x16xf32, #tpu.memory_space<vmem>>
      %dma_wait3A_134 = arith.constant 0 : i32
      %dma_wait3A_135 = tpu.memref_slice %arg5[%dma_wait3A_130, %dma_wait3A_134] : memref<8x128xi32, #tpu.memory_space<vmem>> -> memref<1x128xi32, #tpu.memory_space<vmem>>
      %dma_wait3A_136 = tpu.memref_squeeze %dma_wait3A_135 : memref<1x128xi32, #tpu.memory_space<vmem>> -> memref<128xi32, #tpu.memory_space<vmem>>
      %dma_wait3A_137 = arith.constant 0 : i32
      %dma_wait3A_138 = arith.constant 0 : i32
      %dma_wait3A_139 = tpu.memref_slice %arg7[%dma_wait3A_137, %dma_wait3A_138] : memref<10112x16xf32, #tpu.memory_space<vmem_shared>> -> memref<10112x16xf32, #tpu.memory_space<vmem_shared>>
      tpu.wait_indirect_dma semaphore(%arg8 : memref<!tpu.dma_semaphore, #tpu.memory_space<semaphore_mem>>) src(%dma_wait3A_133 : memref<128x16xf32, #tpu.memory_space<vmem>>) dst(%dma_wait3A_139 : memref<10112x16xf32, #tpu.memory_space<vmem_shared>>)
      %dma_wait3A_140 = arith.constant 3 : i32
      %dma_wait3A_141 = arith.constant 384 : i32
      %dma_wait3A_142 = arith.constant 0 : i32
      %dma_wait3A_143 = tpu.memref_slice %arg6[%dma_wait3A_141, %dma_wait3A_142] : memref<1024x16xf32, #tpu.memory_space<vmem>> -> memref<128x16xf32, #tpu.memory_space<vmem>>
      %dma_wait3A_144 = arith.constant 0 : i32
      %dma_wait3A_145 = tpu.memref_slice %arg5[%dma_wait3A_140, %dma_wait3A_144] : memref<8x128xi32, #tpu.memory_space<vmem>> -> memref<1x128xi32, #tpu.memory_space<vmem>>
      %dma_wait3A_146 = tpu.memref_squeeze %dma_wait3A_145 : memref<1x128xi32, #tpu.memory_space<vmem>> -> memref<128xi32, #tpu.memory_space<vmem>>
      %dma_wait3A_147 = arith.constant 0 : i32
      %dma_wait3A_148 = arith.constant 0 : i32
      %dma_wait3A_149 = tpu.memref_slice %arg7[%dma_wait3A_147, %dma_wait3A_148] : memref<10112x16xf32, #tpu.memory_space<vmem_shared>> -> memref<10112x16xf32, #tpu.memory_space<vmem_shared>>
      tpu.wait_indirect_dma semaphore(%arg8 : memref<!tpu.dma_semaphore, #tpu.memory_space<semaphore_mem>>) src(%dma_wait3A_143 : memref<128x16xf32, #tpu.memory_space<vmem>>) dst(%dma_wait3A_149 : memref<10112x16xf32, #tpu.memory_space<vmem_shared>>)
      %dma_wait3A_150 = arith.constant 4 : i32
      %dma_wait3A_151 = arith.constant 512 : i32
      %dma_wait3A_152 = arith.constant 0 : i32
      %dma_wait3A_153 = tpu.memref_slice %arg6[%dma_wait3A_151, %dma_wait3A_152] : memref<1024x16xf32, #tpu.memory_space<vmem>> -> memref<128x16xf32, #tpu.memory_space<vmem>>
      %dma_wait3A_154 = arith.constant 0 : i32
      %dma_wait3A_155 = tpu.memref_slice %arg5[%dma_wait3A_150, %dma_wait3A_154] : memref<8x128xi32, #tpu.memory_space<vmem>> -> memref<1x128xi32, #tpu.memory_space<vmem>>
      %dma_wait3A_156 = tpu.memref_squeeze %dma_wait3A_155 : memref<1x128xi32, #tpu.memory_space<vmem>> -> memref<128xi32, #tpu.memory_space<vmem>>
      %dma_wait3A_157 = arith.constant 0 : i32
      %dma_wait3A_158 = arith.constant 0 : i32
      %dma_wait3A_159 = tpu.memref_slice %arg7[%dma_wait3A_157, %dma_wait3A_158] : memref<10112x16xf32, #tpu.memory_space<vmem_shared>> -> memref<10112x16xf32, #tpu.memory_space<vmem_shared>>
      tpu.wait_indirect_dma semaphore(%arg8 : memref<!tpu.dma_semaphore, #tpu.memory_space<semaphore_mem>>) src(%dma_wait3A_153 : memref<128x16xf32, #tpu.memory_space<vmem>>) dst(%dma_wait3A_159 : memref<10112x16xf32, #tpu.memory_space<vmem_shared>>)
      %dma_wait3A_160 = arith.constant 5 : i32
      %dma_wait3A_161 = arith.constant 640 : i32
      %dma_wait3A_162 = arith.constant 0 : i32
      %dma_wait3A_163 = tpu.memref_slice %arg6[%dma_wait3A_161, %dma_wait3A_162] : memref<1024x16xf32, #tpu.memory_space<vmem>> -> memref<128x16xf32, #tpu.memory_space<vmem>>
      %dma_wait3A_164 = arith.constant 0 : i32
      %dma_wait3A_165 = tpu.memref_slice %arg5[%dma_wait3A_160, %dma_wait3A_164] : memref<8x128xi32, #tpu.memory_space<vmem>> -> memref<1x128xi32, #tpu.memory_space<vmem>>
      %dma_wait3A_166 = tpu.memref_squeeze %dma_wait3A_165 : memref<1x128xi32, #tpu.memory_space<vmem>> -> memref<128xi32, #tpu.memory_space<vmem>>
      %dma_wait3A_167 = arith.constant 0 : i32
      %dma_wait3A_168 = arith.constant 0 : i32
      %dma_wait3A_169 = tpu.memref_slice %arg7[%dma_wait3A_167, %dma_wait3A_168] : memref<10112x16xf32, #tpu.memory_space<vmem_shared>> -> memref<10112x16xf32, #tpu.memory_space<vmem_shared>>
      tpu.wait_indirect_dma semaphore(%arg8 : memref<!tpu.dma_semaphore, #tpu.memory_space<semaphore_mem>>) src(%dma_wait3A_163 : memref<128x16xf32, #tpu.memory_space<vmem>>) dst(%dma_wait3A_169 : memref<10112x16xf32, #tpu.memory_space<vmem_shared>>)
      %dma_wait3A_170 = arith.constant 6 : i32
      %dma_wait3A_171 = arith.constant 768 : i32
      %dma_wait3A_172 = arith.constant 0 : i32
      %dma_wait3A_173 = tpu.memref_slice %arg6[%dma_wait3A_171, %dma_wait3A_172] : memref<1024x16xf32, #tpu.memory_space<vmem>> -> memref<128x16xf32, #tpu.memory_space<vmem>>
      %dma_wait3A_174 = arith.constant 0 : i32
      %dma_wait3A_175 = tpu.memref_slice %arg5[%dma_wait3A_170, %dma_wait3A_174] : memref<8x128xi32, #tpu.memory_space<vmem>> -> memref<1x128xi32, #tpu.memory_space<vmem>>
      %dma_wait3A_176 = tpu.memref_squeeze %dma_wait3A_175 : memref<1x128xi32, #tpu.memory_space<vmem>> -> memref<128xi32, #tpu.memory_space<vmem>>
      %dma_wait3A_177 = arith.constant 0 : i32
      %dma_wait3A_178 = arith.constant 0 : i32
      %dma_wait3A_179 = tpu.memref_slice %arg7[%dma_wait3A_177, %dma_wait3A_178] : memref<10112x16xf32, #tpu.memory_space<vmem_shared>> -> memref<10112x16xf32, #tpu.memory_space<vmem_shared>>
      tpu.wait_indirect_dma semaphore(%arg8 : memref<!tpu.dma_semaphore, #tpu.memory_space<semaphore_mem>>) src(%dma_wait3A_173 : memref<128x16xf32, #tpu.memory_space<vmem>>) dst(%dma_wait3A_179 : memref<10112x16xf32, #tpu.memory_space<vmem_shared>>)
      %dma_wait3A_180 = arith.constant 7 : i32
      %dma_wait3A_181 = arith.constant 896 : i32
      %dma_wait3A_182 = arith.constant 0 : i32
      %dma_wait3A_183 = tpu.memref_slice %arg6[%dma_wait3A_181, %dma_wait3A_182] : memref<1024x16xf32, #tpu.memory_space<vmem>> -> memref<128x16xf32, #tpu.memory_space<vmem>>
      %dma_wait3A_184 = arith.constant 0 : i32
      %dma_wait3A_185 = tpu.memref_slice %arg5[%dma_wait3A_180, %dma_wait3A_184] : memref<8x128xi32, #tpu.memory_space<vmem>> -> memref<1x128xi32, #tpu.memory_space<vmem>>
      %dma_wait3A_186 = tpu.memref_squeeze %dma_wait3A_185 : memref<1x128xi32, #tpu.memory_space<vmem>> -> memref<128xi32, #tpu.memory_space<vmem>>
      %dma_wait3A_187 = arith.constant 0 : i32
      %dma_wait3A_188 = arith.constant 0 : i32
      %dma_wait3A_189 = tpu.memref_slice %arg7[%dma_wait3A_187, %dma_wait3A_188] : memref<10112x16xf32, #tpu.memory_space<vmem_shared>> -> memref<10112x16xf32, #tpu.memory_space<vmem_shared>>
      tpu.wait_indirect_dma semaphore(%arg8 : memref<!tpu.dma_semaphore, #tpu.memory_space<semaphore_mem>>) src(%dma_wait3A_183 : memref<128x16xf32, #tpu.memory_space<vmem>>) dst(%dma_wait3A_189 : memref<10112x16xf32, #tpu.memory_space<vmem_shared>>)
    }
    %eq3A = arith.constant 31 : i32
    %eq3A_19 = arith.cmpi eq, %add3A, %eq3A : i32
    %convert_element_type3A = arith.extui %eq3A_19 : i1 to i32
    %cond3A = arith.constant 0 : i32
    %cond3A_20 = arith.cmpi ne, %convert_element_type3A, %cond3A : i32
    scf.if %cond3A_20 {
      "tpu.region"() ({
        %run_scoped3A = tpu.sem_alloc : memref<!tpu.dma_semaphore, #tpu.memory_space<semaphore_mem>>
        %dma_start3A_100 = arith.constant 0 : i32
        %dma_start3A_101 = arith.constant 0 : i32
        %dma_start3A_102 = tpu.memref_slice %arg5[%dma_start3A_100, %dma_start3A_101] : memref<8x128xi32, #tpu.memory_space<vmem>> -> memref<4x128xi32, #tpu.memory_space<vmem>>
        %dma_start3A_103 = arith.constant 2496 : i32
        %dma_start3A_104 = arith.constant 0 : i32
        %dma_start3A_105 = tpu.memref_slice %arg3[%dma_start3A_103, %dma_start3A_104] : memref<2500x128xi32, #tpu.memory_space<hbm>> -> memref<4x128xi32, #tpu.memory_space<hbm>>
        %dma_start3A_106 = arith.constant 0 : i32
        %dma_start3A_107 = arith.constant 0 : i32
        %dma_start3A_108 = tpu.memref_slice %arg5[%dma_start3A_106, %dma_start3A_107] : memref<8x128xi32, #tpu.memory_space<vmem>> -> memref<4x128xi32, #tpu.memory_space<vmem>>
        %dma_start3A_109 = arith.constant 2496 : i32
        %dma_start3A_110 = arith.constant 0 : i32
        %dma_start3A_111 = tpu.memref_slice %arg3[%dma_start3A_109, %dma_start3A_110] : memref<2500x128xi32, #tpu.memory_space<hbm>> -> memref<4x128xi32, #tpu.memory_space<hbm>>
        tpu.enqueue_dma source(%dma_start3A_111 : memref<4x128xi32, #tpu.memory_space<hbm>>) target(%dma_start3A_108 : memref<4x128xi32, #tpu.memory_space<vmem>>) target_semaphore(%run_scoped3A : memref<!tpu.dma_semaphore, #tpu.memory_space<semaphore_mem>>)
        %dma_wait3A_112 = arith.constant 0 : i32
        %dma_wait3A_113 = arith.constant 0 : i32
        %dma_wait3A_114 = tpu.memref_slice %arg5[%dma_wait3A_112, %dma_wait3A_113] : memref<8x128xi32, #tpu.memory_space<vmem>> -> memref<4x128xi32, #tpu.memory_space<vmem>>
        %dma_wait3A_115 = arith.constant 2496 : i32
        %dma_wait3A_116 = arith.constant 0 : i32
        %dma_wait3A_117 = tpu.memref_slice %arg3[%dma_wait3A_115, %dma_wait3A_116] : memref<2500x128xi32, #tpu.memory_space<hbm>> -> memref<4x128xi32, #tpu.memory_space<hbm>>
        %dma_wait3A_118 = arith.constant 0 : i32
        %dma_wait3A_119 = arith.constant 0 : i32
        %dma_wait3A_120 = tpu.memref_slice %arg5[%dma_wait3A_118, %dma_wait3A_119] : memref<8x128xi32, #tpu.memory_space<vmem>> -> memref<4x128xi32, #tpu.memory_space<vmem>>
        %dma_wait3A_121 = arith.constant 2496 : i32
        %dma_wait3A_122 = arith.constant 0 : i32
        %dma_wait3A_123 = tpu.memref_slice %arg3[%dma_wait3A_121, %dma_wait3A_122] : memref<2500x128xi32, #tpu.memory_space<hbm>> -> memref<4x128xi32, #tpu.memory_space<hbm>>
        tpu.wait_dma2 semaphore(%run_scoped3A : memref<!tpu.dma_semaphore, #tpu.memory_space<semaphore_mem>>) src(%dma_wait3A_123 : memref<4x128xi32, #tpu.memory_space<hbm>>) dst(%dma_wait3A_120 : memref<4x128xi32, #tpu.memory_space<vmem>>)
        tpu.yield
      }) : () -> ()
      "tpu.region"() ({
        %run_scoped3A = tpu.sem_alloc : memref<!tpu.dma_semaphore, #tpu.memory_space<semaphore_mem>>
        %dma_start3A_100 = arith.constant 0 : i32
        %dma_start3A_101 = arith.constant 0 : i32
        %dma_start3A_102 = tpu.memref_slice %arg6[%dma_start3A_100, %dma_start3A_101] : memref<1024x16xf32, #tpu.memory_space<vmem>> -> memref<512x16xf32, #tpu.memory_space<vmem>>
        %dma_start3A_103 = arith.constant 319488 : i32
        %dma_start3A_104 = arith.constant 0 : i32
        %dma_start3A_105 = tpu.memref_slice %arg2[%dma_start3A_103, %dma_start3A_104] : memref<320000x16xf32, #tpu.memory_space<hbm>> -> memref<512x16xf32, #tpu.memory_space<hbm>>
        %dma_start3A_106 = arith.constant 0 : i32
        %dma_start3A_107 = arith.constant 0 : i32
        %dma_start3A_108 = tpu.memref_slice %arg6[%dma_start3A_106, %dma_start3A_107] : memref<1024x16xf32, #tpu.memory_space<vmem>> -> memref<512x16xf32, #tpu.memory_space<vmem>>
        %dma_start3A_109 = arith.constant 319488 : i32
        %dma_start3A_110 = arith.constant 0 : i32
        %dma_start3A_111 = tpu.memref_slice %arg2[%dma_start3A_109, %dma_start3A_110] : memref<320000x16xf32, #tpu.memory_space<hbm>> -> memref<512x16xf32, #tpu.memory_space<hbm>>
        tpu.enqueue_dma source(%dma_start3A_111 : memref<512x16xf32, #tpu.memory_space<hbm>>) target(%dma_start3A_108 : memref<512x16xf32, #tpu.memory_space<vmem>>) target_semaphore(%run_scoped3A : memref<!tpu.dma_semaphore, #tpu.memory_space<semaphore_mem>>)
        %dma_wait3A_112 = arith.constant 0 : i32
        %dma_wait3A_113 = arith.constant 0 : i32
        %dma_wait3A_114 = tpu.memref_slice %arg6[%dma_wait3A_112, %dma_wait3A_113] : memref<1024x16xf32, #tpu.memory_space<vmem>> -> memref<512x16xf32, #tpu.memory_space<vmem>>
        %dma_wait3A_115 = arith.constant 319488 : i32
        %dma_wait3A_116 = arith.constant 0 : i32
        %dma_wait3A_117 = tpu.memref_slice %arg2[%dma_wait3A_115, %dma_wait3A_116] : memref<320000x16xf32, #tpu.memory_space<hbm>> -> memref<512x16xf32, #tpu.memory_space<hbm>>
        %dma_wait3A_118 = arith.constant 0 : i32
        %dma_wait3A_119 = arith.constant 0 : i32
        %dma_wait3A_120 = tpu.memref_slice %arg6[%dma_wait3A_118, %dma_wait3A_119] : memref<1024x16xf32, #tpu.memory_space<vmem>> -> memref<512x16xf32, #tpu.memory_space<vmem>>
        %dma_wait3A_121 = arith.constant 319488 : i32
        %dma_wait3A_122 = arith.constant 0 : i32
        %dma_wait3A_123 = tpu.memref_slice %arg2[%dma_wait3A_121, %dma_wait3A_122] : memref<320000x16xf32, #tpu.memory_space<hbm>> -> memref<512x16xf32, #tpu.memory_space<hbm>>
        tpu.wait_dma2 semaphore(%run_scoped3A : memref<!tpu.dma_semaphore, #tpu.memory_space<semaphore_mem>>) src(%dma_wait3A_123 : memref<512x16xf32, #tpu.memory_space<hbm>>) dst(%dma_wait3A_120 : memref<512x16xf32, #tpu.memory_space<vmem>>)
        tpu.yield
      }) : () -> ()
      %dma_start3A = arith.constant 0 : i32
      %dma_start3A_22 = arith.constant 0 : i32
      %dma_start3A_23 = arith.constant 0 : i32
      %dma_start3A_24 = tpu.memref_slice %arg6[%dma_start3A_22, %dma_start3A_23] : memref<1024x16xf32, #tpu.memory_space<vmem>> -> memref<128x16xf32, #tpu.memory_space<vmem>>
      %dma_start3A_25 = arith.constant 0 : i32
      %dma_start3A_26 = tpu.memref_slice %arg5[%dma_start3A, %dma_start3A_25] : memref<8x128xi32, #tpu.memory_space<vmem>> -> memref<1x128xi32, #tpu.memory_space<vmem>>
      %dma_start3A_27 = tpu.memref_squeeze %dma_start3A_26 : memref<1x128xi32, #tpu.memory_space<vmem>> -> memref<128xi32, #tpu.memory_space<vmem>>
      %dma_start3A_28 = arith.constant 0 : i32
      %dma_start3A_29 = arith.constant 0 : i32
      %dma_start3A_30 = tpu.memref_slice %arg7[%dma_start3A_28, %dma_start3A_29] : memref<10112x16xf32, #tpu.memory_space<vmem_shared>> -> memref<10112x16xf32, #tpu.memory_space<vmem_shared>>
      tpu.enqueue_indirect_dma source(%dma_start3A_24 : memref<128x16xf32, #tpu.memory_space<vmem>>) target(%dma_start3A_30 : memref<10112x16xf32, #tpu.memory_space<vmem_shared>>) offsets(%dma_start3A_27 : memref<128xi32, #tpu.memory_space<vmem>>) semaphore(%arg8 : memref<!tpu.dma_semaphore, #tpu.memory_space<semaphore_mem>>) {add = true}
      %dma_start3A_31 = arith.constant 1 : i32
      %dma_start3A_32 = arith.constant 128 : i32
      %dma_start3A_33 = arith.constant 0 : i32
      %dma_start3A_34 = tpu.memref_slice %arg6[%dma_start3A_32, %dma_start3A_33] : memref<1024x16xf32, #tpu.memory_space<vmem>> -> memref<128x16xf32, #tpu.memory_space<vmem>>
      %dma_start3A_35 = arith.constant 0 : i32
      %dma_start3A_36 = tpu.memref_slice %arg5[%dma_start3A_31, %dma_start3A_35] : memref<8x128xi32, #tpu.memory_space<vmem>> -> memref<1x128xi32, #tpu.memory_space<vmem>>
      %dma_start3A_37 = tpu.memref_squeeze %dma_start3A_36 : memref<1x128xi32, #tpu.memory_space<vmem>> -> memref<128xi32, #tpu.memory_space<vmem>>
      %dma_start3A_38 = arith.constant 0 : i32
      %dma_start3A_39 = arith.constant 0 : i32
      %dma_start3A_40 = tpu.memref_slice %arg7[%dma_start3A_38, %dma_start3A_39] : memref<10112x16xf32, #tpu.memory_space<vmem_shared>> -> memref<10112x16xf32, #tpu.memory_space<vmem_shared>>
      tpu.enqueue_indirect_dma source(%dma_start3A_34 : memref<128x16xf32, #tpu.memory_space<vmem>>) target(%dma_start3A_40 : memref<10112x16xf32, #tpu.memory_space<vmem_shared>>) offsets(%dma_start3A_37 : memref<128xi32, #tpu.memory_space<vmem>>) semaphore(%arg8 : memref<!tpu.dma_semaphore, #tpu.memory_space<semaphore_mem>>) {add = true}
      %dma_start3A_41 = arith.constant 2 : i32
      %dma_start3A_42 = arith.constant 256 : i32
      %dma_start3A_43 = arith.constant 0 : i32
      %dma_start3A_44 = tpu.memref_slice %arg6[%dma_start3A_42, %dma_start3A_43] : memref<1024x16xf32, #tpu.memory_space<vmem>> -> memref<128x16xf32, #tpu.memory_space<vmem>>
      %dma_start3A_45 = arith.constant 0 : i32
      %dma_start3A_46 = tpu.memref_slice %arg5[%dma_start3A_41, %dma_start3A_45] : memref<8x128xi32, #tpu.memory_space<vmem>> -> memref<1x128xi32, #tpu.memory_space<vmem>>
      %dma_start3A_47 = tpu.memref_squeeze %dma_start3A_46 : memref<1x128xi32, #tpu.memory_space<vmem>> -> memref<128xi32, #tpu.memory_space<vmem>>
      %dma_start3A_48 = arith.constant 0 : i32
      %dma_start3A_49 = arith.constant 0 : i32
      %dma_start3A_50 = tpu.memref_slice %arg7[%dma_start3A_48, %dma_start3A_49] : memref<10112x16xf32, #tpu.memory_space<vmem_shared>> -> memref<10112x16xf32, #tpu.memory_space<vmem_shared>>
      tpu.enqueue_indirect_dma source(%dma_start3A_44 : memref<128x16xf32, #tpu.memory_space<vmem>>) target(%dma_start3A_50 : memref<10112x16xf32, #tpu.memory_space<vmem_shared>>) offsets(%dma_start3A_47 : memref<128xi32, #tpu.memory_space<vmem>>) semaphore(%arg8 : memref<!tpu.dma_semaphore, #tpu.memory_space<semaphore_mem>>) {add = true}
      %dma_start3A_51 = arith.constant 3 : i32
      %dma_start3A_52 = arith.constant 384 : i32
      %dma_start3A_53 = arith.constant 0 : i32
      %dma_start3A_54 = tpu.memref_slice %arg6[%dma_start3A_52, %dma_start3A_53] : memref<1024x16xf32, #tpu.memory_space<vmem>> -> memref<128x16xf32, #tpu.memory_space<vmem>>
      %dma_start3A_55 = arith.constant 0 : i32
      %dma_start3A_56 = tpu.memref_slice %arg5[%dma_start3A_51, %dma_start3A_55] : memref<8x128xi32, #tpu.memory_space<vmem>> -> memref<1x128xi32, #tpu.memory_space<vmem>>
      %dma_start3A_57 = tpu.memref_squeeze %dma_start3A_56 : memref<1x128xi32, #tpu.memory_space<vmem>> -> memref<128xi32, #tpu.memory_space<vmem>>
      %dma_start3A_58 = arith.constant 0 : i32
      %dma_start3A_59 = arith.constant 0 : i32
      %dma_start3A_60 = tpu.memref_slice %arg7[%dma_start3A_58, %dma_start3A_59] : memref<10112x16xf32, #tpu.memory_space<vmem_shared>> -> memref<10112x16xf32, #tpu.memory_space<vmem_shared>>
      tpu.enqueue_indirect_dma source(%dma_start3A_54 : memref<128x16xf32, #tpu.memory_space<vmem>>) target(%dma_start3A_60 : memref<10112x16xf32, #tpu.memory_space<vmem_shared>>) offsets(%dma_start3A_57 : memref<128xi32, #tpu.memory_space<vmem>>) semaphore(%arg8 : memref<!tpu.dma_semaphore, #tpu.memory_space<semaphore_mem>>) {add = true}
      %dma_wait3A = arith.constant 0 : i32
      %dma_wait3A_61 = arith.constant 0 : i32
      %dma_wait3A_62 = arith.constant 0 : i32
      %dma_wait3A_63 = tpu.memref_slice %arg6[%dma_wait3A_61, %dma_wait3A_62] : memref<1024x16xf32, #tpu.memory_space<vmem>> -> memref<128x16xf32, #tpu.memory_space<vmem>>
      %dma_wait3A_64 = arith.constant 0 : i32
      %dma_wait3A_65 = tpu.memref_slice %arg5[%dma_wait3A, %dma_wait3A_64] : memref<8x128xi32, #tpu.memory_space<vmem>> -> memref<1x128xi32, #tpu.memory_space<vmem>>
      %dma_wait3A_66 = tpu.memref_squeeze %dma_wait3A_65 : memref<1x128xi32, #tpu.memory_space<vmem>> -> memref<128xi32, #tpu.memory_space<vmem>>
      %dma_wait3A_67 = arith.constant 0 : i32
      %dma_wait3A_68 = arith.constant 0 : i32
      %dma_wait3A_69 = tpu.memref_slice %arg7[%dma_wait3A_67, %dma_wait3A_68] : memref<10112x16xf32, #tpu.memory_space<vmem_shared>> -> memref<10112x16xf32, #tpu.memory_space<vmem_shared>>
      tpu.wait_indirect_dma semaphore(%arg8 : memref<!tpu.dma_semaphore, #tpu.memory_space<semaphore_mem>>) src(%dma_wait3A_63 : memref<128x16xf32, #tpu.memory_space<vmem>>) dst(%dma_wait3A_69 : memref<10112x16xf32, #tpu.memory_space<vmem_shared>>)
      %dma_wait3A_70 = arith.constant 1 : i32
      %dma_wait3A_71 = arith.constant 128 : i32
      %dma_wait3A_72 = arith.constant 0 : i32
      %dma_wait3A_73 = tpu.memref_slice %arg6[%dma_wait3A_71, %dma_wait3A_72] : memref<1024x16xf32, #tpu.memory_space<vmem>> -> memref<128x16xf32, #tpu.memory_space<vmem>>
      %dma_wait3A_74 = arith.constant 0 : i32
      %dma_wait3A_75 = tpu.memref_slice %arg5[%dma_wait3A_70, %dma_wait3A_74] : memref<8x128xi32, #tpu.memory_space<vmem>> -> memref<1x128xi32, #tpu.memory_space<vmem>>
      %dma_wait3A_76 = tpu.memref_squeeze %dma_wait3A_75 : memref<1x128xi32, #tpu.memory_space<vmem>> -> memref<128xi32, #tpu.memory_space<vmem>>
      %dma_wait3A_77 = arith.constant 0 : i32
      %dma_wait3A_78 = arith.constant 0 : i32
      %dma_wait3A_79 = tpu.memref_slice %arg7[%dma_wait3A_77, %dma_wait3A_78] : memref<10112x16xf32, #tpu.memory_space<vmem_shared>> -> memref<10112x16xf32, #tpu.memory_space<vmem_shared>>
      tpu.wait_indirect_dma semaphore(%arg8 : memref<!tpu.dma_semaphore, #tpu.memory_space<semaphore_mem>>) src(%dma_wait3A_73 : memref<128x16xf32, #tpu.memory_space<vmem>>) dst(%dma_wait3A_79 : memref<10112x16xf32, #tpu.memory_space<vmem_shared>>)
      %dma_wait3A_80 = arith.constant 2 : i32
      %dma_wait3A_81 = arith.constant 256 : i32
      %dma_wait3A_82 = arith.constant 0 : i32
      %dma_wait3A_83 = tpu.memref_slice %arg6[%dma_wait3A_81, %dma_wait3A_82] : memref<1024x16xf32, #tpu.memory_space<vmem>> -> memref<128x16xf32, #tpu.memory_space<vmem>>
      %dma_wait3A_84 = arith.constant 0 : i32
      %dma_wait3A_85 = tpu.memref_slice %arg5[%dma_wait3A_80, %dma_wait3A_84] : memref<8x128xi32, #tpu.memory_space<vmem>> -> memref<1x128xi32, #tpu.memory_space<vmem>>
      %dma_wait3A_86 = tpu.memref_squeeze %dma_wait3A_85 : memref<1x128xi32, #tpu.memory_space<vmem>> -> memref<128xi32, #tpu.memory_space<vmem>>
      %dma_wait3A_87 = arith.constant 0 : i32
      %dma_wait3A_88 = arith.constant 0 : i32
      %dma_wait3A_89 = tpu.memref_slice %arg7[%dma_wait3A_87, %dma_wait3A_88] : memref<10112x16xf32, #tpu.memory_space<vmem_shared>> -> memref<10112x16xf32, #tpu.memory_space<vmem_shared>>
      tpu.wait_indirect_dma semaphore(%arg8 : memref<!tpu.dma_semaphore, #tpu.memory_space<semaphore_mem>>) src(%dma_wait3A_83 : memref<128x16xf32, #tpu.memory_space<vmem>>) dst(%dma_wait3A_89 : memref<10112x16xf32, #tpu.memory_space<vmem_shared>>)
      %dma_wait3A_90 = arith.constant 3 : i32
      %dma_wait3A_91 = arith.constant 384 : i32
      %dma_wait3A_92 = arith.constant 0 : i32
      %dma_wait3A_93 = tpu.memref_slice %arg6[%dma_wait3A_91, %dma_wait3A_92] : memref<1024x16xf32, #tpu.memory_space<vmem>> -> memref<128x16xf32, #tpu.memory_space<vmem>>
      %dma_wait3A_94 = arith.constant 0 : i32
      %dma_wait3A_95 = tpu.memref_slice %arg5[%dma_wait3A_90, %dma_wait3A_94] : memref<8x128xi32, #tpu.memory_space<vmem>> -> memref<1x128xi32, #tpu.memory_space<vmem>>
      %dma_wait3A_96 = tpu.memref_squeeze %dma_wait3A_95 : memref<1x128xi32, #tpu.memory_space<vmem>> -> memref<128xi32, #tpu.memory_space<vmem>>
      %dma_wait3A_97 = arith.constant 0 : i32
      %dma_wait3A_98 = arith.constant 0 : i32
      %dma_wait3A_99 = tpu.memref_slice %arg7[%dma_wait3A_97, %dma_wait3A_98] : memref<10112x16xf32, #tpu.memory_space<vmem_shared>> -> memref<10112x16xf32, #tpu.memory_space<vmem_shared>>
      tpu.wait_indirect_dma semaphore(%arg8 : memref<!tpu.dma_semaphore, #tpu.memory_space<semaphore_mem>>) src(%dma_wait3A_93 : memref<128x16xf32, #tpu.memory_space<vmem>>) dst(%dma_wait3A_99 : memref<10112x16xf32, #tpu.memory_space<vmem_shared>>)
    } else {
    }
    %barrier3A_21 = arith.constant 0 : index
    tpu.barrier barrier_id(%barrier3A_21)
    "tpu.region"() ({
      %run_scoped3A = tpu.sem_alloc : memref<!tpu.dma_semaphore, #tpu.memory_space<semaphore_mem>>
      %dma_start3A = arith.constant 0 : i32
      %dma_start3A_22 = tpu.memref_slice %arg4[%arg0, %multiple_of3A, %dma_start3A] : memref<2x10112x16xf32, #tpu.memory_space<hbm>> -> memref<1x632x16xf32, #tpu.memory_space<hbm>>
      %dma_start3A_23 = tpu.memref_squeeze %dma_start3A_22 : memref<1x632x16xf32, #tpu.memory_space<hbm>> -> memref<632x16xf32, #tpu.memory_space<hbm>>
      %dma_start3A_24 = arith.constant 0 : i32
      %dma_start3A_25 = tpu.memref_slice %arg7[%multiple_of3A, %dma_start3A_24] : memref<10112x16xf32, #tpu.memory_space<vmem_shared>> -> memref<632x16xf32, #tpu.memory_space<vmem_shared>>
      tpu.enqueue_dma source(%dma_start3A_25 : memref<632x16xf32, #tpu.memory_space<vmem_shared>>) target(%dma_start3A_23 : memref<632x16xf32, #tpu.memory_space<hbm>>) target_semaphore(%run_scoped3A : memref<!tpu.dma_semaphore, #tpu.memory_space<semaphore_mem>>)
      %dma_wait3A = arith.constant 0 : i32
      %dma_wait3A_26 = tpu.memref_slice %arg4[%arg0, %multiple_of3A, %dma_wait3A] : memref<2x10112x16xf32, #tpu.memory_space<hbm>> -> memref<1x632x16xf32, #tpu.memory_space<hbm>>
      %dma_wait3A_27 = tpu.memref_squeeze %dma_wait3A_26 : memref<1x632x16xf32, #tpu.memory_space<hbm>> -> memref<632x16xf32, #tpu.memory_space<hbm>>
      %dma_wait3A_28 = arith.constant 0 : i32
      %dma_wait3A_29 = tpu.memref_slice %arg7[%multiple_of3A, %dma_wait3A_28] : memref<10112x16xf32, #tpu.memory_space<vmem_shared>> -> memref<632x16xf32, #tpu.memory_space<vmem_shared>>
      tpu.wait_dma2 semaphore(%run_scoped3A : memref<!tpu.dma_semaphore, #tpu.memory_space<semaphore_mem>>) src(%dma_wait3A_29 : memref<632x16xf32, #tpu.memory_space<vmem_shared>>) dst(%dma_wait3A_27 : memref<632x16xf32, #tpu.memory_space<hbm>>)
      tpu.yield
    }) : () -> ()
    return
  }
}

module attributes {stable_mosaic.version = 14 : i64} {
  func.func @_proj_nodes_body(%arg0: i32, %arg1: memref<2000x128xf32, #tpu.memory_space<vmem>>, %arg2: memref<32x128xf32, #tpu.memory_space<vmem>>, %arg3: memref<2000x16xf32, #tpu.memory_space<vmem>>, %arg4: memref<2000x16xf32, #tpu.memory_space<vmem>>) attributes {dimension_semantics = [#tpu.dimension_semantics<arbitrary>], iteration_bounds = array<i64: 5>, scalar_prefetch = 0 : i64, scratch_operands = 0 : i64, tpu.core_type = #tpu.core_type<tc>, window_params = [{transform_indices = @transform_0, window_bounds = array<i64: 2000, 128>}, {pipeline_mode = #tpu.pipeline_mode<synchronous>, transform_indices = @transform_1, window_bounds = array<i64: 32, 128>}, {transform_indices = @transform_2, window_bounds = array<i64: 2000, 16>}, {transform_indices = @transform_3, window_bounds = array<i64: 2000, 16>}]} {
    %get3A = arith.constant 0 : index
    %get3A_0 = arith.constant 0 : index
    %get3A_1 = vector.load %arg1[%get3A, %get3A_0] : memref<2000x128xf32, #tpu.memory_space<vmem>>, vector<2000x128xf32>
    %get3A_2 = arith.constant 0 : index
    %get3A_3 = arith.constant 0 : index
    %get3A_4 = vector.load %arg2[%get3A_2, %get3A_3] : memref<32x128xf32, #tpu.memory_space<vmem>>, vector<32x128xf32>
    %dot_general3A = arith.constant dense<0.000000e+00> : vector<2000x32xf32>
    %dot_general3A_5 = tpu.matmul %get3A_1, %get3A_4, %dot_general3A {dimension_numbers = #tpu.dot_dimension_numbers<[1], [1], [0], [0], [0, 0, 1, 0], [], []>, transpose_lhs_hint = false} : vector<2000x128xf32>, vector<32x128xf32>, vector<2000x32xf32> -> vector<2000x32xf32>
    %slice3A = vector.extract_strided_slice %dot_general3A_5 {offsets = [0, 0], sizes = [2000, 16], strides = [1, 1]} : vector<2000x32xf32> to vector<2000x16xf32>
    %swap3A = arith.constant 0 : index
    %swap3A_6 = arith.constant 0 : index
    %swap3A_7 = vector.load %arg3[%swap3A, %swap3A_6] : memref<2000x16xf32, #tpu.memory_space<vmem>>, vector<2000x16xf32>
    tpu.vector_store %arg3[%swap3A, %swap3A_6], %slice3A {strides = array<i32>} : memref<2000x16xf32, #tpu.memory_space<vmem>>, vector<2000x16xf32>,
    %slice3A_8 = vector.extract_strided_slice %dot_general3A_5 {offsets = [0, 16], sizes = [2000, 16], strides = [1, 1]} : vector<2000x32xf32> to vector<2000x16xf32>
    %swap3A_9 = arith.constant 0 : index
    %swap3A_10 = arith.constant 0 : index
    %swap3A_11 = vector.load %arg4[%swap3A_9, %swap3A_10] : memref<2000x16xf32, #tpu.memory_space<vmem>>, vector<2000x16xf32>
    tpu.vector_store %arg4[%swap3A_9, %swap3A_10], %slice3A_8 {strides = array<i32>} : memref<2000x16xf32, #tpu.memory_space<vmem>>, vector<2000x16xf32>,
    return
  }
  func.func @transform_0(%arg0: i32) -> (i32, i32) {
    %c0_i32 = arith.constant 0 : i32
    %c0_i32_0 = arith.constant 0 : i32
    return %arg0, %c0_i32 : i32, i32
  }
  func.func @transform_1(%arg0: i32) -> (i32, i32) {
    %c0_i32 = arith.constant 0 : i32
    %c0_i32_0 = arith.constant 0 : i32
    %c0_i32_1 = arith.constant 0 : i32
    return %c0_i32, %c0_i32_0 : i32, i32
  }
  func.func @transform_2(%arg0: i32) -> (i32, i32) {
    %c0_i32 = arith.constant 0 : i32
    %c0_i32_0 = arith.constant 0 : i32
    return %arg0, %c0_i32 : i32, i32
  }
  func.func @transform_3(%arg0: i32) -> (i32, i32) {
    %c0_i32 = arith.constant 0 : i32
    %c0_i32_0 = arith.constant 0 : i32
    return %arg0, %c0_i32 : i32, i32
  }
}

module attributes {stable_mosaic.version = 14 : i64} {
  func.func @_edge_mlp2_body(%arg0: i32, %arg1: memref<2000x128xf32, #tpu.memory_space<vmem>>, %arg2: memref<2000x128xf32, #tpu.memory_space<vmem>>, %arg3: memref<128x128xf32, #tpu.memory_space<vmem>>, %arg4: memref<1x128xf32, #tpu.memory_space<vmem>>, %arg5: memref<128x128xf32, #tpu.memory_space<vmem>>, %arg6: memref<1x128xf32, #tpu.memory_space<vmem>>, %arg7: memref<2000x128xf32, #tpu.memory_space<vmem>>) attributes {dimension_semantics = [#tpu.dimension_semantics<arbitrary>], iteration_bounds = array<i64: 20>, scalar_prefetch = 0 : i64, scratch_operands = 0 : i64, tpu.core_type = #tpu.core_type<tc>, window_params = [{transform_indices = @transform_0, window_bounds = array<i64: 2000, 128>}, {transform_indices = @transform_1, window_bounds = array<i64: 2000, 128>}, {pipeline_mode = #tpu.pipeline_mode<synchronous>, transform_indices = @transform_2, window_bounds = array<i64: 128, 128>}, {pipeline_mode = #tpu.pipeline_mode<synchronous>, transform_indices = @transform_3, window_bounds = array<i64: 1, 128>}, {pipeline_mode = #tpu.pipeline_mode<synchronous>, transform_indices = @transform_4, window_bounds = array<i64: 128, 128>}, {pipeline_mode = #tpu.pipeline_mode<synchronous>, transform_indices = @transform_5, window_bounds = array<i64: 1, 128>}, {transform_indices = @transform_6, window_bounds = array<i64: 2000, 128>}]} {
    %get3A = arith.constant 0 : index
    %get3A_0 = arith.constant 0 : index
    %get3A_1 = vector.load %arg1[%get3A, %get3A_0] : memref<2000x128xf32, #tpu.memory_space<vmem>>, vector<2000x128xf32>
    %get3A_2 = arith.constant 0 : index
    %get3A_3 = arith.constant 0 : index
    %get3A_4 = vector.load %arg2[%get3A_2, %get3A_3] : memref<2000x128xf32, #tpu.memory_space<vmem>>, vector<2000x128xf32>
    %get3A_5 = arith.constant 0 : index
    %get3A_6 = arith.constant 0 : index
    %get3A_7 = vector.load %arg3[%get3A_5, %get3A_6] : memref<128x128xf32, #tpu.memory_space<vmem>>, vector<128x128xf32>
    %dot_general3A = arith.constant dense<0.000000e+00> : vector<2000x128xf32>
    %dot_general3A_8 = tpu.matmul %get3A_4, %get3A_7, %dot_general3A {dimension_numbers = #tpu.dot_dimension_numbers<[1], [0], [0], [1], [0, 0, 1, 1], [], []>, transpose_lhs_hint = false} : vector<2000x128xf32>, vector<128x128xf32>, vector<2000x128xf32> -> vector<2000x128xf32>
    %add3A = arith.addf %get3A_1, %dot_general3A_8 : vector<2000x128xf32>
    %get3A_9 = arith.constant 0 : index
    %get3A_10 = arith.constant 0 : index
    %get3A_11 = vector.load %arg4[%get3A_9, %get3A_10] : memref<1x128xf32, #tpu.memory_space<vmem>>, vector<1x128xf32>
    %add3A_12 = vector.broadcast %get3A_11 : vector<1x128xf32> to vector<2000x128xf32>
    %add3A_13 = arith.addf %add3A, %add3A_12 : vector<2000x128xf32>
    %mul3A = arith.constant 5.000000e-01 : f32
    %mul3A_14 = vector.broadcast %mul3A : f32 to vector<2000x128xf32>
    %mul3A_15 = arith.mulf %mul3A_14, %add3A_13 : vector<2000x128xf32>
    %mul3A_16 = arith.constant 0.707106769 : f32
    %mul3A_17 = vector.broadcast %mul3A_16 : f32 to vector<2000x128xf32>
    %mul3A_18 = arith.mulf %add3A_13, %mul3A_17 : vector<2000x128xf32>
    %erf3A = math.erf %mul3A_18 : vector<2000x128xf32>
    %add3A_19 = arith.constant 1.000000e+00 : f32
    %add3A_20 = vector.broadcast %add3A_19 : f32 to vector<2000x128xf32>
    %add3A_21 = arith.addf %add3A_20, %erf3A : vector<2000x128xf32>
    %mul3A_22 = arith.mulf %mul3A_15, %add3A_21 : vector<2000x128xf32>
    %get3A_23 = arith.constant 0 : index
    %get3A_24 = arith.constant 0 : index
    %get3A_25 = vector.load %arg5[%get3A_23, %get3A_24] : memref<128x128xf32, #tpu.memory_space<vmem>>, vector<128x128xf32>
    %dot_general3A_26 = arith.constant dense<0.000000e+00> : vector<2000x128xf32>
    %dot_general3A_27 = tpu.matmul %mul3A_22, %get3A_25, %dot_general3A_26 {dimension_numbers = #tpu.dot_dimension_numbers<[1], [0], [0], [1], [0, 0, 1, 1], [], []>, transpose_lhs_hint = false} : vector<2000x128xf32>, vector<128x128xf32>, vector<2000x128xf32> -> vector<2000x128xf32>
    %get3A_28 = arith.constant 0 : index
    %get3A_29 = arith.constant 0 : index
    %get3A_30 = vector.load %arg6[%get3A_28, %get3A_29] : memref<1x128xf32, #tpu.memory_space<vmem>>, vector<1x128xf32>
    %add3A_31 = vector.broadcast %get3A_30 : vector<1x128xf32> to vector<2000x128xf32>
    %add3A_32 = arith.addf %dot_general3A_27, %add3A_31 : vector<2000x128xf32>
    %swap3A = arith.constant 0 : index
    %swap3A_33 = arith.constant 0 : index
    %swap3A_34 = vector.load %arg7[%swap3A, %swap3A_33] : memref<2000x128xf32, #tpu.memory_space<vmem>>, vector<2000x128xf32>
    tpu.vector_store %arg7[%swap3A, %swap3A_33], %add3A_32 {strides = array<i32>} : memref<2000x128xf32, #tpu.memory_space<vmem>>, vector<2000x128xf32>,
    return
  }
  func.func @transform_0(%arg0: i32) -> (i32, i32) {
    %c0_i32 = arith.constant 0 : i32
    %c0_i32_0 = arith.constant 0 : i32
    return %arg0, %c0_i32 : i32, i32
  }
  func.func @transform_1(%arg0: i32) -> (i32, i32) {
    %c0_i32 = arith.constant 0 : i32
    %c0_i32_0 = arith.constant 0 : i32
    return %arg0, %c0_i32 : i32, i32
  }
  func.func @transform_2(%arg0: i32) -> (i32, i32) {
    %c0_i32 = arith.constant 0 : i32
    %c0_i32_0 = arith.constant 0 : i32
    %c0_i32_1 = arith.constant 0 : i32
    return %c0_i32, %c0_i32_0 : i32, i32
  }
  func.func @transform_3(%arg0: i32) -> (i32, i32) {
    %c0_i32 = arith.constant 0 : i32
    %c0_i32_0 = arith.constant 0 : i32
    %c0_i32_1 = arith.constant 0 : i32
    return %c0_i32, %c0_i32_0 : i32, i32
  }
  func.func @transform_4(%arg0: i32) -> (i32, i32) {
    %c0_i32 = arith.constant 0 : i32
    %c0_i32_0 = arith.constant 0 : i32
    %c0_i32_1 = arith.constant 0 : i32
    return %c0_i32, %c0_i32_0 : i32, i32
  }
  func.func @transform_5(%arg0: i32) -> (i32, i32) {
    %c0_i32 = arith.constant 0 : i32
    %c0_i32_0 = arith.constant 0 : i32
    %c0_i32_1 = arith.constant 0 : i32
    return %c0_i32, %c0_i32_0 : i32, i32
  }
  func.func @transform_6(%arg0: i32) -> (i32, i32) {
    %c0_i32 = arith.constant 0 : i32
    %c0_i32_0 = arith.constant 0 : i32
    return %arg0, %c0_i32 : i32, i32
  }
}

module attributes {stable_mosaic.version = 14 : i64} {
  func.func @_node_mlp_body(%arg0: i32, %arg1: memref<1000x128xf32, #tpu.memory_space<vmem>>, %arg2: memref<2x1000x16xf32, #tpu.memory_space<vmem>>, %arg3: memref<128x128xf32, #tpu.memory_space<vmem>>, %arg4: memref<128x16xf32, #tpu.memory_space<vmem>>, %arg5: memref<1x128xf32, #tpu.memory_space<vmem>>, %arg6: memref<128x128xf32, #tpu.memory_space<vmem>>, %arg7: memref<1x128xf32, #tpu.memory_space<vmem>>, %arg8: memref<1000x128xf32, #tpu.memory_space<vmem>>) attributes {dimension_semantics = [#tpu.dimension_semantics<arbitrary>], iteration_bounds = array<i64: 10>, scalar_prefetch = 0 : i64, scratch_operands = 0 : i64, tpu.core_type = #tpu.core_type<tc>, window_params = [{transform_indices = @transform_0, window_bounds = array<i64: 1000, 128>}, {transform_indices = @transform_1, window_bounds = array<i64: 2, 1000, 16>}, {pipeline_mode = #tpu.pipeline_mode<synchronous>, transform_indices = @transform_2, window_bounds = array<i64: 128, 128>}, {pipeline_mode = #tpu.pipeline_mode<synchronous>, transform_indices = @transform_3, window_bounds = array<i64: 128, 16>}, {pipeline_mode = #tpu.pipeline_mode<synchronous>, transform_indices = @transform_4, window_bounds = array<i64: 1, 128>}, {pipeline_mode = #tpu.pipeline_mode<synchronous>, transform_indices = @transform_5, window_bounds = array<i64: 128, 128>}, {pipeline_mode = #tpu.pipeline_mode<synchronous>, transform_indices = @transform_6, window_bounds = array<i64: 1, 128>}, {transform_indices = @transform_7, window_bounds = array<i64: 1000, 128>}]} {
    %get3A = arith.constant 0 : index
    %get3A_0 = arith.constant 0 : index
    %get3A_1 = vector.load %arg1[%get3A, %get3A_0] : memref<1000x128xf32, #tpu.memory_space<vmem>>, vector<1000x128xf32>
    %get3A_2 = arith.constant 0 : index
    %get3A_3 = arith.constant 0 : index
    %get3A_4 = arith.constant 0 : index
    %get3A_5 = vector.load %arg2[%get3A_2, %get3A_3, %get3A_4] : memref<2x1000x16xf32, #tpu.memory_space<vmem>>, vector<1x1000x16xf32>
    %get3A_6 = vector.shape_cast %get3A_5 : vector<1x1000x16xf32> to vector<1000x16xf32>
    %get3A_7 = arith.constant 1 : index
    %get3A_8 = arith.constant 0 : index
    %get3A_9 = arith.constant 0 : index
    %get3A_10 = vector.load %arg2[%get3A_7, %get3A_8, %get3A_9] : memref<2x1000x16xf32, #tpu.memory_space<vmem>>, vector<1x1000x16xf32>
    %get3A_11 = vector.shape_cast %get3A_10 : vector<1x1000x16xf32> to vector<1000x16xf32>
    %add3A = arith.addf %get3A_6, %get3A_11 : vector<1000x16xf32>
    %get3A_12 = arith.constant 0 : index
    %get3A_13 = arith.constant 0 : index
    %get3A_14 = vector.load %arg3[%get3A_12, %get3A_13] : memref<128x128xf32, #tpu.memory_space<vmem>>, vector<128x128xf32>
    %dot_general3A = arith.constant dense<0.000000e+00> : vector<1000x128xf32>
    %dot_general3A_15 = tpu.matmul %get3A_1, %get3A_14, %dot_general3A {dimension_numbers = #tpu.dot_dimension_numbers<[1], [1], [0], [0], [0, 0, 1, 0], [], []>, transpose_lhs_hint = false} : vector<1000x128xf32>, vector<128x128xf32>, vector<1000x128xf32> -> vector<1000x128xf32>
    %get3A_16 = arith.constant 0 : index
    %get3A_17 = arith.constant 0 : index
    %get3A_18 = vector.load %arg4[%get3A_16, %get3A_17] : memref<128x16xf32, #tpu.memory_space<vmem>>, vector<128x16xf32>
    %dot_general3A_19 = arith.constant dense<0.000000e+00> : vector<1000x128xf32>
    %dot_general3A_20 = tpu.matmul %add3A, %get3A_18, %dot_general3A_19 {dimension_numbers = #tpu.dot_dimension_numbers<[1], [1], [0], [0], [0, 0, 1, 0], [], []>, transpose_lhs_hint = false} : vector<1000x16xf32>, vector<128x16xf32>, vector<1000x128xf32> -> vector<1000x128xf32>
    %add3A_21 = arith.addf %dot_general3A_15, %dot_general3A_20 : vector<1000x128xf32>
    %get3A_22 = arith.constant 0 : index
    %get3A_23 = arith.constant 0 : index
    %get3A_24 = vector.load %arg5[%get3A_22, %get3A_23] : memref<1x128xf32, #tpu.memory_space<vmem>>, vector<1x128xf32>
    %add3A_25 = vector.broadcast %get3A_24 : vector<1x128xf32> to vector<1000x128xf32>
    %add3A_26 = arith.addf %add3A_21, %add3A_25 : vector<1000x128xf32>
    %mul3A = arith.constant 5.000000e-01 : f32
    %mul3A_27 = vector.broadcast %mul3A : f32 to vector<1000x128xf32>
    %mul3A_28 = arith.mulf %mul3A_27, %add3A_26 : vector<1000x128xf32>
    %mul3A_29 = arith.constant 0.707106769 : f32
    %mul3A_30 = vector.broadcast %mul3A_29 : f32 to vector<1000x128xf32>
    %mul3A_31 = arith.mulf %add3A_26, %mul3A_30 : vector<1000x128xf32>
    %erf3A = math.erf %mul3A_31 : vector<1000x128xf32>
    %add3A_32 = arith.constant 1.000000e+00 : f32
    %add3A_33 = vector.broadcast %add3A_32 : f32 to vector<1000x128xf32>
    %add3A_34 = arith.addf %add3A_33, %erf3A : vector<1000x128xf32>
    %mul3A_35 = arith.mulf %mul3A_28, %add3A_34 : vector<1000x128xf32>
    %get3A_36 = arith.constant 0 : index
    %get3A_37 = arith.constant 0 : index
    %get3A_38 = vector.load %arg6[%get3A_36, %get3A_37] : memref<128x128xf32, #tpu.memory_space<vmem>>, vector<128x128xf32>
    %dot_general3A_39 = arith.constant dense<0.000000e+00> : vector<1000x128xf32>
    %dot_general3A_40 = tpu.matmul %mul3A_35, %get3A_38, %dot_general3A_39 {dimension_numbers = #tpu.dot_dimension_numbers<[1], [1], [0], [0], [0, 0, 1, 0], [], []>, transpose_lhs_hint = false} : vector<1000x128xf32>, vector<128x128xf32>, vector<1000x128xf32> -> vector<1000x128xf32>
    %add3A_41 = arith.addf %get3A_1, %dot_general3A_40 : vector<1000x128xf32>
    %get3A_42 = arith.constant 0 : index
    %get3A_43 = arith.constant 0 : index
    %get3A_44 = vector.load %arg7[%get3A_42, %get3A_43] : memref<1x128xf32, #tpu.memory_space<vmem>>, vector<1x128xf32>
    %add3A_45 = vector.broadcast %get3A_44 : vector<1x128xf32> to vector<1000x128xf32>
    %add3A_46 = arith.addf %add3A_41, %add3A_45 : vector<1000x128xf32>
    %swap3A = arith.constant 0 : index
    %swap3A_47 = arith.constant 0 : index
    %swap3A_48 = vector.load %arg8[%swap3A, %swap3A_47] : memref<1000x128xf32, #tpu.memory_space<vmem>>, vector<1000x128xf32>
    tpu.vector_store %arg8[%swap3A, %swap3A_47], %add3A_46 {strides = array<i32>} : memref<1000x128xf32, #tpu.memory_space<vmem>>, vector<1000x128xf32>,
    return
  }
  func.func @transform_0(%arg0: i32) -> (i32, i32) {
    %c0_i32 = arith.constant 0 : i32
    %c0_i32_0 = arith.constant 0 : i32
    return %arg0, %c0_i32 : i32, i32
  }
  func.func @transform_1(%arg0: i32) -> (i32, i32, i32) {
    %c0_i32 = arith.constant 0 : i32
    %c0_i32_0 = arith.constant 0 : i32
    %c0_i32_1 = arith.constant 0 : i32
    return %c0_i32, %arg0, %c0_i32_0 : i32, i32, i32
  }
  func.func @transform_2(%arg0: i32) -> (i32, i32) {
    %c0_i32 = arith.constant 0 : i32
    %c0_i32_0 = arith.constant 0 : i32
    %c0_i32_1 = arith.constant 0 : i32
    return %c0_i32, %c0_i32_0 : i32, i32
  }
  func.func @transform_3(%arg0: i32) -> (i32, i32) {
    %c0_i32 = arith.constant 0 : i32
    %c0_i32_0 = arith.constant 0 : i32
    %c0_i32_1 = arith.constant 0 : i32
    return %c0_i32, %c0_i32_0 : i32, i32
  }
  func.func @transform_4(%arg0: i32) -> (i32, i32) {
    %c0_i32 = arith.constant 0 : i32
    %c0_i32_0 = arith.constant 0 : i32
    %c0_i32_1 = arith.constant 0 : i32
    return %c0_i32, %c0_i32_0 : i32, i32
  }
  func.func @transform_5(%arg0: i32) -> (i32, i32) {
    %c0_i32 = arith.constant 0 : i32
    %c0_i32_0 = arith.constant 0 : i32
    %c0_i32_1 = arith.constant 0 : i32
    return %c0_i32, %c0_i32_0 : i32, i32
  }
  func.func @transform_6(%arg0: i32) -> (i32, i32) {
    %c0_i32 = arith.constant 0 : i32
    %c0_i32_0 = arith.constant 0 : i32
    %c0_i32_1 = arith.constant 0 : i32
    return %c0_i32, %c0_i32_0 : i32, i32
  }
  func.func @transform_7(%arg0: i32) -> (i32, i32) {
    %c0_i32 = arith.constant 0 : i32
    %c0_i32_0 = arith.constant 0 : i32
    return %arg0, %c0_i32 : i32, i32
  }
}

</mosaic_0001>

<sc_bundles>
// kernel: kernel.10.cloned.1.call-start
scs
__scs_entry_jumppad:
0x0: {  	(pc) =	sbr.rel $0x88, $3  }
0x1: {  	(tag) =	ssettag $0x0;
	lr =	simm.s32 $0x1  }
0x2: {  	[smem:$0x3F96] =	sst lr;
	_ =	strace $0xD0000000  }
0x3: {  	_ = 	snop  }
0x4: {  	_ = 	snop  }
0x5: {  	_ = 	snop  }
0x6: {  	_ = 	snop  }
0x7: {  	_ = 	snop  }
__scs_overlays_trampoline_lowered:
0x8: {  	[smem:$0x3FA5] =	sst s0  }
0x9: {  	[smem:$0x3FA6] =	sst s1  }
0xa: {  	[smem:$0x3FA7] =	sst s2  }
0xb: {  	[smem:$0x3FA8] =	sst s3  }
0xc: {  	[smem:$0x3FA9] =	sst s4  }
0xd: {  	[smem:$0x3FAA] =	sst s5  }
0xe: {  	[smem:$0x3FAB] =	sst s6  }
0xf: {  	[smem:$0x3FAC] =	sst s7  }
0x10: {  	[smem:$0x3FAD] =	sst s8  }
0x11: {  	[smem:$0x3FAE] =	sst s9;
	s0 =	simm.s32 @!p0 $0x0  }
0x12: {  	s1 =	sld [smem:$0x3F94];
	s0 =	simm.s32 @p0 $0x1  }
0x13: {  	[smem:$0x3FAF] =	sst s0;
	s0 =	simm.s32 @!p1 $0x0  }
0x14: {  	s2 =	sld [smem:$0x3F93];
	s0 =	simm.s32 @p1 $0x1  }
0x15: {  	[smem:$0x3FB0] =	sst s0;
	s0 =	simm.s32 @!p2 $0x0  }
0x16: {  	s3 =	sld [smem:$0x3FDB];
	s0 =	simm.s32 @p2 $0x1  }
0x17: {  	s4 =	simm.s32 $0x1BF5;
	[smem:$0x3FB2] =	sst s0  }
0x18: {  	s0 =	sld [smem:$0x3F95];
	_ =	swait.ge [sflag:s4], $0x0  }
0x19: {  	s7 =	sld [smem:$0x3F96]  }
0x1a: {  	s8 =	sadd.s32 $0xFFFFE003, lr  }
0x1b: {  	s9 =	sadd.s32 $0xFFFFFEF7, lr;
	s5 =	simm.s32 $0xFFFFFFFF;
	p2 =	slt.u32 s8, $0xFFFFF086  }
0x1c: {  	p1 =	slt.u32 s9, $0xF7A;
	s5 =	simm.s32 @!p2 $0x0  }
0x1d: {  	s5 =	simm.s32 @p1 $0x1;
	p0 =	seq.s32 s7, s2  }
0x1e: {  	s7 =	smul.u32 @!p0 $0xF7A, s2;
	p2 =	seq.s32 @!p0 s5, $0x0  }
0x1f: {  	s9 =	smul.u32 $0xF7A, s1;
	s8 =	simm.s32 @!p0 $0x1BF5;
	p2 =	por !p2, p0  }
0x20: {  	[sflag:s8] =	ssyncset.s32 @!p0 $0xFFFFF086;
	s6 =	sadd.s32 @!p0 s3, s7;
	s7 =	simm.s32 @!p0 $0x108  }
0x21: {  	s3 =	sadd.s32 s3, s9;
	s6 =	sadd.s32 @!p0 $0x88, s6;
	s7 =	simm.s32 @p2 $0x1082  }
0x22: {  	[simem:s7], [sflag:s8] =	dma.local @!p0 [hbm:s6], $0xF7A  }
0x23: {  	s9 =	sor.u32 $0xD0000000, s2;
	s6 =	simm.s32 $0x108;
	_ =	swait.ge @!p0 [sflag:s8], $0x0  }
0x24: {  	s3 =	sadd.s32 $0x88, s3;
	s6 =	simm.s32 @!p1 $0x1082;
	[sflag:s4] =	ssyncset.s32 $0xFFFFF086  }
0x25: {  	[simem:s6], [sflag:s4] =	dma.local [hbm:s3], $0xF7A  }
0x26: {  	[smem:$0x3F96] =	sst s1;
	(tag) =	ssettag s2;
	_ =	strace s9  }
0x27: {  	s1 =	sld [smem:$0x3FA6]  }
0x28: {  	s2 =	sld [smem:$0x3FA7]  }
0x29: {  	s4 =	sld [smem:$0x3FA9]  }
0x2a: {  	p0 =	seq.s32 s5, $0x0;
	s5 =	sld [smem:$0x3FAA]  }
0x2b: {  	s6 =	sld [smem:$0x3FAB]  }
0x2c: {  	s7 =	sld [smem:$0x3FAC]  }
0x2d: {  	s3 =	simm.s32 $0x108;
	s8 =	sld [smem:$0x3FAD]  }
0x2e: {  	s3 =	simm.s32 @!p0 $0x1082;
	s9 =	sld [smem:$0x3FAE]  }
0x2f: {  	lr =	sadd.s32 s0, s3;
	s0 =	sld [smem:$0x3FA5]  }
0x30: {  	s3 =	sld [smem:$0x3FA8]  }
0x31: {  	[smem:$0x3FB1] =	sst s10  }
0x32: {  	s10 =	sld [smem:$0x3FAF];
	_ =	sdelay $0x3  }
0x33: {  	p0 =	seq.s32 s10, $0x1;
	s10 =	sld [smem:$0x3FB1];
	_ =	sdelay $0x3  }
0x34: {  	[smem:$0x3FB1] =	sst s10  }
0x35: {  	s10 =	sld [smem:$0x3FB0];
	_ =	sdelay $0x3  }
0x36: {  	p1 =	seq.s32 s10, $0x1;
	s10 =	sld [smem:$0x3FB1];
	_ =	sdelay $0x3  }
0x37: {  	[smem:$0x3FB1] =	sst s10  }
0x38: {  	s10 =	sld [smem:$0x3FB2]  }
0x39: {  	_ = 	snop;
	(pc) =	sbr.ind lr, $3  }
0x3a: {  	_ = 	snop  }
0x3b: {  	_ = 	snop  }
0x3c: {  	p2 =	seq.s32 s10, $0x1;
	s10 =	sld [smem:$0x3FB1]  }
0x3d: {  	_ =	shalt  }
0x3e: {  	_ =	shalt  }
0x3f: {  	_ =	shalt  }
0x40: {  	_ =	shalt  }
0x41: {  	_ =	shalt  }
0x42: {  	_ =	shalt  }
0x43: {  	_ =	shalt  }
0x44: {  	_ =	shalt  }
0x45: {  	_ =	shalt  }
0x46: {  	_ =	shalt  }
0x47: {  	_ =	shalt  }
0x48: {  	_ =	shalt  }
0x49: {  	_ =	shalt  }
0x4a: {  	_ =	shalt  }
0x4b: {  	_ =	shalt  }
0x4c: {  	_ =	shalt  }
0x4d: {  	_ =	shalt  }
0x4e: {  	_ =	shalt  }
0x4f: {  	_ =	shalt  }
0x50: {  	_ =	shalt  }
0x51: {  	_ =	shalt  }
0x52: {  	_ =	shalt  }
0x53: {  	_ =	shalt  }
0x54: {  	_ =	shalt  }
0x55: {  	_ =	shalt  }
0x56: {  	_ =	shalt  }
0x57: {  	_ =	shalt  }
0x58: {  	_ =	shalt  }
0x59: {  	_ =	shalt  }
0x5a: {  	_ =	shalt  }
0x5b: {  	_ =	shalt  }
0x5c: {  	_ =	shalt  }
0x5d: {  	_ =	shalt  }
0x5e: {  	_ =	shalt  }
0x5f: {  	_ =	shalt  }
0x60: {  	_ =	shalt  }
0x61: {  	_ =	shalt  }
0x62: {  	_ =	shalt  }
0x63: {  	_ =	shalt  }
0x64: {  	_ =	shalt  }
0x65: {  	_ =	shalt  }
0x66: {  	_ =	shalt  }
0x67: {  	_ =	shalt  }
0x68: {  	_ =	shalt  }
0x69: {  	_ =	shalt  }
0x6a: {  	_ =	shalt  }
0x6b: {  	_ =	shalt  }
0x6c: {  	_ =	shalt  }
0x6d: {  	_ =	shalt  }
0x6e: {  	_ =	shalt  }
0x6f: {  	_ =	shalt  }
0x70: {  	_ =	shalt  }
0x71: {  	_ =	shalt  }
0x72: {  	_ =	shalt  }
0x73: {  	_ =	shalt  }
0x74: {  	_ =	shalt  }
0x75: {  	_ =	shalt  }
0x76: {  	_ =	shalt  }
0x77: {  	_ =	shalt  }
0x78: {  	_ =	shalt  }
0x79: {  	_ =	shalt  }
0x7a: {  	_ =	shalt  }
0x7b: {  	_ =	shalt  }
0x7c: {  	_ =	shalt  }
0x7d: {  	_ =	shalt  }
0x7e: {  	_ =	shalt  }
0x7f: {  	_ =	shalt  }
0x80: {  	_ =	shalt  }
0x81: {  	_ =	shalt  }
0x82: {  	_ =	shalt  }
0x83: {  	_ =	shalt  }
0x84: {  	_ =	shalt  }
0x85: {  	_ =	shalt  }
0x86: {  	_ =	shalt  }
0x87: {  	_ =	shalt  }
.Lfunc_end0:
.L_simem_size_0:
called_computation.1_lowered:
.L_overlay_start_0:
0x88: {  	s2 =	sld [smem:$0x3FD9]  }
0x89: {  	s3 =	sld [smem:$0x3FFE];
	_ =	sdelay $0x1  }
0x8a: {  	s1 =	srdreg.scid  }
0x8b: {  	s0 =	sand.u32 $0x1, s1  }
0x8c: {  	s17 =	sshll.u32 s0, $0xA;
	s2 =	sadd.s32 s3, s2  }
0x8d: {  	s2 =	sadd.s32 s2, s17  }
0x8e: {  	[smem:$0x3FBD] =	sst s2  }
0x8f: {  	_ = 	snop  }
0x90: {  	s2 =	sld [smem:$0x3FD0];
	(tm) =	ssettm $0x1  }
0x91: {  	s18 =	sld [smem:$0x3FFB];
	_ =	sdelay $0x3  }
0x92: {  	_ =	strace s18  }
0x93: {  	s3 =	sld [smem:$0x3FFC];
	_ =	sdelay $0x3  }
0x94: {  	_ =	strace s3  }
0x95: {  	s3 =	sld [smem:$0x3FFD];
	_ =	sdelay $0x3  }
0x96: {  	_ =	strace s3  }
0x97: {  	_ =	strace $0x8FFFFFFF  }
0x98: {  	s19 =	sld [smem:$0x3FDB];
	_ =	sdelay $0x1  }
0x99: {  	s4 =	simm.s32 $_scs_section_size  }
0x9a: {  	s5 =	simm.s32 $_size__tile_overlayer_lowered;
	s6 =	simm.s32 $_tile_overlayer_lowered  }
0x9b: {  	s22 =	simm.s32 $0x1BFF;
	s21 =	sshll.u32 s6, $0x1;
	s3 =	sadd.s32 s4, s19  }
0x9c: {  	s7 =	simm.s32 $0x0;
	s20 =	sshll.u32 s5, $0x1;
	s5 =	sadd.s32 s21, s3  }
0x9d: {  	[timem:s7], [sflag:s22] =	dma.local [hbm:s5], s20  }
0x9e: {  	_ =	swait.ge [sflag:s22], s20  }
0x9f: {  	s4 =	ssub.s32 $0x0, s20;
	[sflag:s22] =	ssyncset.done $0x0  }
0xa0: {  	[sflag:s22] =	ssyncadd.s32 s4;
	_ =	sdelay $0x1  }
0xa1: {  	s23 =	simm.s32 $0x1B8B  }
0xa2: {  	_ =	swait.ge [sflag:s23], $0x1  }
0xa3: {  	[sflag:s23] =	ssyncset.done $0x0  }
0xa4: {  	s25 =	simm.s32 $0x1B8E;
	s24 =	sld [smem:$0x3FFE];
	[sflag:s23] =	ssyncadd.s32 $0xFFFFFFFF  }
0xa5: {  	s26 =	simm.s32 $execute0_lowered;
	[smem:$0x3FD2] =	sst s25  }
0xa6: {  	s5 =	sshll.u32 s26, $0x1;
	_ =	strace $0x80000049;
	[dreg:$0x1] =	wrdreg $0xFFFFFFFF  }
0xa7: {  	s28 =	simm.s32 $_size_execute0_lowered;
	s3 =	sadd.s32 s3, s5;
	[dreg:$0x0] =	wrdreg $0x0  }
0xa8: {  	s5 =	sshll.u32 s28, $0x1;
	[dreg:$0x2] =	wrdreg s3  }
0xa9: {  	[dreg:$0x3] =	wrdreg s5  }
0xaa: {  	[dreg:$0x4] =	wrdreg $0xC0  }
0xab: {  	_ =	task [dreg:s7], $0x5FFFF  }
0xac: {  	[dreg:$0x1] =	wrdreg $0xFFFFFFFF  }
0xad: {  	[dreg:$0x0] =	wrdreg $0x60  }
0xae: {  	[dreg:$0x2] =	wrdreg s24  }
0xaf: {  	[dreg:$0x3] =	wrdreg s2  }
0xb0: {  	[dreg:$0x4] =	wrdreg $0x44000  }
0xb1: {  	[dreg:$0x5] =	wrdreg $0x9  }
0xb2: {  	_ =	task.clear_ibuf [dreg:s7], $0x6FFFF;
	_ =	strace $0x90000049  }
0xb3: {  	s29 =	simm.s32 $0x9;
	_ =	strace $0x8000004B  }
0xb4: {  	_ =	swait.ge [sflag:s29], $0x1  }
0xb5: {  	[sflag:s29] =	ssyncadd.s32 $0xFFFFFFFF  }
0xb6: {  	_ =	strace $0x9000004B  }
0xb7: {  	_ =	sfence  }
0xb8: {  	s30 =	sld [smem:$0x0];
	_ =	sdelay $0x2  }
0xb9: {  	s31 =	sshll.u32 s1, $0xD;
	s1 =	sshrl.u32 s1, $0x2  }
0xba: {  	s3 =	sand.u32 $0x4000, s31;
	s1 =	sadd.s32 s1, s30  }
0xbb: {  	s0 =	sor.u32 s3, s0;
	s1 =	sshll.u32 s1, $0x11  }
0xbc: {  	s0 =	sor.u32 s1, s0  }
0xbd: {  	s0 =	sadd.s32 $0x8F2B, s0  }
0xbe: {  	[sflag:s0] =	ssyncadd.remote.s32 $0x1  }
0xbf: {  	_ =	sfence.sel $0xFFFF  }
0xc0: {  	[dreg:$0x0] =	wrdreg $0xFFFFFFFF;
	(pc) =	sbr.abs _section_cstart, $3  }
0xc1: {  	[dreg:$0x1] =	wrdreg $0xFFFFFFFF  }
0xc2: {  	_ =	task.clear_ibuf [dreg:s7], $0x2FFFF;
	_ =	strace $0x9FFFFFFF  }
0xc3: {  	(tm) =	ssettm $0x7FFFFFFF  }
tec
execute0_lowered:
.L_overlay_start_1:
0x0: {  	(tag) =	ssettag $0x1  }
0x1: {  	s0 =	rddreg [dreg:$0x0]  }
0x2: {  	s1 =	rddreg [dreg:$0x1]  }
0x3: {  	s2 =	rddreg [dreg:$0x2];
	s3 =	simm.s32 $0x0  }
0x4: {  	s8 =	stileid.u32;
	s4 =	srdreg.scid;
	s13 =	simm.s32 $0x2  }
0x5: {  	s14 =	simm.s32 $0x80;
	s15 =	simm.s32 $0xC00;
	s16 =	simm.s32 $0x100  }
0x6: {  	s17 =	simm.s32 $0x1400;
	s18 =	simm.s32 $0x180;
	s28 =	simm.s32 $0x3C00  }
0x7: {  	s29 =	simm.s32 $0x1;
	s30 =	simm.s32 $0x0;
	[smem:$0x7FF] =	sst s3  }
0x8: {  	s5 =	sshll.u32 s8, $0xC;
	s9 =	sand.u32 $0x1, s4;
	s19 =	sshll.u32 s8, $0x8  }
0x9: {  	s6 =	smul.u32 $0x2780, s8;
	s22 =	sshll.u32 s8, $0x1;
	p0 =	slt.u32 s8, $0xC  }
0xa: {  	s4 =	simm.s32 $0xA;
	_ =	strace $0x8000004A;
	s10 =	sadd.s32 s5, s0  }
0xb: {  	s20 =	ssub.s32 $0x2, s9;
	s11 =	sadd.s32 s19, s0;
	s7 =	smul.u32 $0x27800, s9  }
0xc: {  	s25 =	sor.u32 s9, s22;
	s4 =	simm.s32 @!p0 $0x9;
	s26 =	sshll.u32 s9, $0x7  }
0xd: {  	s31 =	sshll.u32 s9, $0xB;
	s19 =	simm.s32 $0x1C00;
	s22 =	simm.s32 $0x280  }
0xe: {  	s21 =	sshrl.u32 s20, $0x1;
	s5 =	sadd.s32 s6, s2;
	p0 =	sne.s32 s25, $0x1F  }
0xf: {  	s25 =	simm.s32 $0x3400;
	s12 =	ssub.s32 s20, s21;
	s23 =	sadd.s32 s6, s7  }
0x10: {  	s6 =	sadd.s32 $0xB4000, s0;
	s7 =	sadd.s32 $0xA0000, s0;
	s0 =	sadd.s32 s26, s11  }
0x11: {  	s20 =	simm.s32 $0x200;
	s21 =	simm.s32 $0x2400;
	s26 =	simm.s32 $0x380  }
0x12: {  	s24 =	sshrl.u32 s23, $0x3;
	s9 =	smax.u32 s12, $0x1;
	s0 =	sadd.s32 $0xAA400, s0  }
0x13: {  	s12 =	simm.s32 $0x400;
	s8 =	sadd.s32 s1, s24;
	s1 =	sadd.s32 s31, s10  }
0x14: {  	v0 =	vimm.f32 $0.0e+00;
	s23 =	simm.s32 $0x2C00;
	s24 =	simm.s32 $0x300;
	s1 =	sadd.s32 $0x4000, s1  }
.LBB2_1:
0x15: {  	s10 =	simm.s32 $0x40;
	s11 =	simm.s32 $0x0  }
.LBB2_2:
0x16: {  	p1 =	sne.s32 s10, $0x9DC0;
	[tilespmem:s11+$0x400] =	vst v0;
	s11 =	smov.u32 s10;
	s10 =	sadd.s32 $0x40, s10  }
.Ltmp0:
0x17: {  	(pc) =	sbr.rel @p1 .LBB2_2-.Ltmp0, $2  }
0x18: {  	_ =	sdelay $0x2  }
0x19: {  	s11 =	sshra.s32 s11, $0x2  }
0x1a: {  	[tilespmem:s11+$0x400] =	vst v0  }
0x1b: {  	[spmem:s5] =	stream.linear.scatter [tilespmem:s12], [sflag:$0x2], $0x2780, $0x38;
	[tilespmem:$0x6B80] =	vst v63  }
0x1c: {  	_ =	swait.ge [sflag:s13], $0x2780  }
0x1d: {  	[sflag:s13] =	ssyncset.done $0x0  }
0x1e: {  	[sflag:s13] =	ssyncadd.s32 $0xFFFFD880  }
0x1f: {  	[bflag:$0x0] =	sbarrier.arrive $0xFFFF  }
0x20: {  	[tilespmem:s3], [sflag:$0x2] =	stream.linear.gather [hbm4b:s0+s3], $0x400, $0x38;
	[tilespmem:$0x6B80] =	vst v63  }
0x21: {  	_ =	swait.ge [sflag:s13], $0x400  }
0x22: {  	[sflag:s13] =	ssyncset.done $0x0  }
0x23: {  	[sflag:s13] =	ssyncadd.s32 $0xFFFFFC00  }
0x24: {  	[tilespmem:s12], [sflag:$0x2] =	stream.linear.gather [hbm4b:s1+s3], $0x4000, $0x38;
	[tilespmem:$0x6B80] =	vst v63  }
0x25: {  	_ =	swait.ge [sflag:s13], $0x4000  }
0x26: {  	[sflag:s13] =	ssyncset.done $0x0  }
0x27: {  	[sflag:s13] =	ssyncadd.s32 $0xFFFFC000  }
0x28: {  	[spmem:s2] =	stream.indirect.scatter.add.f32 [tilespmem:s12], [sflag:$0x1], $0x10, s3, s14, $0xb8;
	[tilespmem:$0x6B80] =	vst v63  }
0x29: {  	_ = 	snop  }
0x2a: {  	[spmem:s2] =	stream.indirect.scatter.add.f32 [tilespmem:s15], [sflag:$0x1], $0x10, s14, s14, $0xb8;
	[tilespmem:$0x6B80] =	vst v63  }
0x2b: {  	_ = 	snop  }
0x2c: {  	[spmem:s2] =	stream.indirect.scatter.add.f32 [tilespmem:s17], [sflag:$0x1], $0x10, s16, s14, $0xb8;
	[tilespmem:$0x6B80] =	vst v63  }
0x2d: {  	_ = 	snop  }
0x2e: {  	[spmem:s2] =	stream.indirect.scatter.add.f32 [tilespmem:s19], [sflag:$0x1], $0x10, s18, s14, $0xb8;
	[tilespmem:$0x6B80] =	vst v63  }
0x2f: {  	_ = 	snop  }
0x30: {  	[spmem:s2] =	stream.indirect.scatter.add.f32 [tilespmem:s21], [sflag:$0x1], $0x10, s20, s14, $0xb8;
	[tilespmem:$0x6B80] =	vst v63  }
0x31: {  	_ = 	snop  }
0x32: {  	[spmem:s2] =	stream.indirect.scatter.add.f32 [tilespmem:s23], [sflag:$0x1], $0x10, s22, s14, $0xb8;
	[tilespmem:$0x6B80] =	vst v63  }
0x33: {  	_ = 	snop  }
0x34: {  	[spmem:s2] =	stream.indirect.scatter.add.f32 [tilespmem:s25], [sflag:$0x1], $0x10, s24, s14, $0xb8;
	[tilespmem:$0x6B80] =	vst v63  }
0x35: {  	_ = 	snop  }
0x36: {  	[spmem:s2] =	stream.indirect.scatter.add.f32 [tilespmem:s28], [sflag:$0x1], $0x10, s26, s14, $0xb8;
	[tilespmem:$0x6B80] =	vst v63  }
0x37: {  	_ =	swait.ge [sflag:s29], $0x800  }
0x38: {  	[sflag:s29] =	ssyncset.done $0x0  }
0x39: {  	[sflag:s29] =	ssyncadd.s32 $0xFFFFF800  }
0x3a: {  	_ =	swait.ge [sflag:s29], $0x800  }
0x3b: {  	[sflag:s29] =	ssyncset.done $0x0  }
0x3c: {  	[sflag:s29] =	ssyncadd.s32 $0xFFFFF800  }
0x3d: {  	_ =	swait.ge [sflag:s29], $0x800  }
0x3e: {  	[sflag:s29] =	ssyncset.done $0x0  }
0x3f: {  	[sflag:s29] =	ssyncadd.s32 $0xFFFFF800  }
0x40: {  	_ =	swait.ge [sflag:s29], $0x800  }
0x41: {  	[sflag:s29] =	ssyncset.done $0x0  }
0x42: {  	[sflag:s29] =	ssyncadd.s32 $0xFFFFF800  }
0x43: {  	_ =	swait.ge [sflag:s29], $0x800  }
0x44: {  	[sflag:s29] =	ssyncset.done $0x0  }
0x45: {  	[sflag:s29] =	ssyncadd.s32 $0xFFFFF800  }
0x46: {  	_ =	swait.ge [sflag:s29], $0x800  }
0x47: {  	[sflag:s29] =	ssyncset.done $0x0  }
0x48: {  	p1 =	sne.s32 s4, $0x1;
	[sflag:s29] =	ssyncadd.s32 $0xFFFFF800  }
.Ltmp1:
0x49: {  	_ =	swait.ge [sflag:s29], $0x800;
	(pc) =	sbr.rel @!p1 .LBB2_5-.Ltmp1, $4  }
0x4a: {  	[sflag:s29] =	ssyncset.done $0x0  }
0x4b: {  	[sflag:s29] =	ssyncadd.s32 $0xFFFFF800  }
0x4c: {  	s31 =	sadd.s32 $0xFFFFFFFF, s4;
	_ =	swait.ge [sflag:s29], $0x800  }
0x4d: {  	s10 =	smov.u32 s0;
	s11 =	smov.u32 s1;
	[sflag:s29] =	ssyncset.done $0x0  }
.LBB2_4:
0x4e: {  	[sflag:s29] =	ssyncadd.s32 $0xFFFFF800;
	s10 =	sadd.s32 $0x1000, s10;
	s11 =	sadd.s32 $0x10000, s11  }
0x4f: {  	[tilespmem:s3], [sflag:$0x2] =	stream.linear.gather [hbm4b:s10+s3], $0x400, $0x38;
	[tilespmem:$0x6B80] =	vst v63  }
0x50: {  	p1 =	sne.s32 s31, $0x1;
	s31 =	sadd.s32 $0xFFFFFFFF, s31;
	_ =	swait.ge [sflag:s13], $0x400  }
0x51: {  	[sflag:s13] =	ssyncset.done $0x0  }
0x52: {  	[sflag:s13] =	ssyncadd.s32 $0xFFFFFC00  }
0x53: {  	[tilespmem:s12], [sflag:$0x2] =	stream.linear.gather [hbm4b:s11+s3], $0x4000, $0x38;
	[tilespmem:$0x6B80] =	vst v63  }
0x54: {  	_ =	swait.ge [sflag:s13], $0x4000  }
0x55: {  	[sflag:s13] =	ssyncset.done $0x0  }
0x56: {  	[sflag:s13] =	ssyncadd.s32 $0xFFFFC000  }
0x57: {  	[spmem:s2] =	stream.indirect.scatter.add.f32 [tilespmem:s12], [sflag:$0x1], $0x10, s3, s14, $0xb8;
	[tilespmem:$0x6B80] =	vst v63  }
0x58: {  	_ = 	snop  }
0x59: {  	[spmem:s2] =	stream.indirect.scatter.add.f32 [tilespmem:s15], [sflag:$0x1], $0x10, s14, s14, $0xb8;
	[tilespmem:$0x6B80] =	vst v63  }
0x5a: {  	_ = 	snop  }
0x5b: {  	[spmem:s2] =	stream.indirect.scatter.add.f32 [tilespmem:s17], [sflag:$0x1], $0x10, s16, s14, $0xb8;
	[tilespmem:$0x6B80] =	vst v63  }
0x5c: {  	_ = 	snop  }
0x5d: {  	[spmem:s2] =	stream.indirect.scatter.add.f32 [tilespmem:s19], [sflag:$0x1], $0x10, s18, s14, $0xb8;
	[tilespmem:$0x6B80] =	vst v63  }
0x5e: {  	_ = 	snop  }
0x5f: {  	[spmem:s2] =	stream.indirect.scatter.add.f32 [tilespmem:s21], [sflag:$0x1], $0x10, s20, s14, $0xb8;
	[tilespmem:$0x6B80] =	vst v63  }
0x60: {  	_ = 	snop  }
0x61: {  	[spmem:s2] =	stream.indirect.scatter.add.f32 [tilespmem:s23], [sflag:$0x1], $0x10, s22, s14, $0xb8;
	[tilespmem:$0x6B80] =	vst v63  }
0x62: {  	_ = 	snop  }
0x63: {  	[spmem:s2] =	stream.indirect.scatter.add.f32 [tilespmem:s25], [sflag:$0x1], $0x10, s24, s14, $0xb8;
	[tilespmem:$0x6B80] =	vst v63  }
0x64: {  	_ = 	snop  }
0x65: {  	[spmem:s2] =	stream.indirect.scatter.add.f32 [tilespmem:s28], [sflag:$0x1], $0x10, s26, s14, $0xb8;
	[tilespmem:$0x6B80] =	vst v63  }
0x66: {  	_ =	swait.ge [sflag:s29], $0x800  }
0x67: {  	[sflag:s29] =	ssyncset.done $0x0  }
0x68: {  	[sflag:s29] =	ssyncadd.s32 $0xFFFFF800  }
0x69: {  	_ =	swait.ge [sflag:s29], $0x800  }
0x6a: {  	[sflag:s29] =	ssyncset.done $0x0  }
0x6b: {  	[sflag:s29] =	ssyncadd.s32 $0xFFFFF800  }
0x6c: {  	_ =	swait.ge [sflag:s29], $0x800  }
0x6d: {  	[sflag:s29] =	ssyncset.done $0x0  }
0x6e: {  	[sflag:s29] =	ssyncadd.s32 $0xFFFFF800  }
0x6f: {  	_ =	swait.ge [sflag:s29], $0x800  }
0x70: {  	[sflag:s29] =	ssyncset.done $0x0  }
0x71: {  	[sflag:s29] =	ssyncadd.s32 $0xFFFFF800  }
0x72: {  	_ =	swait.ge [sflag:s29], $0x800  }
0x73: {  	[sflag:s29] =	ssyncset.done $0x0  }
0x74: {  	[sflag:s29] =	ssyncadd.s32 $0xFFFFF800  }
0x75: {  	_ =	swait.ge [sflag:s29], $0x800  }
0x76: {  	[sflag:s29] =	ssyncset.done $0x0  }
0x77: {  	[sflag:s29] =	ssyncadd.s32 $0xFFFFF800  }
.Ltmp2:
0x78: {  	_ =	swait.ge [sflag:s29], $0x800;
	(pc) =	sbr.rel @p1 .LBB2_4-.Ltmp2, $4  }
0x79: {  	[sflag:s29] =	ssyncset.done $0x0  }
0x7a: {  	[sflag:s29] =	ssyncadd.s32 $0xFFFFF800  }
0x7b: {  	_ =	swait.ge [sflag:s29], $0x800  }
0x7c: {  	[sflag:s29] =	ssyncset.done $0x0  }
.LBB2_5:
0x7d: {  	[sflag:s29] =	ssyncadd.s32 $0xFFFFF800;
	s10 =	simm.s32 @!p0 $0x0;
	s11 =	simm.s32 @!p0 $0x2  }
0x7e: {  	[tilespmem:s10], [sflag:$0x2] =	stream.linear.gather @!p0 [hbm4b:s6+s10], $0x200, $0x38;
	[tilespmem:$0x6B80] =	vst v63  }
0x7f: {  	_ =	swait.ge @!p0 [sflag:s11], $0x200  }
0x80: {  	[sflag:s11] =	ssyncset.done @!p0 $0x0  }
0x81: {  	s31 =	simm.s32 @!p0 $0x400;
	[sflag:s11] =	ssyncadd.s32 @!p0 $0xFFFFFE00  }
0x82: {  	[tilespmem:s31], [sflag:$0x2] =	stream.linear.gather @!p0 [hbm4b:s7+s10], $0x2000, $0x38;
	[tilespmem:$0x6B80] =	vst v63  }
0x83: {  	_ =	swait.ge @!p0 [sflag:s11], $0x2000  }
0x84: {  	[sflag:s11] =	ssyncset.done @!p0 $0x0  }
0x85: {  	[sflag:s11] =	ssyncadd.s32 @!p0 $0xFFFFE000;
	s11 =	simm.s32 @!p0 $0x80  }
0x86: {  	[spmem:s2] =	stream.indirect.scatter.add.f32 @!p0 [tilespmem:s31], [sflag:$0x1], $0x10, s10, s11, $0xb8;
	[tilespmem:$0x6B80] =	vst v63  }
0x87: {  	s10 =	simm.s32 @!p0 $0xC00  }
0x88: {  	[spmem:s2] =	stream.indirect.scatter.add.f32 @!p0 [tilespmem:s10], [sflag:$0x1], $0x10, s11, s11, $0xb8;
	[tilespmem:$0x6B80] =	vst v63  }
0x89: {  	s31 =	simm.s32 @!p0 $0x1400;
	s10 =	simm.s32 @!p0 $0x100  }
0x8a: {  	[spmem:s2] =	stream.indirect.scatter.add.f32 @!p0 [tilespmem:s31], [sflag:$0x1], $0x10, s10, s11, $0xb8;
	[tilespmem:$0x6B80] =	vst v63  }
0x8b: {  	s10 =	simm.s32 @!p0 $0x180;
	s31 =	simm.s32 @!p0 $0x1C00  }
0x8c: {  	[spmem:s2] =	stream.indirect.scatter.add.f32 @!p0 [tilespmem:s31], [sflag:$0x1], $0x10, s10, s11, $0xb8;
	[tilespmem:$0x6B80] =	vst v63  }
0x8d: {  	s10 =	simm.s32 @!p0 $0x1  }
0x8e: {  	_ =	swait.ge @!p0 [sflag:s10], $0x800  }
0x8f: {  	[sflag:s10] =	ssyncset.done @!p0 $0x0  }
0x90: {  	[sflag:s10] =	ssyncadd.s32 @!p0 $0xFFFFF800  }
0x91: {  	_ =	swait.ge @!p0 [sflag:s10], $0x800  }
0x92: {  	[sflag:s10] =	ssyncset.done @!p0 $0x0  }
0x93: {  	[sflag:s10] =	ssyncadd.s32 @!p0 $0xFFFFF800  }
0x94: {  	_ =	swait.ge @!p0 [sflag:s10], $0x800  }
0x95: {  	[sflag:s10] =	ssyncset.done @!p0 $0x0  }
0x96: {  	[sflag:s10] =	ssyncadd.s32 @!p0 $0xFFFFF800  }
0x97: {  	s30 =	sadd.s32 $0x1, s30;
	_ =	swait.ge @!p0 [sflag:s10], $0x800  }
0x98: {  	p1 =	sne.s32 s30, s9;
	s11 =	stileid.u32;
	[sflag:s10] =	ssyncset.done @!p0 $0x0  }
0x99: {  	s31 =	sshrl.u32 s5, $0x3;
	[sflag:s10] =	ssyncadd.s32 @!p0 $0xFFFFF800;
	s10 =	sshll.u32 s11, $0x6  }
.Ltmp3:
0x9a: {  	[bflag:$0x0] =	sbarrier.arrive $0xFFFF;
	s10 =	sor.u32 $0x1C02, s10;
	(pc) =	sbr.rel @p1 .LBB2_1-.Ltmp3, $4  }
0x9b: {  	[hbm:s8], [sflag:s10] =	dma.local [spmem:s31], $0x4F0  }
0x9c: {  	_ =	swait.ge [sflag:s13], $0x4F0  }
0x9d: {  	[sflag:s13] =	ssyncset.done $0x0  }
0x9e: {  	[sflag:s13] =	ssyncadd.s32 $0xFFFFFB10  }
0x9f: {  	_ =	sfence.sel $0x180000  }
0xa0: {  	[bflag:$0x0] =	sbarrier.arrive $0xFFFF  }
0xa1: {  	_ =	strace $0x9000004A  }
0xa2: {  	s0 =	stileid.u32;
	[bflag:$0x2] =	sbarrier.arrive $0xFFFF  }
0xa3: {  	p0 =	sne.s32 s0, $0x0;
	s0 =	rddreg [dreg:$0x3]  }
0xa4: {  	s0 =	sadd.s32 @!p0 $0x100000, s0  }
0xa5: {  	[sflag:s0] =	ssyncadd.tile.s32 @!p0 $0x1;
	_ =	shalt  }
.Lfunc_end2:
_tile_overlayer_lowered:
.L_overlay_start_2:
0xa6: {  	(tag) =	ssettag $0x2  }
0xa7: {  	s0 =	rddreg [dreg:$0x0];
	s2 =	stileid.u32  }
0xa8: {  	s1 =	rddreg [dreg:$0x1];
	p0 =	sne.s32 s2, $0x0  }
0xa9: {  	s3 =	rddreg [dreg:$0x2];
	[bflag:$0x3] =	sbarrier.arrive $0xFFFF;
	s2 =	simm.s32 @!p0 $0x1C02  }
0xaa: {  	[timem:s3], [sflag:s2] =	dma.local @!p0 [hbm:s0], s1  }
0xab: {  	s0 =	simm.s32 @!p0 $0x2  }
0xac: {  	_ =	swait.ge @!p0 [sflag:s0], s1  }
0xad: {  	s1 =	ssub.s32 @!p0 $0x0, s1;
	[sflag:s0] =	ssyncset.done @!p0 $0x0  }
0xae: {  	[sflag:s0] =	ssyncadd.s32 @!p0 s1  }
0xaf: {  	[bflag:$0x3] =	sbarrier.arrive $0xFFFF  }
0xb0: {  	_ =	shalt  }

// kernel: kernel.7.cloned.1.call-start
scs
__scs_entry_jumppad:
0x0: {  	(pc) =	sbr.rel $0x88, $3  }
0x1: {  	(tag) =	ssettag $0x0;
	lr =	simm.s32 $0x1  }
0x2: {  	[smem:$0x3F96] =	sst lr;
	_ =	strace $0xD0000000  }
0x3: {  	_ = 	snop  }
0x4: {  	_ = 	snop  }
0x5: {  	_ = 	snop  }
0x6: {  	_ = 	snop  }
0x7: {  	_ = 	snop  }
__scs_overlays_trampoline_lowered:
0x8: {  	[smem:$0x3FA5] =	sst s0  }
0x9: {  	[smem:$0x3FA6] =	sst s1  }
0xa: {  	[smem:$0x3FA7] =	sst s2  }
0xb: {  	[smem:$0x3FA8] =	sst s3  }
0xc: {  	[smem:$0x3FA9] =	sst s4  }
0xd: {  	[smem:$0x3FAA] =	sst s5  }
0xe: {  	[smem:$0x3FAB] =	sst s6  }
0xf: {  	[smem:$0x3FAC] =	sst s7  }
0x10: {  	[smem:$0x3FAD] =	sst s8  }
0x11: {  	[smem:$0x3FAE] =	sst s9;
	s0 =	simm.s32 @!p0 $0x0  }
0x12: {  	s1 =	sld [smem:$0x3F94];
	s0 =	simm.s32 @p0 $0x1  }
0x13: {  	[smem:$0x3FAF] =	sst s0;
	s0 =	simm.s32 @!p1 $0x0  }
0x14: {  	s2 =	sld [smem:$0x3F93];
	s0 =	simm.s32 @p1 $0x1  }
0x15: {  	[smem:$0x3FB0] =	sst s0;
	s0 =	simm.s32 @!p2 $0x0  }
0x16: {  	s3 =	sld [smem:$0x3FDB];
	s0 =	simm.s32 @p2 $0x1  }
0x17: {  	s4 =	simm.s32 $0x1BF5;
	[smem:$0x3FB2] =	sst s0  }
0x18: {  	s0 =	sld [smem:$0x3F95];
	_ =	swait.ge [sflag:s4], $0x0  }
0x19: {  	s7 =	sld [smem:$0x3F96]  }
0x1a: {  	s8 =	sadd.s32 $0xFFFFE003, lr  }
0x1b: {  	s9 =	sadd.s32 $0xFFFFFEF7, lr;
	s5 =	simm.s32 $0xFFFFFFFF;
	p2 =	slt.u32 s8, $0xFFFFF086  }
0x1c: {  	p1 =	slt.u32 s9, $0xF7A;
	s5 =	simm.s32 @!p2 $0x0  }
0x1d: {  	s5 =	simm.s32 @p1 $0x1;
	p0 =	seq.s32 s7, s2  }
0x1e: {  	s7 =	smul.u32 @!p0 $0xF7A, s2;
	p2 =	seq.s32 @!p0 s5, $0x0  }
0x1f: {  	s9 =	smul.u32 $0xF7A, s1;
	s8 =	simm.s32 @!p0 $0x1BF5;
	p2 =	por !p2, p0  }
0x20: {  	[sflag:s8] =	ssyncset.s32 @!p0 $0xFFFFF086;
	s6 =	sadd.s32 @!p0 s3, s7;
	s7 =	simm.s32 @!p0 $0x108  }
0x21: {  	s3 =	sadd.s32 s3, s9;
	s6 =	sadd.s32 @!p0 $0x88, s6;
	s7 =	simm.s32 @p2 $0x1082  }
0x22: {  	[simem:s7], [sflag:s8] =	dma.local @!p0 [hbm:s6], $0xF7A  }
0x23: {  	s9 =	sor.u32 $0xD0000000, s2;
	s6 =	simm.s32 $0x108;
	_ =	swait.ge @!p0 [sflag:s8], $0x0  }
0x24: {  	s3 =	sadd.s32 $0x88, s3;
	s6 =	simm.s32 @!p1 $0x1082;
	[sflag:s4] =	ssyncset.s32 $0xFFFFF086  }
0x25: {  	[simem:s6], [sflag:s4] =	dma.local [hbm:s3], $0xF7A  }
0x26: {  	[smem:$0x3F96] =	sst s1;
	(tag) =	ssettag s2;
	_ =	strace s9  }
0x27: {  	s1 =	sld [smem:$0x3FA6]  }
0x28: {  	s2 =	sld [smem:$0x3FA7]  }
0x29: {  	s4 =	sld [smem:$0x3FA9]  }
0x2a: {  	p0 =	seq.s32 s5, $0x0;
	s5 =	sld [smem:$0x3FAA]  }
0x2b: {  	s6 =	sld [smem:$0x3FAB]  }
0x2c: {  	s7 =	sld [smem:$0x3FAC]  }
0x2d: {  	s3 =	simm.s32 $0x108;
	s8 =	sld [smem:$0x3FAD]  }
0x2e: {  	s3 =	simm.s32 @!p0 $0x1082;
	s9 =	sld [smem:$0x3FAE]  }
0x2f: {  	lr =	sadd.s32 s0, s3;
	s0 =	sld [smem:$0x3FA5]  }
0x30: {  	s3 =	sld [smem:$0x3FA8]  }
0x31: {  	[smem:$0x3FB1] =	sst s10  }
0x32: {  	s10 =	sld [smem:$0x3FAF];
	_ =	sdelay $0x3  }
0x33: {  	p0 =	seq.s32 s10, $0x1;
	s10 =	sld [smem:$0x3FB1];
	_ =	sdelay $0x3  }
0x34: {  	[smem:$0x3FB1] =	sst s10  }
0x35: {  	s10 =	sld [smem:$0x3FB0];
	_ =	sdelay $0x3  }
0x36: {  	p1 =	seq.s32 s10, $0x1;
	s10 =	sld [smem:$0x3FB1];
	_ =	sdelay $0x3  }
0x37: {  	[smem:$0x3FB1] =	sst s10  }
0x38: {  	s10 =	sld [smem:$0x3FB2]  }
0x39: {  	_ = 	snop;
	(pc) =	sbr.ind lr, $3  }
0x3a: {  	_ = 	snop  }
0x3b: {  	_ = 	snop  }
0x3c: {  	p2 =	seq.s32 s10, $0x1;
	s10 =	sld [smem:$0x3FB1]  }
0x3d: {  	_ =	shalt  }
0x3e: {  	_ =	shalt  }
0x3f: {  	_ =	shalt  }
0x40: {  	_ =	shalt  }
0x41: {  	_ =	shalt  }
0x42: {  	_ =	shalt  }
0x43: {  	_ =	shalt  }
0x44: {  	_ =	shalt  }
0x45: {  	_ =	shalt  }
0x46: {  	_ =	shalt  }
0x47: {  	_ =	shalt  }
0x48: {  	_ =	shalt  }
0x49: {  	_ =	shalt  }
0x4a: {  	_ =	shalt  }
0x4b: {  	_ =	shalt  }
0x4c: {  	_ =	shalt  }
0x4d: {  	_ =	shalt  }
0x4e: {  	_ =	shalt  }
0x4f: {  	_ =	shalt  }
0x50: {  	_ =	shalt  }
0x51: {  	_ =	shalt  }
0x52: {  	_ =	shalt  }
0x53: {  	_ =	shalt  }
0x54: {  	_ =	shalt  }
0x55: {  	_ =	shalt  }
0x56: {  	_ =	shalt  }
0x57: {  	_ =	shalt  }
0x58: {  	_ =	shalt  }
0x59: {  	_ =	shalt  }
0x5a: {  	_ =	shalt  }
0x5b: {  	_ =	shalt  }
0x5c: {  	_ =	shalt  }
0x5d: {  	_ =	shalt  }
0x5e: {  	_ =	shalt  }
0x5f: {  	_ =	shalt  }
0x60: {  	_ =	shalt  }
0x61: {  	_ =	shalt  }
0x62: {  	_ =	shalt  }
0x63: {  	_ =	shalt  }
0x64: {  	_ =	shalt  }
0x65: {  	_ =	shalt  }
0x66: {  	_ =	shalt  }
0x67: {  	_ =	shalt  }
0x68: {  	_ =	shalt  }
0x69: {  	_ =	shalt  }
0x6a: {  	_ =	shalt  }
0x6b: {  	_ =	shalt  }
0x6c: {  	_ =	shalt  }
0x6d: {  	_ =	shalt  }
0x6e: {  	_ =	shalt  }
0x6f: {  	_ =	shalt  }
0x70: {  	_ =	shalt  }
0x71: {  	_ =	shalt  }
0x72: {  	_ =	shalt  }
0x73: {  	_ =	shalt  }
0x74: {  	_ =	shalt  }
0x75: {  	_ =	shalt  }
0x76: {  	_ =	shalt  }
0x77: {  	_ =	shalt  }
0x78: {  	_ =	shalt  }
0x79: {  	_ =	shalt  }
0x7a: {  	_ =	shalt  }
0x7b: {  	_ =	shalt  }
0x7c: {  	_ =	shalt  }
0x7d: {  	_ =	shalt  }
0x7e: {  	_ =	shalt  }
0x7f: {  	_ =	shalt  }
0x80: {  	_ =	shalt  }
0x81: {  	_ =	shalt  }
0x82: {  	_ =	shalt  }
0x83: {  	_ =	shalt  }
0x84: {  	_ =	shalt  }
0x85: {  	_ =	shalt  }
0x86: {  	_ =	shalt  }
0x87: {  	_ =	shalt  }
.Lfunc_end0:
.L_simem_size_0:
called_computation_lowered:
.L_overlay_start_0:
0x88: {  	s2 =	sld [smem:$0x3FD9]  }
0x89: {  	s3 =	sld [smem:$0x3FFE];
	_ =	sdelay $0x1  }
0x8a: {  	s1 =	srdreg.scid  }
0x8b: {  	s0 =	sand.u32 $0x1, s1  }
0x8c: {  	s17 =	sshll.u32 s0, $0xA;
	s2 =	sadd.s32 s3, s2  }
0x8d: {  	s2 =	sadd.s32 s2, s17  }
0x8e: {  	[smem:$0x3FBD] =	sst s2  }
0x8f: {  	_ = 	snop  }
0x90: {  	s2 =	sld [smem:$0x3FD0];
	(tm) =	ssettm $0x1  }
0x91: {  	s18 =	sld [smem:$0x3FFB];
	_ =	sdelay $0x3  }
0x92: {  	_ =	strace s18  }
0x93: {  	s3 =	sld [smem:$0x3FFC];
	_ =	sdelay $0x3  }
0x94: {  	_ =	strace s3  }
0x95: {  	s3 =	sld [smem:$0x3FFD];
	_ =	sdelay $0x3  }
0x96: {  	_ =	strace s3  }
0x97: {  	_ =	strace $0x8FFFFFFF  }
0x98: {  	s19 =	sld [smem:$0x3FDB];
	_ =	sdelay $0x1  }
0x99: {  	s4 =	simm.s32 $_scs_section_size  }
0x9a: {  	s5 =	simm.s32 $_size__tile_overlayer_lowered;
	s6 =	simm.s32 $_tile_overlayer_lowered  }
0x9b: {  	s22 =	simm.s32 $0x1BFF;
	s21 =	sshll.u32 s6, $0x1;
	s3 =	sadd.s32 s4, s19  }
0x9c: {  	s7 =	simm.s32 $0x0;
	s20 =	sshll.u32 s5, $0x1;
	s5 =	sadd.s32 s21, s3  }
0x9d: {  	[timem:s7], [sflag:s22] =	dma.local [hbm:s5], s20  }
0x9e: {  	_ =	swait.ge [sflag:s22], s20  }
0x9f: {  	s4 =	ssub.s32 $0x0, s20;
	[sflag:s22] =	ssyncset.done $0x0  }
0xa0: {  	[sflag:s22] =	ssyncadd.s32 s4;
	_ =	sdelay $0x1  }
0xa1: {  	s23 =	simm.s32 $0x1B8B  }
0xa2: {  	_ =	swait.ge [sflag:s23], $0x1  }
0xa3: {  	[sflag:s23] =	ssyncset.done $0x0  }
0xa4: {  	s25 =	simm.s32 $0x1B8E;
	s24 =	sld [smem:$0x3FFE];
	[sflag:s23] =	ssyncadd.s32 $0xFFFFFFFF  }
0xa5: {  	s26 =	simm.s32 $execute0_lowered;
	[smem:$0x3FD2] =	sst s25  }
0xa6: {  	s5 =	sshll.u32 s26, $0x1;
	_ =	strace $0x80000046;
	[dreg:$0x1] =	wrdreg $0xFFFFFFFF  }
0xa7: {  	s28 =	simm.s32 $_size_execute0_lowered;
	s3 =	sadd.s32 s3, s5;
	[dreg:$0x0] =	wrdreg $0x0  }
0xa8: {  	s5 =	sshll.u32 s28, $0x1;
	[dreg:$0x2] =	wrdreg s3  }
0xa9: {  	[dreg:$0x3] =	wrdreg s5  }
0xaa: {  	[dreg:$0x4] =	wrdreg $0xC0  }
0xab: {  	_ =	task [dreg:s7], $0x5FFFF  }
0xac: {  	[dreg:$0x1] =	wrdreg $0xFFFFFFFF  }
0xad: {  	[dreg:$0x0] =	wrdreg $0x60  }
0xae: {  	[dreg:$0x2] =	wrdreg s24  }
0xaf: {  	[dreg:$0x3] =	wrdreg s2  }
0xb0: {  	[dreg:$0x4] =	wrdreg $0x9  }
0xb1: {  	_ =	task.clear_ibuf [dreg:s7], $0x5FFFF;
	_ =	strace $0x90000046  }
0xb2: {  	s29 =	simm.s32 $0x9;
	_ =	strace $0x80000048  }
0xb3: {  	_ =	swait.ge [sflag:s29], $0x1  }
0xb4: {  	[sflag:s29] =	ssyncadd.s32 $0xFFFFFFFF  }
0xb5: {  	_ =	strace $0x90000048  }
0xb6: {  	_ =	sfence  }
0xb7: {  	s30 =	sld [smem:$0x0];
	_ =	sdelay $0x2  }
0xb8: {  	s31 =	sshll.u32 s1, $0xD;
	s1 =	sshrl.u32 s1, $0x2  }
0xb9: {  	s3 =	sand.u32 $0x4000, s31;
	s1 =	sadd.s32 s1, s30  }
0xba: {  	s0 =	sor.u32 s3, s0;
	s1 =	sshll.u32 s1, $0x11  }
0xbb: {  	s0 =	sor.u32 s1, s0  }
0xbc: {  	s0 =	sadd.s32 $0x8F2B, s0  }
0xbd: {  	[sflag:s0] =	ssyncadd.remote.s32 $0x1  }
0xbe: {  	_ =	sfence.sel $0xFFFF  }
0xbf: {  	[dreg:$0x0] =	wrdreg $0xFFFFFFFF;
	(pc) =	sbr.abs _section_cstart, $3  }
0xc0: {  	[dreg:$0x1] =	wrdreg $0xFFFFFFFF  }
0xc1: {  	_ =	task.clear_ibuf [dreg:s7], $0x2FFFF;
	_ =	strace $0x9FFFFFFF  }
0xc2: {  	(tm) =	ssettm $0x7FFFFFFF  }
0xc3: {  	_ =	shalt  }
tec
execute0_lowered:
.L_overlay_start_1:
0x0: {  	(tag) =	ssettag $0x1  }
0x1: {  	s0 =	rddreg [dreg:$0x0]  }
0x2: {  	s2 =	rddreg [dreg:$0x1];
	s1 =	simm.s32 $0x0  }
0x3: {  	s3 =	srdreg.scid;
	s9 =	stileid.u32;
	s10 =	simm.s32 $0xA  }
0x4: {  	s22 =	simm.s32 $0x100;
	s23 =	simm.s32 $0x180;
	s24 =	simm.s32 $0x200  }
0x5: {  	s25 =	simm.s32 $0x280;
	s26 =	simm.s32 $0x300;
	s28 =	simm.s32 $0x500  }
0x6: {  	s29 =	simm.s32 $0x580;
	s30 =	simm.s32 $0x600;
	s31 =	simm.s32 $0x680  }
0x7: {  	[smem:$0x7FF] =	sst s1;
	s5 =	sand.u32 $0x1, s3;
	s3 =	sadd.s32 $0x4000, s0  }
0x8: {  	s4 =	sadd.s32 $0x9000, s0;
	s7 =	sshll.u32 s9, $0xC;
	s11 =	sadd.s32 $0x9C00, s2  }
0x9: {  	s15 =	sadd.s32 $0x13840, s2;
	_ =	strace $0x80000047;
	[dreg:$0x9] =	wrdreg s11  }
0xa: {  	s13 =	sshll.u32 s9, $0x1;
	p0 =	slt.u32 s9, $0xC;
	[dreg:$0xa] =	wrdreg s15  }
0xb: {  	s9 =	sshll.u32 s9, $0xB;
	s6 =	ssub.s32 $0x2, s5;
	[dreg:$0x3] =	wrdreg s22  }
0xc: {  	s7 =	sadd.s32 s7, s0;
	s10 =	simm.s32 @!p0 $0x9;
	[dreg:$0x4] =	wrdreg s23  }
0xd: {  	s14 =	sshll.u32 s5, $0xA;
	s0 =	sadd.s32 $0xAA000, s0;
	[dreg:$0x5] =	wrdreg s24  }
0xe: {  	s19 =	sshll.u32 s5, $0xB;
	s15 =	simm.s32 $0x80;
	[dreg:$0x6] =	wrdreg s25  }
0xf: {  	[dreg:$0x7] =	wrdreg s26;
	s22 =	simm.s32 $0x3800;
	s23 =	simm.s32 $0x380  }
0x10: {  	s24 =	simm.s32 $0x4000;
	s25 =	simm.s32 $0x1;
	s26 =	simm.s32 $0x480  }
0x11: {  	s8 =	sshrl.u32 s6, $0x1;
	[dreg:$0x8] =	wrdreg s10;
	s9 =	sor.u32 s14, s9  }
0x12: {  	[dreg:$0xb] =	wrdreg s0;
	s21 =	sadd.s32 s19, s7;
	s14 =	simm.s32 $0x400  }
0x13: {  	s19 =	simm.s32 $0x2000;
	s6 =	ssub.s32 s6, s8;
	s8 =	sor.u32 s5, s13  }
0x14: {  	s17 =	sadd.s32 $0x4E200, s9;
	s18 =	sshrl.u32 s9, $0x3;
	s13 =	simm.s32 $0x2  }
0x15: {  	s16 =	smax.u32 s6, $0x1;
	s0 =	sshrl.u32 s17, $0x3;
	s20 =	sadd.s32 s18, s2  }
0x16: {  	s17 =	simm.s32 $0x1000;
	s18 =	simm.s32 $0x1800;
	p0 =	sne.s32 s8, $0x1F  }
0x17: {  	s6 =	simm.s32 $0x0;
	[dreg:$0xc] =	wrdreg s16;
	s0 =	sadd.s32 s0, s2  }
0x18: {  	[dreg:$0xe] =	wrdreg s20;
	s16 =	simm.s32 $0x800;
	s20 =	simm.s32 $0x2800  }
0x19: {  	s2 =	simm.s32 $0x780;
	[dreg:$0xd] =	wrdreg s0;
	s0 =	sadd.s32 $0xE000, s21  }
0x1a: {  	s21 =	simm.s32 $0x3000;
	[dreg:$0xf] =	wrdreg s0;
	s0 =	simm.s32 $0x700  }
.LBB2_1:
0x1b: {  	[dreg:$0x10] =	wrdreg s6  }
0x1c: {  	s11 =	rddreg [dreg:$0xe]  }
0x1d: {  	[tilespmem:s1], [sflag:$0x2] =	stream.linear.gather [hbm4b:s11+s1], $0x400, $0x38;
	[tilespmem:$0x4800] =	vst v63  }
0x1e: {  	_ =	swait.ge [sflag:s13], $0x400  }
0x1f: {  	[sflag:s13] =	ssyncset.done $0x0  }
0x20: {  	s10 =	rddreg [dreg:$0xd];
	[sflag:s13] =	ssyncadd.s32 $0xFFFFFC00  }
0x21: {  	[tilespmem:s14], [sflag:$0x2] =	stream.linear.gather [hbm4b:s10+s1], $0x400, $0x38;
	[tilespmem:$0x4800] =	vst v63  }
0x22: {  	_ =	swait.ge [sflag:s13], $0x400  }
0x23: {  	[sflag:s13] =	ssyncset.done $0x0  }
0x24: {  	[sflag:s13] =	ssyncadd.s32 $0xFFFFFC00  }
0x25: {  	[tilespmem:s16], [sflag:$0x1] =	stream.indirect.gather [hbm4b:s3+s15], $0x10, s1, s15, $0xb8;
	[tilespmem:$0x4800] =	vst v63  }
0x26: {  	_ = 	snop  }
0x27: {  	[tilespmem:s17], [sflag:$0x1] =	stream.indirect.gather [hbm4b:s3+s15], $0x10, s15, s15, $0xb8;
	[tilespmem:$0x4800] =	vst v63  }
0x28: {  	s7 =	rddreg [dreg:$0x3]  }
0x29: {  	[tilespmem:s18], [sflag:$0x1] =	stream.indirect.gather [hbm4b:s3+s15], $0x10, s7, s15, $0xb8;
	[tilespmem:$0x4800] =	vst v63  }
0x2a: {  	s8 =	rddreg [dreg:$0x4]  }
0x2b: {  	[tilespmem:s19], [sflag:$0x1] =	stream.indirect.gather [hbm4b:s3+s15], $0x10, s8, s15, $0xb8;
	[tilespmem:$0x4800] =	vst v63  }
0x2c: {  	s5 =	rddreg [dreg:$0x5]  }
0x2d: {  	[tilespmem:s20], [sflag:$0x1] =	stream.indirect.gather [hbm4b:s3+s15], $0x10, s5, s15, $0xb8;
	[tilespmem:$0x4800] =	vst v63  }
0x2e: {  	s6 =	rddreg [dreg:$0x6]  }
0x2f: {  	[tilespmem:s21], [sflag:$0x1] =	stream.indirect.gather [hbm4b:s3+s15], $0x10, s6, s15, $0xb8;
	[tilespmem:$0x4800] =	vst v63  }
0x30: {  	s9 =	rddreg [dreg:$0x7]  }
0x31: {  	[tilespmem:s22], [sflag:$0x1] =	stream.indirect.gather [hbm4b:s3+s15], $0x10, s9, s15, $0xb8;
	[tilespmem:$0x4800] =	vst v63  }
0x32: {  	_ = 	snop  }
0x33: {  	[tilespmem:s24], [sflag:$0x1] =	stream.indirect.gather [hbm4b:s3+s15], $0x10, s23, s15, $0xb8;
	[tilespmem:$0x4800] =	vst v63  }
0x34: {  	_ =	swait.ge [sflag:s25], $0x800  }
0x35: {  	[sflag:s25] =	ssyncset.done $0x0  }
0x36: {  	[sflag:s25] =	ssyncadd.s32 $0xFFFFF800  }
0x37: {  	_ =	swait.ge [sflag:s25], $0x800  }
0x38: {  	[sflag:s25] =	ssyncset.done $0x0  }
0x39: {  	[sflag:s25] =	ssyncadd.s32 $0xFFFFF800  }
0x3a: {  	_ =	swait.ge [sflag:s25], $0x800  }
0x3b: {  	[sflag:s25] =	ssyncset.done $0x0  }
0x3c: {  	[sflag:s25] =	ssyncadd.s32 $0xFFFFF800  }
0x3d: {  	_ =	swait.ge [sflag:s25], $0x800  }
0x3e: {  	[sflag:s25] =	ssyncset.done $0x0  }
0x3f: {  	[sflag:s25] =	ssyncadd.s32 $0xFFFFF800  }
0x40: {  	_ =	swait.ge [sflag:s25], $0x800  }
0x41: {  	[sflag:s25] =	ssyncset.done $0x0  }
0x42: {  	[sflag:s25] =	ssyncadd.s32 $0xFFFFF800  }
0x43: {  	_ =	swait.ge [sflag:s25], $0x800  }
0x44: {  	[sflag:s25] =	ssyncset.done $0x0  }
0x45: {  	[sflag:s25] =	ssyncadd.s32 $0xFFFFF800  }
0x46: {  	_ =	swait.ge [sflag:s25], $0x800  }
0x47: {  	[sflag:s25] =	ssyncset.done $0x0  }
0x48: {  	[sflag:s25] =	ssyncadd.s32 $0xFFFFF800  }
0x49: {  	_ =	swait.ge [sflag:s25], $0x800  }
0x4a: {  	[sflag:s25] =	ssyncset.done $0x0  }
0x4b: {  	[sflag:s25] =	ssyncadd.s32 $0xFFFFF800  }
0x4c: {  	[tilespmem:s16], [sflag:$0x1] =	stream.indirect.gather.add.f32 [hbm:s4], $0x10, s14, s15, $0xb8;
	[tilespmem:$0x4800] =	vst v63  }
0x4d: {  	_ = 	snop  }
0x4e: {  	[tilespmem:s17], [sflag:$0x1] =	stream.indirect.gather.add.f32 [hbm:s4], $0x10, s26, s15, $0xb8;
	[tilespmem:$0x4800] =	vst v63  }
0x4f: {  	_ = 	snop  }
0x50: {  	[tilespmem:s18], [sflag:$0x1] =	stream.indirect.gather.add.f32 [hbm:s4], $0x10, s28, s15, $0xb8;
	[tilespmem:$0x4800] =	vst v63  }
0x51: {  	_ = 	snop  }
0x52: {  	[tilespmem:s19], [sflag:$0x1] =	stream.indirect.gather.add.f32 [hbm:s4], $0x10, s29, s15, $0xb8;
	[tilespmem:$0x4800] =	vst v63  }
0x53: {  	_ = 	snop  }
0x54: {  	[tilespmem:s20], [sflag:$0x1] =	stream.indirect.gather.add.f32 [hbm:s4], $0x10, s30, s15, $0xb8;
	[tilespmem:$0x4800] =	vst v63  }
0x55: {  	_ = 	snop  }
0x56: {  	[tilespmem:s21], [sflag:$0x1] =	stream.indirect.gather.add.f32 [hbm:s4], $0x10, s31, s15, $0xb8;
	[tilespmem:$0x4800] =	vst v63  }
0x57: {  	_ = 	snop  }
0x58: {  	[tilespmem:s22], [sflag:$0x1] =	stream.indirect.gather.add.f32 [hbm:s4], $0x10, s0, s15, $0xb8;
	[tilespmem:$0x4800] =	vst v63  }
0x59: {  	_ = 	snop  }
0x5a: {  	[tilespmem:s24], [sflag:$0x1] =	stream.indirect.gather.add.f32 [hbm:s4], $0x10, s2, s15, $0xb8;
	[tilespmem:$0x4800] =	vst v63  }
0x5b: {  	_ =	swait.ge [sflag:s25], $0x800  }
0x5c: {  	[sflag:s25] =	ssyncset.done $0x0  }
0x5d: {  	[sflag:s25] =	ssyncadd.s32 $0xFFFFF800  }
0x5e: {  	_ =	swait.ge [sflag:s25], $0x800  }
0x5f: {  	[sflag:s25] =	ssyncset.done $0x0  }
0x60: {  	[sflag:s25] =	ssyncadd.s32 $0xFFFFF800  }
0x61: {  	_ =	swait.ge [sflag:s25], $0x800  }
0x62: {  	[sflag:s25] =	ssyncset.done $0x0  }
0x63: {  	[sflag:s25] =	ssyncadd.s32 $0xFFFFF800  }
0x64: {  	_ =	swait.ge [sflag:s25], $0x800  }
0x65: {  	[sflag:s25] =	ssyncset.done $0x0  }
0x66: {  	[sflag:s25] =	ssyncadd.s32 $0xFFFFF800  }
0x67: {  	_ =	swait.ge [sflag:s25], $0x800  }
0x68: {  	[sflag:s25] =	ssyncset.done $0x0  }
0x69: {  	[sflag:s25] =	ssyncadd.s32 $0xFFFFF800  }
0x6a: {  	_ =	swait.ge [sflag:s25], $0x800  }
0x6b: {  	[sflag:s25] =	ssyncset.done $0x0  }
0x6c: {  	[sflag:s25] =	ssyncadd.s32 $0xFFFFF800  }
0x6d: {  	_ =	swait.ge [sflag:s25], $0x800  }
0x6e: {  	[sflag:s25] =	ssyncset.done $0x0  }
0x6f: {  	[sflag:s25] =	ssyncadd.s32 $0xFFFFF800  }
0x70: {  	_ =	swait.ge [sflag:s25], $0x800  }
0x71: {  	s5 =	rddreg [dreg:$0x8]  }
0x72: {  	p1 =	sne.s32 s5, $0x1  }
.Ltmp0:
0x73: {  	[sflag:s25] =	ssyncset.done $0x0;
	(pc) =	sbr.rel @!p1 .LBB2_3-.Ltmp0, $4  }
0x74: {  	s12 =	rddreg [dreg:$0xf];
	[sflag:s25] =	ssyncadd.s32 $0xFFFFF800  }
0x75: {  	[hbm4b:s12+s1] =	stream.linear.scatter [tilespmem:s16], [sflag:$0x2], $0x4000, $0x38;
	[tilespmem:$0x4800] =	vst v63  }
0x76: {  	_ =	swait.ge [sflag:s13], $0x4000  }
0x77: {  	s7 =	sadd.s32 $0xFFFFFFFF, s5;
	s8 =	sadd.s32 $0x10000, s12;
	[sflag:s13] =	ssyncset.done $0x0  }
.LBB2_2:
0x78: {  	[sflag:s13] =	ssyncadd.s32 $0xFFFFC000;
	s11 =	sadd.s32 $0x1000, s11  }
0x79: {  	[tilespmem:s1], [sflag:$0x2] =	stream.linear.gather [hbm4b:s11+s1], $0x400, $0x38;
	[tilespmem:$0x4800] =	vst v63  }
0x7a: {  	_ =	swait.ge [sflag:s13], $0x400  }
0x7b: {  	[sflag:s13] =	ssyncset.done $0x0  }
0x7c: {  	s10 =	sadd.s32 $0x1000, s10;
	[sflag:s13] =	ssyncadd.s32 $0xFFFFFC00  }
0x7d: {  	[tilespmem:s14], [sflag:$0x2] =	stream.linear.gather [hbm4b:s10+s1], $0x400, $0x38;
	[tilespmem:$0x4800] =	vst v63  }
0x7e: {  	_ =	swait.ge [sflag:s13], $0x400  }
0x7f: {  	[sflag:s13] =	ssyncset.done $0x0  }
0x80: {  	[sflag:s13] =	ssyncadd.s32 $0xFFFFFC00  }
0x81: {  	[tilespmem:s16], [sflag:$0x1] =	stream.indirect.gather [hbm4b:s3+s15], $0x10, s1, s15, $0xb8;
	[tilespmem:$0x4800] =	vst v63  }
0x82: {  	_ = 	snop  }
0x83: {  	[tilespmem:s17], [sflag:$0x1] =	stream.indirect.gather [hbm4b:s3+s15], $0x10, s15, s15, $0xb8;
	[tilespmem:$0x4800] =	vst v63  }
0x84: {  	s12 =	rddreg [dreg:$0x3]  }
0x85: {  	[tilespmem:s18], [sflag:$0x1] =	stream.indirect.gather [hbm4b:s3+s15], $0x10, s12, s15, $0xb8;
	[tilespmem:$0x4800] =	vst v63  }
0x86: {  	s9 =	rddreg [dreg:$0x4]  }
0x87: {  	[tilespmem:s19], [sflag:$0x1] =	stream.indirect.gather [hbm4b:s3+s15], $0x10, s9, s15, $0xb8;
	[tilespmem:$0x4800] =	vst v63  }
0x88: {  	s6 =	rddreg [dreg:$0x5]  }
0x89: {  	[tilespmem:s20], [sflag:$0x1] =	stream.indirect.gather [hbm4b:s3+s15], $0x10, s6, s15, $0xb8;
	[tilespmem:$0x4800] =	vst v63  }
0x8a: {  	s5 =	rddreg [dreg:$0x6]  }
0x8b: {  	[tilespmem:s21], [sflag:$0x1] =	stream.indirect.gather [hbm4b:s3+s15], $0x10, s5, s15, $0xb8;
	[tilespmem:$0x4800] =	vst v63  }
0x8c: {  	s6 =	rddreg [dreg:$0x7]  }
0x8d: {  	[tilespmem:s22], [sflag:$0x1] =	stream.indirect.gather [hbm4b:s3+s15], $0x10, s6, s15, $0xb8;
	[tilespmem:$0x4800] =	vst v63  }
0x8e: {  	_ = 	snop  }
0x8f: {  	[tilespmem:s24], [sflag:$0x1] =	stream.indirect.gather [hbm4b:s3+s15], $0x10, s23, s15, $0xb8;
	[tilespmem:$0x4800] =	vst v63  }
0x90: {  	_ =	swait.ge [sflag:s25], $0x800  }
0x91: {  	[sflag:s25] =	ssyncset.done $0x0  }
0x92: {  	[sflag:s25] =	ssyncadd.s32 $0xFFFFF800  }
0x93: {  	_ =	swait.ge [sflag:s25], $0x800  }
0x94: {  	[sflag:s25] =	ssyncset.done $0x0  }
0x95: {  	[sflag:s25] =	ssyncadd.s32 $0xFFFFF800  }
0x96: {  	_ =	swait.ge [sflag:s25], $0x800  }
0x97: {  	[sflag:s25] =	ssyncset.done $0x0  }
0x98: {  	[sflag:s25] =	ssyncadd.s32 $0xFFFFF800  }
0x99: {  	_ =	swait.ge [sflag:s25], $0x800  }
0x9a: {  	[sflag:s25] =	ssyncset.done $0x0  }
0x9b: {  	[sflag:s25] =	ssyncadd.s32 $0xFFFFF800  }
0x9c: {  	_ =	swait.ge [sflag:s25], $0x800  }
0x9d: {  	[sflag:s25] =	ssyncset.done $0x0  }
0x9e: {  	[sflag:s25] =	ssyncadd.s32 $0xFFFFF800  }
0x9f: {  	_ =	swait.ge [sflag:s25], $0x800  }
0xa0: {  	[sflag:s25] =	ssyncset.done $0x0  }
0xa1: {  	[sflag:s25] =	ssyncadd.s32 $0xFFFFF800  }
0xa2: {  	_ =	swait.ge [sflag:s25], $0x800  }
0xa3: {  	[sflag:s25] =	ssyncset.done $0x0  }
0xa4: {  	[sflag:s25] =	ssyncadd.s32 $0xFFFFF800  }
0xa5: {  	_ =	swait.ge [sflag:s25], $0x800  }
0xa6: {  	[sflag:s25] =	ssyncset.done $0x0  }
0xa7: {  	[sflag:s25] =	ssyncadd.s32 $0xFFFFF800  }
0xa8: {  	[tilespmem:s16], [sflag:$0x1] =	stream.indirect.gather.add.f32 [hbm:s4], $0x10, s14, s15, $0xb8;
	[tilespmem:$0x4800] =	vst v63  }
0xa9: {  	_ = 	snop  }
0xaa: {  	[tilespmem:s17], [sflag:$0x1] =	stream.indirect.gather.add.f32 [hbm:s4], $0x10, s26, s15, $0xb8;
	[tilespmem:$0x4800] =	vst v63  }
0xab: {  	_ = 	snop  }
0xac: {  	[tilespmem:s18], [sflag:$0x1] =	stream.indirect.gather.add.f32 [hbm:s4], $0x10, s28, s15, $0xb8;
	[tilespmem:$0x4800] =	vst v63  }
0xad: {  	_ = 	snop  }
0xae: {  	[tilespmem:s19], [sflag:$0x1] =	stream.indirect.gather.add.f32 [hbm:s4], $0x10, s29, s15, $0xb8;
	[tilespmem:$0x4800] =	vst v63  }
0xaf: {  	_ = 	snop  }
0xb0: {  	[tilespmem:s20], [sflag:$0x1] =	stream.indirect.gather.add.f32 [hbm:s4], $0x10, s30, s15, $0xb8;
	[tilespmem:$0x4800] =	vst v63  }
0xb1: {  	_ = 	snop  }
0xb2: {  	[tilespmem:s21], [sflag:$0x1] =	stream.indirect.gather.add.f32 [hbm:s4], $0x10, s31, s15, $0xb8;
	[tilespmem:$0x4800] =	vst v63  }
0xb3: {  	_ = 	snop  }
0xb4: {  	[tilespmem:s22], [sflag:$0x1] =	stream.indirect.gather.add.f32 [hbm:s4], $0x10, s0, s15, $0xb8;
	[tilespmem:$0x4800] =	vst v63  }
0xb5: {  	_ = 	snop  }
0xb6: {  	[tilespmem:s24], [sflag:$0x1] =	stream.indirect.gather.add.f32 [hbm:s4], $0x10, s2, s15, $0xb8;
	[tilespmem:$0x4800] =	vst v63  }
0xb7: {  	_ =	swait.ge [sflag:s25], $0x800  }
0xb8: {  	[sflag:s25] =	ssyncset.done $0x0  }
0xb9: {  	[sflag:s25] =	ssyncadd.s32 $0xFFFFF800  }
0xba: {  	_ =	swait.ge [sflag:s25], $0x800  }
0xbb: {  	[sflag:s25] =	ssyncset.done $0x0  }
0xbc: {  	[sflag:s25] =	ssyncadd.s32 $0xFFFFF800  }
0xbd: {  	_ =	swait.ge [sflag:s25], $0x800  }
0xbe: {  	[sflag:s25] =	ssyncset.done $0x0  }
0xbf: {  	[sflag:s25] =	ssyncadd.s32 $0xFFFFF800  }
0xc0: {  	_ =	swait.ge [sflag:s25], $0x800  }
0xc1: {  	[sflag:s25] =	ssyncset.done $0x0  }
0xc2: {  	[sflag:s25] =	ssyncadd.s32 $0xFFFFF800  }
0xc3: {  	_ =	swait.ge [sflag:s25], $0x800  }
0xc4: {  	[sflag:s25] =	ssyncset.done $0x0  }
0xc5: {  	[sflag:s25] =	ssyncadd.s32 $0xFFFFF800  }
0xc6: {  	_ =	swait.ge [sflag:s25], $0x800  }
0xc7: {  	[sflag:s25] =	ssyncset.done $0x0  }
0xc8: {  	[sflag:s25] =	ssyncadd.s32 $0xFFFFF800  }
0xc9: {  	_ =	swait.ge [sflag:s25], $0x800  }
0xca: {  	[sflag:s25] =	ssyncset.done $0x0  }
0xcb: {  	[sflag:s25] =	ssyncadd.s32 $0xFFFFF800  }
0xcc: {  	p1 =	sne.s32 s7, $0x1;
	_ =	swait.ge [sflag:s25], $0x800  }
.Ltmp1:
0xcd: {  	[sflag:s25] =	ssyncset.done $0x0;
	(pc) =	sbr.rel @p1 .LBB2_2-.Ltmp1, $4  }
0xce: {  	[sflag:s25] =	ssyncadd.s32 $0xFFFFF800  }
0xcf: {  	[hbm4b:s8+s1] =	stream.linear.scatter [tilespmem:s16], [sflag:$0x2], $0x4000, $0x38;
	[tilespmem:$0x4800] =	vst v63  }
0xd0: {  	_ =	swait.ge [sflag:s13], $0x4000  }
0xd1: {  	s7 =	sadd.s32 $0xFFFFFFFF, s7;
	s8 =	sadd.s32 $0x10000, s8;
	[sflag:s13] =	ssyncset.done $0x0  }
.LBB2_3:
0xd2: {  	[sflag:s13] =	ssyncadd.s32 $0xFFFFC000  }
0xd3: {  	s9 =	simm.s32 @!p0 $0x0;
	s5 =	rddreg [dreg:$0x9];
	s8 =	simm.s32 @!p0 $0x2  }
0xd4: {  	[tilespmem:s9], [sflag:$0x2] =	stream.linear.gather @!p0 [hbm4b:s5+s9], $0x200, $0x38;
	[tilespmem:$0x4800] =	vst v63  }
0xd5: {  	_ =	swait.ge @!p0 [sflag:s8], $0x200  }
0xd6: {  	[sflag:s8] =	ssyncset.done @!p0 $0x0  }
0xd7: {  	s6 =	simm.s32 @!p0 $0x400;
	s5 =	rddreg [dreg:$0xa];
	[sflag:s8] =	ssyncadd.s32 @!p0 $0xFFFFFE00  }
0xd8: {  	[tilespmem:s6], [sflag:$0x2] =	stream.linear.gather @!p0 [hbm4b:s5+s9], $0x200, $0x38;
	[tilespmem:$0x4800] =	vst v63  }
0xd9: {  	_ =	swait.ge @!p0 [sflag:s8], $0x200  }
0xda: {  	[sflag:s8] =	ssyncset.done @!p0 $0x0  }
0xdb: {  	s10 =	simm.s32 @!p0 $0x80;
	s5 =	simm.s32 @!p0 $0x800;
	[sflag:s8] =	ssyncadd.s32 @!p0 $0xFFFFFE00  }
0xdc: {  	[tilespmem:s5], [sflag:$0x1] =	stream.indirect.gather @!p0 [hbm4b:s3+s10], $0x10, s9, s10, $0xb8;
	[tilespmem:$0x4800] =	vst v63  }
0xdd: {  	s5 =	simm.s32 @!p0 $0x1000  }
0xde: {  	[tilespmem:s5], [sflag:$0x1] =	stream.indirect.gather @!p0 [hbm4b:s3+s10], $0x10, s10, s10, $0xb8;
	[tilespmem:$0x4800] =	vst v63  }
0xdf: {  	s7 =	simm.s32 @!p0 $0x1800;
	s5 =	simm.s32 @!p0 $0x100  }
0xe0: {  	[tilespmem:s7], [sflag:$0x1] =	stream.indirect.gather @!p0 [hbm4b:s3+s10], $0x10, s5, s10, $0xb8;
	[tilespmem:$0x4800] =	vst v63  }
0xe1: {  	s6 =	simm.s32 @!p0 $0x2000;
	s5 =	simm.s32 @!p0 $0x180  }
0xe2: {  	[tilespmem:s6], [sflag:$0x1] =	stream.indirect.gather @!p0 [hbm4b:s3+s10], $0x10, s5, s10, $0xb8;
	[tilespmem:$0x4800] =	vst v63  }
0xe3: {  	s5 =	simm.s32 @!p0 $0x1  }
0xe4: {  	_ =	swait.ge @!p0 [sflag:s5], $0x800  }
0xe5: {  	[sflag:s5] =	ssyncset.done @!p0 $0x0  }
0xe6: {  	[sflag:s5] =	ssyncadd.s32 @!p0 $0xFFFFF800  }
0xe7: {  	_ =	swait.ge @!p0 [sflag:s5], $0x800  }
0xe8: {  	[sflag:s5] =	ssyncset.done @!p0 $0x0  }
0xe9: {  	[sflag:s5] =	ssyncadd.s32 @!p0 $0xFFFFF800  }
0xea: {  	_ =	swait.ge @!p0 [sflag:s5], $0x800  }
0xeb: {  	[sflag:s5] =	ssyncset.done @!p0 $0x0  }
0xec: {  	[sflag:s5] =	ssyncadd.s32 @!p0 $0xFFFFF800  }
0xed: {  	_ =	swait.ge @!p0 [sflag:s5], $0x800  }
0xee: {  	[sflag:s5] =	ssyncset.done @!p0 $0x0  }
0xef: {  	s11 =	simm.s32 @!p0 $0x400;
	s12 =	simm.s32 @!p0 $0x800;
	[sflag:s5] =	ssyncadd.s32 @!p0 $0xFFFFF800  }
0xf0: {  	[tilespmem:s12], [sflag:$0x1] =	stream.indirect.gather.add.f32 @!p0 [hbm:s4], $0x10, s11, s10, $0xb8;
	[tilespmem:$0x4800] =	vst v63  }
0xf1: {  	s11 =	simm.s32 @!p0 $0x480;
	s12 =	simm.s32 @!p0 $0x1000  }
0xf2: {  	[tilespmem:s12], [sflag:$0x1] =	stream.indirect.gather.add.f32 @!p0 [hbm:s4], $0x10, s11, s10, $0xb8;
	[tilespmem:$0x4800] =	vst v63  }
0xf3: {  	s11 =	simm.s32 @!p0 $0x500  }
0xf4: {  	[tilespmem:s7], [sflag:$0x1] =	stream.indirect.gather.add.f32 @!p0 [hbm:s4], $0x10, s11, s10, $0xb8;
	[tilespmem:$0x4800] =	vst v63  }
0xf5: {  	s7 =	simm.s32 @!p0 $0x580  }
0xf6: {  	[tilespmem:s6], [sflag:$0x1] =	stream.indirect.gather.add.f32 @!p0 [hbm:s4], $0x10, s7, s10, $0xb8;
	[tilespmem:$0x4800] =	vst v63  }
0xf7: {  	_ =	swait.ge @!p0 [sflag:s5], $0x800  }
0xf8: {  	[sflag:s5] =	ssyncset.done @!p0 $0x0  }
0xf9: {  	[sflag:s5] =	ssyncadd.s32 @!p0 $0xFFFFF800  }
0xfa: {  	_ =	swait.ge @!p0 [sflag:s5], $0x800  }
0xfb: {  	[sflag:s5] =	ssyncset.done @!p0 $0x0  }
0xfc: {  	[sflag:s5] =	ssyncadd.s32 @!p0 $0xFFFFF800  }
0xfd: {  	_ =	swait.ge @!p0 [sflag:s5], $0x800  }
0xfe: {  	[sflag:s5] =	ssyncset.done @!p0 $0x0  }
0xff: {  	[sflag:s5] =	ssyncadd.s32 @!p0 $0xFFFFF800  }
0x100: {  	_ =	swait.ge @!p0 [sflag:s5], $0x800  }
0x101: {  	[sflag:s5] =	ssyncset.done @!p0 $0x0  }
0x102: {  	s6 =	simm.s32 @!p0 $0x800;
	[sflag:s5] =	ssyncadd.s32 @!p0 $0xFFFFF800;
	s5 =	rddreg [dreg:$0xb]  }
0x103: {  	[hbm4b:s5+s9] =	stream.linear.scatter @!p0 [tilespmem:s6], [sflag:$0x2], $0x2000, $0x38;
	[tilespmem:$0x4800] =	vst v63  }
0x104: {  	_ =	swait.ge @!p0 [sflag:s8], $0x2000  }
0x105: {  	s11 =	rddreg [dreg:$0x10]  }
0x106: {  	s12 =	rddreg [dreg:$0xc];
	s6 =	sadd.s32 $0x1, s11  }
0x107: {  	p1 =	sne.s32 s6, s12  }
.Ltmp2:
0x108: {  	_ = 	snop;
	(pc) =	sbr.rel @p1 .LBB2_1-.Ltmp2, $3  }
0x109: {  	_ =	sdelay $0x1  }
0x10a: {  	[sflag:s8] =	ssyncset.done @!p0 $0x0  }
0x10b: {  	[sflag:s8] =	ssyncadd.s32 @!p0 $0xFFFFE000  }
0x10c: {  	_ =	sfence.sel $0x180000  }
0x10d: {  	[bflag:$0x0] =	sbarrier.arrive $0xFFFF  }
0x10e: {  	_ =	strace $0x90000047  }
0x10f: {  	s0 =	stileid.u32;
	[bflag:$0x2] =	sbarrier.arrive $0xFFFF  }
0x110: {  	p0 =	sne.s32 s0, $0x0;
	s0 =	rddreg [dreg:$0x2]  }
0x111: {  	s0 =	sadd.s32 @!p0 $0x100000, s0  }
0x112: {  	[sflag:s0] =	ssyncadd.tile.s32 @!p0 $0x1;
	_ =	shalt  }
.Lfunc_end2:
_tile_overlayer_lowered:
.L_overlay_start_2:
0x113: {  	(tag) =	ssettag $0x2  }
0x114: {  	s0 =	rddreg [dreg:$0x0];
	s2 =	stileid.u32  }
0x115: {  	s1 =	rddreg [dreg:$0x1];
	p0 =	sne.s32 s2, $0x0  }
0x116: {  	s3 =	rddreg [dreg:$0x2];
	[bflag:$0x3] =	sbarrier.arrive $0xFFFF;
	s2 =	simm.s32 @!p0 $0x1C02  }
0x117: {  	[timem:s3], [sflag:s2] =	dma.local @!p0 [hbm:s0], s1  }
0x118: {  	s0 =	simm.s32 @!p0 $0x2  }
0x119: {  	_ =	swait.ge @!p0 [sflag:s0], s1  }
0x11a: {  	s1 =	ssub.s32 @!p0 $0x0, s1;
	[sflag:s0] =	ssyncset.done @!p0 $0x0  }
0x11b: {  	[sflag:s0] =	ssyncadd.s32 @!p0 s1  }
0x11c: {  	[bflag:$0x3] =	sbarrier.arrive $0xFFFF  }
0x11d: {  	_ =	shalt  }

</sc_bundles>
